<compile_context>
chip_gen: v7x
topology: tpu7x:2x2x1
jax: 0.10.2.dev20260603
libtpu: 0.0.44.dev20260713+nightly
codegen_flags: <defaults>
</compile_context>

<pallas_src>
import functools

import jax
import jax.numpy as jnp
from jax import lax
from jax.experimental import pallas as pl
from jax.experimental.pallas import tpu as pltpu
from jax.experimental.pallas import tpu_sc as plsc

N_NODES = 100000
N_EDGES = 1600000

NCORES = 2
NSUB = 16
NWORK = NCORES * NSUB

NPAD = 100352
R = NPAD // 128
STRIPE = NPAD // NSUB

CH = 2000
OUTER = 25
EDGES_PER_WORKER = CH * OUTER
assert NWORK * EDGES_PER_WORKER == N_EDGES



def _sc_mesh():
    return plsc.VectorSubcoreMesh(core_axis_name="c", subcore_axis_name="s")


def _sc_agg(edge_flat, ys, zeros1, ones_h, with_deg):
    nf = len(ys)
    nout = nf + (1 if with_deg else 0)
    out_t = [jax.ShapeDtypeStruct((NCORES * NPAD,), jnp.float32)] * nout
    scratch = (
        [pltpu.VMEM((CH,), jnp.int32)] * 2
        + [pltpu.VMEM((CH,), jnp.float32) for _ in range(nf)]
        + [pltpu.VMEM((CH,), jnp.float32)]
        + [pltpu.VMEM((STRIPE,), jnp.float32)]
        + [pltpu.VMEM_SHARED((NPAD,), jnp.float32) for _ in range(nf + nout)]
    )

    @functools.partial(
        pl.kernel,
        mesh=_sc_mesh(),
        out_type=out_t,
        scratch_types=scratch,
    )
    def k(edge_hbm, *rest):
        y_hbm = rest[:nf]
        z_hbm = rest[nf]
        ones_hbm = rest[nf + 1]
        outs = rest[nf + 2:nf + 2 + nout]
        rowv, colv = rest[nf + 2 + nout:nf + 4 + nout]
        gbufs = rest[nf + 4 + nout:nf + 4 + nout + nf]
        onesv = rest[nf + 4 + nout + nf]
        stripev = rest[nf + 5 + nout + nf]
        ysp = rest[nf + 6 + nout + nf:nf + 6 + nout + 2 * nf]
        accs = rest[nf + 6 + nout + 2 * nf:]

        cid = lax.axis_index("c")
        sid = lax.axis_index("s")
        t0 = sid * STRIPE
        sl = pl.ds(t0, STRIPE)
        pltpu.sync_copy(z_hbm.at[sl], stripev)
        for a in accs:
            pltpu.sync_copy(stripev, a.at[sl])
        for yh, yp in zip(y_hbm, ysp):
            pltpu.sync_copy(yh.at[sl], stripev)
            pltpu.sync_copy(stripev, yp.at[sl])
        if with_deg:
            pltpu.sync_copy(ones_hbm, onesv)
        plsc.subcore_barrier()

        wid = cid * NSUB + sid

        def body(b, carry):
            e0 = (b * NWORK + wid) * CH
            if nf:
                pltpu.sync_copy(edge_hbm.at[pl.ds(e0, CH)], rowv)
            pltpu.sync_copy(edge_hbm.at[pl.ds(N_EDGES + e0, CH)], colv)
            for f in range(nf):
                pltpu.sync_copy(ysp[f].at[rowv], gbufs[f])
                pltpu.sync_copy(gbufs[f], accs[f].at[colv], add=True)
            if with_deg:
                pltpu.sync_copy(onesv, accs[nf].at[colv], add=True)
            return carry

        lax.fori_loop(0, OUTER, body, 0)
        plsc.subcore_barrier()
        for a, o in zip(accs, outs):
            pltpu.sync_copy(a.at[sl], stripev)
            pltpu.sync_copy(stripev, o.at[pl.ds(cid * NPAD + t0, STRIPE)])

    outs = k(edge_flat, *ys, zeros1, ones_h)
    return outs if isinstance(outs, (list, tuple)) else [outs]



def _tc1(degp, x0, x1):

    def body(degp_ref, x0_ref, x1_ref, dis_ref, y0_ref, y1_ref):
        deg = degp_ref[0] + degp_ref[1]
        r = lax.rsqrt(jnp.maximum(deg, 1.0))
        r = r * (1.5 - 0.5 * deg * r * r)
        dis = jnp.where(deg > 0, r, 0.0)
        dis_ref[...] = dis
        y0_ref[...] = dis * x0_ref[...]
        y1_ref[...] = dis * x1_ref[...]

    s = jax.ShapeDtypeStruct((R, 128), jnp.float32)
    return pl.pallas_call(body, out_shape=[s, s, s])(degp, x0, x1)


def _tc2(s10, s11, dis, W1, b1, W2):

    def body(s10_ref, s11_ref, dis_ref, w1_ref, b1_ref, w2_ref, y2_ref):
        dis = dis_ref[...]
        a0 = (s10_ref[0] + s10_ref[1]) * dis
        a1 = (s11_ref[0] + s11_ref[1]) * dis
        w1 = w1_ref[...]
        b1 = b1_ref[...]
        w2 = w2_ref[...]
        v = jnp.zeros_like(a0)
        for k in range(64):
            h = jnp.maximum(a0 * w1[0, k] + a1 * w1[1, k] + b1[k], 0.0)
            v = v + h * w2[k, 0]
        y2_ref[...] = dis * v

    RB = R // 7

    return pl.pallas_call(
        body,
        grid=(7,),
        in_specs=[
            pl.BlockSpec((NCORES, RB, 128), lambda i: (0, i, 0)),
            pl.BlockSpec((NCORES, RB, 128), lambda i: (0, i, 0)),
            pl.BlockSpec((RB, 128), lambda i: (i, 0)),
            pl.BlockSpec((2, 64), lambda i: (0, 0)),
            pl.BlockSpec((64,), lambda i: (0,)),
            pl.BlockSpec((64, 1), lambda i: (0, 0)),
        ],
        out_specs=pl.BlockSpec((RB, 128), lambda i: (i, 0)),
        out_shape=jax.ShapeDtypeStruct((R, 128), jnp.float32),
    )(s10, s11, dis, W1, b1, W2)


def _tc3(s2p, dis, b2):

    def body(s2p_ref, dis_ref, b2_ref, out_ref):
        s2 = s2p_ref[0] + s2p_ref[1]
        out_ref[...] = jnp.maximum(dis_ref[...] * s2 + b2_ref[0], 0.0)

    return pl.pallas_call(
        body, out_shape=jax.ShapeDtypeStruct((R, 128), jnp.float32),
    )(s2p, dis, b2)



def kernel(x, edge_index, W1, b1, W2, b2):
    edge_flat = edge_index.reshape(2 * N_EDGES)
    xpad = jnp.zeros((NPAD, 2), jnp.float32).at[:N_NODES].set(x)
    x0 = xpad[:, 0].reshape(R, 128)
    x1 = xpad[:, 1].reshape(R, 128)
    z1 = jnp.zeros((NPAD,), jnp.float32)
    ones_h = jnp.ones((CH,), jnp.float32)

    (degp,) = _sc_agg(edge_flat, [], z1, ones_h, True)
    dis, y0, y1 = _tc1(degp.reshape(NCORES, R, 128), x0, x1)
    s10, s11 = _sc_agg(edge_flat, [y0.reshape(NPAD), y1.reshape(NPAD)],
                       z1, ones_h, False)
    y2 = _tc2(s10.reshape(NCORES, R, 128), s11.reshape(NCORES, R, 128),
              dis, W1, b1, W2)
    (s2p,) = _sc_agg(edge_flat, [y2.reshape(NPAD)], z1, ones_h, False)
    out = _tc3(s2p.reshape(NCORES, R, 128), dis, b2)
    return out.reshape(NPAD)[:N_NODES, None]

# --- scband reference (transcript-rebuilt; emitter-appended) ---
"""Pipeline reference for scband-my-gcn-2027224564199 (READ-ONLY COPY).

The authoritative reference and input builder live on the scoring server;
editing this copy changes nothing except your own understanding.
"""

import jax, jax.numpy as jnp
import numpy as np

N_NODES = 100000
N_EDGES = 1600000


def _gcn_conv(x, row, col, W, b):
    # PyG GCNConv with normalize=True, add_self_loops=False:
    #   h = x @ W
    #   deg[i] = in-degree at dst (col) with unit edge weights
    #   norm = deg^-1/2[row] * deg^-1/2[col]
    #   out = scatter_add(norm * h[row], col) + bias
    h = x @ W
    ones = jnp.ones((row.shape[0],), dtype=x.dtype)
    deg = jax.ops.segment_sum(ones, col, num_segments=N_NODES)
    deg_inv_sqrt = jnp.where(deg > 0, deg ** -0.5, 0.0)
    norm = deg_inv_sqrt[row] * deg_inv_sqrt[col]
    msg = h[row] * norm[:, None]
    out = jax.ops.segment_sum(msg, col, num_segments=N_NODES)
    return out + b


def setup_inputs(seed: int = 0) -> dict:
    key = jax.random.key(seed)
    k1, k2, k3, k4, k5, k6 = jax.random.split(key, 6)
    x = jax.random.normal(k1, (N_NODES, 2), dtype=jnp.float32)
    # int32 used so the module runs without jax x64 mode; values in [0, N_NODES)
    edge_index = jax.random.randint(k2, (2, N_EDGES), 0, N_NODES, dtype=jnp.int32)
    # learned params: GCNConv(2, 64) and GCNConv(64, 1), glorot-ish init
    W1 = jax.random.normal(k3, (2, 64), dtype=jnp.float32) * (2.0 / (2 + 64)) ** 0.5
    b1 = jnp.zeros((64,), dtype=jnp.float32)
    W2 = jax.random.normal(k4, (64, 1), dtype=jnp.float32) * (2.0 / (64 + 1)) ** 0.5
    b2 = jnp.zeros((1,), dtype=jnp.float32)
    return {"x": x, "edge_index": edge_index, "W1": W1, "b1": b1, "W2": W2, "b2": b2}


def reference(x, edge_index, W1, b1, W2, b2):
    # eval-mode forward: F.dropout(training=False) is identity
    row = edge_index[0]
    col = edge_index[1]
    h = _gcn_conv(x, row, col, W1, b1)
    h = jax.nn.relu(h)
    h = _gcn_conv(h, row, col, W2, b2)
    h = jax.nn.relu(h)
    return h

if __name__ == "__main__":
    import jax
    _d = setup_inputs()
    print(jax.jit(kernel)(*tuple(_d.values())))

</pallas_src>

<mosaic_0001>
#map = affine_map<(d0, d1) -> (0)>
module attributes {stable_mosaic.version = 14 : i64} {
  func.func @k(%arg0: i32, %arg1: i32, %arg2: memref<3200000xi32, #tpu.memory_space<hbm>>, %arg3: memref<100352xf32, #tpu.memory_space<hbm>>, %arg4: memref<2000xf32, #tpu.memory_space<hbm>>, %arg5: memref<200704xf32, #tpu.memory_space<hbm>>, %arg6: memref<2000xi32, #tpu.memory_space<vmem>>, %arg7: memref<2000xi32, #tpu.memory_space<vmem>>, %arg8: memref<2000xf32, #tpu.memory_space<vmem>>, %arg9: memref<6272xf32, #tpu.memory_space<vmem>>, %arg10: memref<100352xf32, #tpu.memory_space<vmem_shared>>) attributes {dimension_semantics = [#tpu.dimension_semantics<core_parallel>, #tpu.dimension_semantics<subcore_parallel>], iteration_bounds = array<i64: 2, 16>, scalar_prefetch = 0 : i64, scratch_operands = 5 : i64, tpu.core_type = #tpu.core_type<sc_vector_subcore>, window_params = [{transform_indices = #map}, {transform_indices = #map}, {transform_indices = #map}, {transform_indices = #map}]} {
    %mul3A = arith.constant 6272 : i32
    %mul3A_0 = arith.muli %arg1, %mul3A : i32
    "tpu.region"() ({
      %run_scoped3A = tpu.sem_alloc : memref<!tpu.dma_semaphore, #tpu.memory_space<semaphore_mem>>
      %dma_start3A = tpu.memref_slice %arg3[%mul3A_0] : memref<100352xf32, #tpu.memory_space<hbm>> -> memref<6272xf32, #tpu.memory_space<hbm>>
      %dma_start3A_12 = tpu.memref_slice %arg3[%mul3A_0] : memref<100352xf32, #tpu.memory_space<hbm>> -> memref<6272xf32, #tpu.memory_space<hbm>>
      tpu.enqueue_dma source(%dma_start3A_12 : memref<6272xf32, #tpu.memory_space<hbm>>) target(%arg9 : memref<6272xf32, #tpu.memory_space<vmem>>) target_semaphore(%run_scoped3A : memref<!tpu.dma_semaphore, #tpu.memory_space<semaphore_mem>>)
      %dma_wait3A = tpu.memref_slice %arg3[%mul3A_0] : memref<100352xf32, #tpu.memory_space<hbm>> -> memref<6272xf32, #tpu.memory_space<hbm>>
      %dma_wait3A_13 = tpu.memref_slice %arg3[%mul3A_0] : memref<100352xf32, #tpu.memory_space<hbm>> -> memref<6272xf32, #tpu.memory_space<hbm>>
      tpu.wait_dma2 semaphore(%run_scoped3A : memref<!tpu.dma_semaphore, #tpu.memory_space<semaphore_mem>>) src(%dma_wait3A_13 : memref<6272xf32, #tpu.memory_space<hbm>>) dst(%arg9 : memref<6272xf32, #tpu.memory_space<vmem>>)
      tpu.yield
    }) : () -> ()
    "tpu.region"() ({
      %run_scoped3A = tpu.sem_alloc : memref<!tpu.dma_semaphore, #tpu.memory_space<semaphore_mem>>
      %dma_start3A = tpu.memref_slice %arg10[%mul3A_0] : memref<100352xf32, #tpu.memory_space<vmem_shared>> -> memref<6272xf32, #tpu.memory_space<vmem_shared>>
      %dma_start3A_12 = tpu.memref_slice %arg10[%mul3A_0] : memref<100352xf32, #tpu.memory_space<vmem_shared>> -> memref<6272xf32, #tpu.memory_space<vmem_shared>>
      tpu.enqueue_dma source(%arg9 : memref<6272xf32, #tpu.memory_space<vmem>>) target(%dma_start3A_12 : memref<6272xf32, #tpu.memory_space<vmem_shared>>) target_semaphore(%run_scoped3A : memref<!tpu.dma_semaphore, #tpu.memory_space<semaphore_mem>>)
      %dma_wait3A = tpu.memref_slice %arg10[%mul3A_0] : memref<100352xf32, #tpu.memory_space<vmem_shared>> -> memref<6272xf32, #tpu.memory_space<vmem_shared>>
      %dma_wait3A_13 = tpu.memref_slice %arg10[%mul3A_0] : memref<100352xf32, #tpu.memory_space<vmem_shared>> -> memref<6272xf32, #tpu.memory_space<vmem_shared>>
      tpu.wait_dma2 semaphore(%run_scoped3A : memref<!tpu.dma_semaphore, #tpu.memory_space<semaphore_mem>>) src(%arg9 : memref<6272xf32, #tpu.memory_space<vmem>>) dst(%dma_wait3A_13 : memref<6272xf32, #tpu.memory_space<vmem_shared>>)
      tpu.yield
    }) : () -> ()
    "tpu.region"() ({
      %run_scoped3A = tpu.sem_alloc : memref<!tpu.dma_semaphore, #tpu.memory_space<semaphore_mem>>
      tpu.enqueue_dma source(%arg4 : memref<2000xf32, #tpu.memory_space<hbm>>) target(%arg8 : memref<2000xf32, #tpu.memory_space<vmem>>) target_semaphore(%run_scoped3A : memref<!tpu.dma_semaphore, #tpu.memory_space<semaphore_mem>>)
      tpu.wait_dma2 semaphore(%run_scoped3A : memref<!tpu.dma_semaphore, #tpu.memory_space<semaphore_mem>>) src(%arg4 : memref<2000xf32, #tpu.memory_space<hbm>>) dst(%arg8 : memref<2000xf32, #tpu.memory_space<vmem>>)
      tpu.yield
    }) : () -> ()
    %barrier3A = arith.constant 0 : index
    tpu.barrier barrier_id(%barrier3A)
    %mul3A_1 = arith.constant 16 : i32
    %mul3A_2 = arith.muli %arg0, %mul3A_1 : i32
    %add3A = arith.addi %mul3A_2, %arg1 : i32
    %scan3A = arith.constant 0 : i32
    %scan3A_3 = arith.constant 0 : i32
    %scan3A_4 = arith.constant 25 : i32
    %scan3A_5 = arith.addi %scan3A_3, %scan3A_4 : i32
    %scan3A_6 = arith.constant 1 : i32
    scf.for %scan3A_12 = %scan3A_3 to %scan3A_5 step %scan3A_6  : i32 {
      %mul3A_13 = arith.constant 32 : i32
      %mul3A_14 = arith.muli %scan3A_12, %mul3A_13 : i32
      %add3A_15 = arith.addi %mul3A_14, %add3A : i32
      %mul3A_16 = arith.constant 2000 : i32
      %mul3A_17 = arith.muli %add3A_15, %mul3A_16 : i32
      %add3A_18 = arith.constant 1600000 : i32
      %add3A_19 = arith.addi %add3A_18, %mul3A_17 : i32
      "tpu.region"() ({
        %run_scoped3A = tpu.sem_alloc : memref<!tpu.dma_semaphore, #tpu.memory_space<semaphore_mem>>
        %dma_start3A = tpu.memref_slice %arg2[%add3A_19] : memref<3200000xi32, #tpu.memory_space<hbm>> -> memref<2000xi32, #tpu.memory_space<hbm>>
        %dma_start3A_20 = tpu.memref_slice %arg2[%add3A_19] : memref<3200000xi32, #tpu.memory_space<hbm>> -> memref<2000xi32, #tpu.memory_space<hbm>>
        tpu.enqueue_dma source(%dma_start3A_20 : memref<2000xi32, #tpu.memory_space<hbm>>) target(%arg7 : memref<2000xi32, #tpu.memory_space<vmem>>) target_semaphore(%run_scoped3A : memref<!tpu.dma_semaphore, #tpu.memory_space<semaphore_mem>>)
        %dma_wait3A = tpu.memref_slice %arg2[%add3A_19] : memref<3200000xi32, #tpu.memory_space<hbm>> -> memref<2000xi32, #tpu.memory_space<hbm>>
        %dma_wait3A_21 = tpu.memref_slice %arg2[%add3A_19] : memref<3200000xi32, #tpu.memory_space<hbm>> -> memref<2000xi32, #tpu.memory_space<hbm>>
        tpu.wait_dma2 semaphore(%run_scoped3A : memref<!tpu.dma_semaphore, #tpu.memory_space<semaphore_mem>>) src(%dma_wait3A_21 : memref<2000xi32, #tpu.memory_space<hbm>>) dst(%arg7 : memref<2000xi32, #tpu.memory_space<vmem>>)
        tpu.yield
      }) : () -> ()
      "tpu.region"() ({
        %run_scoped3A = tpu.sem_alloc : memref<!tpu.dma_semaphore, #tpu.memory_space<semaphore_mem>>
        %dma_start3A = arith.constant 0 : i32
        %dma_start3A_20 = tpu.memref_slice %arg10[%dma_start3A] : memref<100352xf32, #tpu.memory_space<vmem_shared>> -> memref<100352xf32, #tpu.memory_space<vmem_shared>>
        tpu.enqueue_indirect_dma source(%arg8 : memref<2000xf32, #tpu.memory_space<vmem>>) target(%dma_start3A_20 : memref<100352xf32, #tpu.memory_space<vmem_shared>>) offsets(%arg7 : memref<2000xi32, #tpu.memory_space<vmem>>) semaphore(%run_scoped3A : memref<!tpu.dma_semaphore, #tpu.memory_space<semaphore_mem>>) {add = true}
        %dma_wait3A = arith.constant 0 : i32
        %dma_wait3A_21 = tpu.memref_slice %arg10[%dma_wait3A] : memref<100352xf32, #tpu.memory_space<vmem_shared>> -> memref<100352xf32, #tpu.memory_space<vmem_shared>>
        tpu.wait_indirect_dma semaphore(%run_scoped3A : memref<!tpu.dma_semaphore, #tpu.memory_space<semaphore_mem>>) src(%arg8 : memref<2000xf32, #tpu.memory_space<vmem>>) dst(%dma_wait3A_21 : memref<100352xf32, #tpu.memory_space<vmem_shared>>)
        tpu.yield
      }) : () -> ()
    }
    %scan3A_7 = arith.constant 25 : i32
    %barrier3A_8 = arith.constant 0 : index
    tpu.barrier barrier_id(%barrier3A_8)
    "tpu.region"() ({
      %run_scoped3A = tpu.sem_alloc : memref<!tpu.dma_semaphore, #tpu.memory_space<semaphore_mem>>
      %dma_start3A = tpu.memref_slice %arg10[%mul3A_0] : memref<100352xf32, #tpu.memory_space<vmem_shared>> -> memref<6272xf32, #tpu.memory_space<vmem_shared>>
      %dma_start3A_12 = tpu.memref_slice %arg10[%mul3A_0] : memref<100352xf32, #tpu.memory_space<vmem_shared>> -> memref<6272xf32, #tpu.memory_space<vmem_shared>>
      tpu.enqueue_dma source(%dma_start3A_12 : memref<6272xf32, #tpu.memory_space<vmem_shared>>) target(%arg9 : memref<6272xf32, #tpu.memory_space<vmem>>) target_semaphore(%run_scoped3A : memref<!tpu.dma_semaphore, #tpu.memory_space<semaphore_mem>>)
      %dma_wait3A = tpu.memref_slice %arg10[%mul3A_0] : memref<100352xf32, #tpu.memory_space<vmem_shared>> -> memref<6272xf32, #tpu.memory_space<vmem_shared>>
      %dma_wait3A_13 = tpu.memref_slice %arg10[%mul3A_0] : memref<100352xf32, #tpu.memory_space<vmem_shared>> -> memref<6272xf32, #tpu.memory_space<vmem_shared>>
      tpu.wait_dma2 semaphore(%run_scoped3A : memref<!tpu.dma_semaphore, #tpu.memory_space<semaphore_mem>>) src(%dma_wait3A_13 : memref<6272xf32, #tpu.memory_space<vmem_shared>>) dst(%arg9 : memref<6272xf32, #tpu.memory_space<vmem>>)
      tpu.yield
    }) : () -> ()
    %mul3A_9 = arith.constant 100352 : i32
    %mul3A_10 = arith.muli %arg0, %mul3A_9 : i32
    %add3A_11 = arith.addi %mul3A_10, %mul3A_0 : i32
    "tpu.region"() ({
      %run_scoped3A = tpu.sem_alloc : memref<!tpu.dma_semaphore, #tpu.memory_space<semaphore_mem>>
      %dma_start3A = tpu.memref_slice %arg5[%add3A_11] : memref<200704xf32, #tpu.memory_space<hbm>> -> memref<6272xf32, #tpu.memory_space<hbm>>
      %dma_start3A_12 = tpu.memref_slice %arg5[%add3A_11] : memref<200704xf32, #tpu.memory_space<hbm>> -> memref<6272xf32, #tpu.memory_space<hbm>>
      tpu.enqueue_dma source(%arg9 : memref<6272xf32, #tpu.memory_space<vmem>>) target(%dma_start3A_12 : memref<6272xf32, #tpu.memory_space<hbm>>) target_semaphore(%run_scoped3A : memref<!tpu.dma_semaphore, #tpu.memory_space<semaphore_mem>>)
      %dma_wait3A = tpu.memref_slice %arg5[%add3A_11] : memref<200704xf32, #tpu.memory_space<hbm>> -> memref<6272xf32, #tpu.memory_space<hbm>>
      %dma_wait3A_13 = tpu.memref_slice %arg5[%add3A_11] : memref<200704xf32, #tpu.memory_space<hbm>> -> memref<6272xf32, #tpu.memory_space<hbm>>
      tpu.wait_dma2 semaphore(%run_scoped3A : memref<!tpu.dma_semaphore, #tpu.memory_space<semaphore_mem>>) src(%arg9 : memref<6272xf32, #tpu.memory_space<vmem>>) dst(%dma_wait3A_13 : memref<6272xf32, #tpu.memory_space<hbm>>)
      tpu.yield
    }) : () -> ()
    return
  }
}

#map = affine_map<(d0, d1) -> (0)>
module attributes {stable_mosaic.version = 14 : i64} {
  func.func @k(%arg0: i32, %arg1: i32, %arg2: memref<3200000xi32, #tpu.memory_space<hbm>>, %arg3: memref<100352xf32, #tpu.memory_space<hbm>>, %arg4: memref<100352xf32, #tpu.memory_space<hbm>>, %arg5: memref<2000xf32, #tpu.memory_space<hbm>>, %arg6: memref<200704xf32, #tpu.memory_space<hbm>>, %arg7: memref<2000xi32, #tpu.memory_space<vmem>>, %arg8: memref<2000xi32, #tpu.memory_space<vmem>>, %arg9: memref<2000xf32, #tpu.memory_space<vmem>>, %arg10: memref<2000xf32, #tpu.memory_space<vmem>>, %arg11: memref<6272xf32, #tpu.memory_space<vmem>>, %arg12: memref<100352xf32, #tpu.memory_space<vmem_shared>>, %arg13: memref<100352xf32, #tpu.memory_space<vmem_shared>>) attributes {dimension_semantics = [#tpu.dimension_semantics<core_parallel>, #tpu.dimension_semantics<subcore_parallel>], iteration_bounds = array<i64: 2, 16>, scalar_prefetch = 0 : i64, scratch_operands = 7 : i64, tpu.core_type = #tpu.core_type<sc_vector_subcore>, window_params = [{transform_indices = #map}, {transform_indices = #map}, {transform_indices = #map}, {transform_indices = #map}, {transform_indices = #map}]} {
    %mul3A = arith.constant 6272 : i32
    %mul3A_0 = arith.muli %arg1, %mul3A : i32
    "tpu.region"() ({
      %run_scoped3A = tpu.sem_alloc : memref<!tpu.dma_semaphore, #tpu.memory_space<semaphore_mem>>
      %dma_start3A = tpu.memref_slice %arg4[%mul3A_0] : memref<100352xf32, #tpu.memory_space<hbm>> -> memref<6272xf32, #tpu.memory_space<hbm>>
      %dma_start3A_12 = tpu.memref_slice %arg4[%mul3A_0] : memref<100352xf32, #tpu.memory_space<hbm>> -> memref<6272xf32, #tpu.memory_space<hbm>>
      tpu.enqueue_dma source(%dma_start3A_12 : memref<6272xf32, #tpu.memory_space<hbm>>) target(%arg11 : memref<6272xf32, #tpu.memory_space<vmem>>) target_semaphore(%run_scoped3A : memref<!tpu.dma_semaphore, #tpu.memory_space<semaphore_mem>>)
      %dma_wait3A = tpu.memref_slice %arg4[%mul3A_0] : memref<100352xf32, #tpu.memory_space<hbm>> -> memref<6272xf32, #tpu.memory_space<hbm>>
      %dma_wait3A_13 = tpu.memref_slice %arg4[%mul3A_0] : memref<100352xf32, #tpu.memory_space<hbm>> -> memref<6272xf32, #tpu.memory_space<hbm>>
      tpu.wait_dma2 semaphore(%run_scoped3A : memref<!tpu.dma_semaphore, #tpu.memory_space<semaphore_mem>>) src(%dma_wait3A_13 : memref<6272xf32, #tpu.memory_space<hbm>>) dst(%arg11 : memref<6272xf32, #tpu.memory_space<vmem>>)
      tpu.yield
    }) : () -> ()
    "tpu.region"() ({
      %run_scoped3A = tpu.sem_alloc : memref<!tpu.dma_semaphore, #tpu.memory_space<semaphore_mem>>
      %dma_start3A = tpu.memref_slice %arg13[%mul3A_0] : memref<100352xf32, #tpu.memory_space<vmem_shared>> -> memref<6272xf32, #tpu.memory_space<vmem_shared>>
      %dma_start3A_12 = tpu.memref_slice %arg13[%mul3A_0] : memref<100352xf32, #tpu.memory_space<vmem_shared>> -> memref<6272xf32, #tpu.memory_space<vmem_shared>>
      tpu.enqueue_dma source(%arg11 : memref<6272xf32, #tpu.memory_space<vmem>>) target(%dma_start3A_12 : memref<6272xf32, #tpu.memory_space<vmem_shared>>) target_semaphore(%run_scoped3A : memref<!tpu.dma_semaphore, #tpu.memory_space<semaphore_mem>>)
      %dma_wait3A = tpu.memref_slice %arg13[%mul3A_0] : memref<100352xf32, #tpu.memory_space<vmem_shared>> -> memref<6272xf32, #tpu.memory_space<vmem_shared>>
      %dma_wait3A_13 = tpu.memref_slice %arg13[%mul3A_0] : memref<100352xf32, #tpu.memory_space<vmem_shared>> -> memref<6272xf32, #tpu.memory_space<vmem_shared>>
      tpu.wait_dma2 semaphore(%run_scoped3A : memref<!tpu.dma_semaphore, #tpu.memory_space<semaphore_mem>>) src(%arg11 : memref<6272xf32, #tpu.memory_space<vmem>>) dst(%dma_wait3A_13 : memref<6272xf32, #tpu.memory_space<vmem_shared>>)
      tpu.yield
    }) : () -> ()
    "tpu.region"() ({
      %run_scoped3A = tpu.sem_alloc : memref<!tpu.dma_semaphore, #tpu.memory_space<semaphore_mem>>
      %dma_start3A = tpu.memref_slice %arg3[%mul3A_0] : memref<100352xf32, #tpu.memory_space<hbm>> -> memref<6272xf32, #tpu.memory_space<hbm>>
      %dma_start3A_12 = tpu.memref_slice %arg3[%mul3A_0] : memref<100352xf32, #tpu.memory_space<hbm>> -> memref<6272xf32, #tpu.memory_space<hbm>>
      tpu.enqueue_dma source(%dma_start3A_12 : memref<6272xf32, #tpu.memory_space<hbm>>) target(%arg11 : memref<6272xf32, #tpu.memory_space<vmem>>) target_semaphore(%run_scoped3A : memref<!tpu.dma_semaphore, #tpu.memory_space<semaphore_mem>>)
      %dma_wait3A = tpu.memref_slice %arg3[%mul3A_0] : memref<100352xf32, #tpu.memory_space<hbm>> -> memref<6272xf32, #tpu.memory_space<hbm>>
      %dma_wait3A_13 = tpu.memref_slice %arg3[%mul3A_0] : memref<100352xf32, #tpu.memory_space<hbm>> -> memref<6272xf32, #tpu.memory_space<hbm>>
      tpu.wait_dma2 semaphore(%run_scoped3A : memref<!tpu.dma_semaphore, #tpu.memory_space<semaphore_mem>>) src(%dma_wait3A_13 : memref<6272xf32, #tpu.memory_space<hbm>>) dst(%arg11 : memref<6272xf32, #tpu.memory_space<vmem>>)
      tpu.yield
    }) : () -> ()
    "tpu.region"() ({
      %run_scoped3A = tpu.sem_alloc : memref<!tpu.dma_semaphore, #tpu.memory_space<semaphore_mem>>
      %dma_start3A = tpu.memref_slice %arg12[%mul3A_0] : memref<100352xf32, #tpu.memory_space<vmem_shared>> -> memref<6272xf32, #tpu.memory_space<vmem_shared>>
      %dma_start3A_12 = tpu.memref_slice %arg12[%mul3A_0] : memref<100352xf32, #tpu.memory_space<vmem_shared>> -> memref<6272xf32, #tpu.memory_space<vmem_shared>>
      tpu.enqueue_dma source(%arg11 : memref<6272xf32, #tpu.memory_space<vmem>>) target(%dma_start3A_12 : memref<6272xf32, #tpu.memory_space<vmem_shared>>) target_semaphore(%run_scoped3A : memref<!tpu.dma_semaphore, #tpu.memory_space<semaphore_mem>>)
      %dma_wait3A = tpu.memref_slice %arg12[%mul3A_0] : memref<100352xf32, #tpu.memory_space<vmem_shared>> -> memref<6272xf32, #tpu.memory_space<vmem_shared>>
      %dma_wait3A_13 = tpu.memref_slice %arg12[%mul3A_0] : memref<100352xf32, #tpu.memory_space<vmem_shared>> -> memref<6272xf32, #tpu.memory_space<vmem_shared>>
      tpu.wait_dma2 semaphore(%run_scoped3A : memref<!tpu.dma_semaphore, #tpu.memory_space<semaphore_mem>>) src(%arg11 : memref<6272xf32, #tpu.memory_space<vmem>>) dst(%dma_wait3A_13 : memref<6272xf32, #tpu.memory_space<vmem_shared>>)
      tpu.yield
    }) : () -> ()
    %barrier3A = arith.constant 0 : index
    tpu.barrier barrier_id(%barrier3A)
    %mul3A_1 = arith.constant 16 : i32
    %mul3A_2 = arith.muli %arg0, %mul3A_1 : i32
    %add3A = arith.addi %mul3A_2, %arg1 : i32
    %scan3A = arith.constant 0 : i32
    %scan3A_3 = arith.constant 0 : i32
    %scan3A_4 = arith.constant 25 : i32
    %scan3A_5 = arith.addi %scan3A_3, %scan3A_4 : i32
    %scan3A_6 = arith.constant 1 : i32
    scf.for %scan3A_12 = %scan3A_3 to %scan3A_5 step %scan3A_6  : i32 {
      %mul3A_13 = arith.constant 32 : i32
      %mul3A_14 = arith.muli %scan3A_12, %mul3A_13 : i32
      %add3A_15 = arith.addi %mul3A_14, %add3A : i32
      %mul3A_16 = arith.constant 2000 : i32
      %mul3A_17 = arith.muli %add3A_15, %mul3A_16 : i32
      "tpu.region"() ({
        %run_scoped3A = tpu.sem_alloc : memref<!tpu.dma_semaphore, #tpu.memory_space<semaphore_mem>>
        %dma_start3A = tpu.memref_slice %arg2[%mul3A_17] : memref<3200000xi32, #tpu.memory_space<hbm>> -> memref<2000xi32, #tpu.memory_space<hbm>>
        %dma_start3A_20 = tpu.memref_slice %arg2[%mul3A_17] : memref<3200000xi32, #tpu.memory_space<hbm>> -> memref<2000xi32, #tpu.memory_space<hbm>>
        tpu.enqueue_dma source(%dma_start3A_20 : memref<2000xi32, #tpu.memory_space<hbm>>) target(%arg7 : memref<2000xi32, #tpu.memory_space<vmem>>) target_semaphore(%run_scoped3A : memref<!tpu.dma_semaphore, #tpu.memory_space<semaphore_mem>>)
        %dma_wait3A = tpu.memref_slice %arg2[%mul3A_17] : memref<3200000xi32, #tpu.memory_space<hbm>> -> memref<2000xi32, #tpu.memory_space<hbm>>
        %dma_wait3A_21 = tpu.memref_slice %arg2[%mul3A_17] : memref<3200000xi32, #tpu.memory_space<hbm>> -> memref<2000xi32, #tpu.memory_space<hbm>>
        tpu.wait_dma2 semaphore(%run_scoped3A : memref<!tpu.dma_semaphore, #tpu.memory_space<semaphore_mem>>) src(%dma_wait3A_21 : memref<2000xi32, #tpu.memory_space<hbm>>) dst(%arg7 : memref<2000xi32, #tpu.memory_space<vmem>>)
        tpu.yield
      }) : () -> ()
      %add3A_18 = arith.constant 1600000 : i32
      %add3A_19 = arith.addi %add3A_18, %mul3A_17 : i32
      "tpu.region"() ({
        %run_scoped3A = tpu.sem_alloc : memref<!tpu.dma_semaphore, #tpu.memory_space<semaphore_mem>>
        %dma_start3A = tpu.memref_slice %arg2[%add3A_19] : memref<3200000xi32, #tpu.memory_space<hbm>> -> memref<2000xi32, #tpu.memory_space<hbm>>
        %dma_start3A_20 = tpu.memref_slice %arg2[%add3A_19] : memref<3200000xi32, #tpu.memory_space<hbm>> -> memref<2000xi32, #tpu.memory_space<hbm>>
        tpu.enqueue_dma source(%dma_start3A_20 : memref<2000xi32, #tpu.memory_space<hbm>>) target(%arg8 : memref<2000xi32, #tpu.memory_space<vmem>>) target_semaphore(%run_scoped3A : memref<!tpu.dma_semaphore, #tpu.memory_space<semaphore_mem>>)
        %dma_wait3A = tpu.memref_slice %arg2[%add3A_19] : memref<3200000xi32, #tpu.memory_space<hbm>> -> memref<2000xi32, #tpu.memory_space<hbm>>
        %dma_wait3A_21 = tpu.memref_slice %arg2[%add3A_19] : memref<3200000xi32, #tpu.memory_space<hbm>> -> memref<2000xi32, #tpu.memory_space<hbm>>
        tpu.wait_dma2 semaphore(%run_scoped3A : memref<!tpu.dma_semaphore, #tpu.memory_space<semaphore_mem>>) src(%dma_wait3A_21 : memref<2000xi32, #tpu.memory_space<hbm>>) dst(%arg8 : memref<2000xi32, #tpu.memory_space<vmem>>)
        tpu.yield
      }) : () -> ()
      "tpu.region"() ({
        %run_scoped3A = tpu.sem_alloc : memref<!tpu.dma_semaphore, #tpu.memory_space<semaphore_mem>>
        %dma_start3A = arith.constant 0 : i32
        %dma_start3A_20 = tpu.memref_slice %arg12[%dma_start3A] : memref<100352xf32, #tpu.memory_space<vmem_shared>> -> memref<100352xf32, #tpu.memory_space<vmem_shared>>
        tpu.enqueue_indirect_dma source(%dma_start3A_20 : memref<100352xf32, #tpu.memory_space<vmem_shared>>) target(%arg9 : memref<2000xf32, #tpu.memory_space<vmem>>) offsets(%arg7 : memref<2000xi32, #tpu.memory_space<vmem>>) semaphore(%run_scoped3A : memref<!tpu.dma_semaphore, #tpu.memory_space<semaphore_mem>>)
        %dma_wait3A = arith.constant 0 : i32
        %dma_wait3A_21 = tpu.memref_slice %arg12[%dma_wait3A] : memref<100352xf32, #tpu.memory_space<vmem_shared>> -> memref<100352xf32, #tpu.memory_space<vmem_shared>>
        tpu.wait_indirect_dma semaphore(%run_scoped3A : memref<!tpu.dma_semaphore, #tpu.memory_space<semaphore_mem>>) src(%dma_wait3A_21 : memref<100352xf32, #tpu.memory_space<vmem_shared>>) dst(%arg9 : memref<2000xf32, #tpu.memory_space<vmem>>)
        tpu.yield
      }) : () -> ()
      "tpu.region"() ({
        %run_scoped3A = tpu.sem_alloc : memref<!tpu.dma_semaphore, #tpu.memory_space<semaphore_mem>>
        %dma_start3A = arith.constant 0 : i32
        %dma_start3A_20 = tpu.memref_slice %arg13[%dma_start3A] : memref<100352xf32, #tpu.memory_space<vmem_shared>> -> memref<100352xf32, #tpu.memory_space<vmem_shared>>
        tpu.enqueue_indirect_dma source(%arg9 : memref<2000xf32, #tpu.memory_space<vmem>>) target(%dma_start3A_20 : memref<100352xf32, #tpu.memory_space<vmem_shared>>) offsets(%arg8 : memref<2000xi32, #tpu.memory_space<vmem>>) semaphore(%run_scoped3A : memref<!tpu.dma_semaphore, #tpu.memory_space<semaphore_mem>>) {add = true}
        %dma_wait3A = arith.constant 0 : i32
        %dma_wait3A_21 = tpu.memref_slice %arg13[%dma_wait3A] : memref<100352xf32, #tpu.memory_space<vmem_shared>> -> memref<100352xf32, #tpu.memory_space<vmem_shared>>
        tpu.wait_indirect_dma semaphore(%run_scoped3A : memref<!tpu.dma_semaphore, #tpu.memory_space<semaphore_mem>>) src(%arg9 : memref<2000xf32, #tpu.memory_space<vmem>>) dst(%dma_wait3A_21 : memref<100352xf32, #tpu.memory_space<vmem_shared>>)
        tpu.yield
      }) : () -> ()
    }
    %scan3A_7 = arith.constant 25 : i32
    %barrier3A_8 = arith.constant 0 : index
    tpu.barrier barrier_id(%barrier3A_8)
    "tpu.region"() ({
      %run_scoped3A = tpu.sem_alloc : memref<!tpu.dma_semaphore, #tpu.memory_space<semaphore_mem>>
      %dma_start3A = tpu.memref_slice %arg13[%mul3A_0] : memref<100352xf32, #tpu.memory_space<vmem_shared>> -> memref<6272xf32, #tpu.memory_space<vmem_shared>>
      %dma_start3A_12 = tpu.memref_slice %arg13[%mul3A_0] : memref<100352xf32, #tpu.memory_space<vmem_shared>> -> memref<6272xf32, #tpu.memory_space<vmem_shared>>
      tpu.enqueue_dma source(%dma_start3A_12 : memref<6272xf32, #tpu.memory_space<vmem_shared>>) target(%arg11 : memref<6272xf32, #tpu.memory_space<vmem>>) target_semaphore(%run_scoped3A : memref<!tpu.dma_semaphore, #tpu.memory_space<semaphore_mem>>)
      %dma_wait3A = tpu.memref_slice %arg13[%mul3A_0] : memref<100352xf32, #tpu.memory_space<vmem_shared>> -> memref<6272xf32, #tpu.memory_space<vmem_shared>>
      %dma_wait3A_13 = tpu.memref_slice %arg13[%mul3A_0] : memref<100352xf32, #tpu.memory_space<vmem_shared>> -> memref<6272xf32, #tpu.memory_space<vmem_shared>>
      tpu.wait_dma2 semaphore(%run_scoped3A : memref<!tpu.dma_semaphore, #tpu.memory_space<semaphore_mem>>) src(%dma_wait3A_13 : memref<6272xf32, #tpu.memory_space<vmem_shared>>) dst(%arg11 : memref<6272xf32, #tpu.memory_space<vmem>>)
      tpu.yield
    }) : () -> ()
    %mul3A_9 = arith.constant 100352 : i32
    %mul3A_10 = arith.muli %arg0, %mul3A_9 : i32
    %add3A_11 = arith.addi %mul3A_10, %mul3A_0 : i32
    "tpu.region"() ({
      %run_scoped3A = tpu.sem_alloc : memref<!tpu.dma_semaphore, #tpu.memory_space<semaphore_mem>>
      %dma_start3A = tpu.memref_slice %arg6[%add3A_11] : memref<200704xf32, #tpu.memory_space<hbm>> -> memref<6272xf32, #tpu.memory_space<hbm>>
      %dma_start3A_12 = tpu.memref_slice %arg6[%add3A_11] : memref<200704xf32, #tpu.memory_space<hbm>> -> memref<6272xf32, #tpu.memory_space<hbm>>
      tpu.enqueue_dma source(%arg11 : memref<6272xf32, #tpu.memory_space<vmem>>) target(%dma_start3A_12 : memref<6272xf32, #tpu.memory_space<hbm>>) target_semaphore(%run_scoped3A : memref<!tpu.dma_semaphore, #tpu.memory_space<semaphore_mem>>)
      %dma_wait3A = tpu.memref_slice %arg6[%add3A_11] : memref<200704xf32, #tpu.memory_space<hbm>> -> memref<6272xf32, #tpu.memory_space<hbm>>
      %dma_wait3A_13 = tpu.memref_slice %arg6[%add3A_11] : memref<200704xf32, #tpu.memory_space<hbm>> -> memref<6272xf32, #tpu.memory_space<hbm>>
      tpu.wait_dma2 semaphore(%run_scoped3A : memref<!tpu.dma_semaphore, #tpu.memory_space<semaphore_mem>>) src(%arg11 : memref<6272xf32, #tpu.memory_space<vmem>>) dst(%dma_wait3A_13 : memref<6272xf32, #tpu.memory_space<hbm>>)
      tpu.yield
    }) : () -> ()
    return
  }
}

#map = affine_map<(d0, d1) -> (0)>
module attributes {stable_mosaic.version = 14 : i64} {
  func.func @k(%arg0: i32, %arg1: i32, %arg2: memref<3200000xi32, #tpu.memory_space<hbm>>, %arg3: memref<100352xf32, #tpu.memory_space<hbm>>, %arg4: memref<100352xf32, #tpu.memory_space<hbm>>, %arg5: memref<100352xf32, #tpu.memory_space<hbm>>, %arg6: memref<2000xf32, #tpu.memory_space<hbm>>, %arg7: memref<200704xf32, #tpu.memory_space<hbm>>, %arg8: memref<200704xf32, #tpu.memory_space<hbm>>, %arg9: memref<2000xi32, #tpu.memory_space<vmem>>, %arg10: memref<2000xi32, #tpu.memory_space<vmem>>, %arg11: memref<2000xf32, #tpu.memory_space<vmem>>, %arg12: memref<2000xf32, #tpu.memory_space<vmem>>, %arg13: memref<2000xf32, #tpu.memory_space<vmem>>, %arg14: memref<6272xf32, #tpu.memory_space<vmem>>, %arg15: memref<100352xf32, #tpu.memory_space<vmem_shared>>, %arg16: memref<100352xf32, #tpu.memory_space<vmem_shared>>, %arg17: memref<100352xf32, #tpu.memory_space<vmem_shared>>, %arg18: memref<100352xf32, #tpu.memory_space<vmem_shared>>) attributes {dimension_semantics = [#tpu.dimension_semantics<core_parallel>, #tpu.dimension_semantics<subcore_parallel>], iteration_bounds = array<i64: 2, 16>, scalar_prefetch = 0 : i64, scratch_operands = 10 : i64, tpu.core_type = #tpu.core_type<sc_vector_subcore>, window_params = [{transform_indices = #map}, {transform_indices = #map}, {transform_indices = #map}, {transform_indices = #map}, {transform_indices = #map}, {transform_indices = #map}, {transform_indices = #map}]} {
    %mul3A = arith.constant 6272 : i32
    %mul3A_0 = arith.muli %arg1, %mul3A : i32
    "tpu.region"() ({
      %run_scoped3A = tpu.sem_alloc : memref<!tpu.dma_semaphore, #tpu.memory_space<semaphore_mem>>
      %dma_start3A = tpu.memref_slice %arg5[%mul3A_0] : memref<100352xf32, #tpu.memory_space<hbm>> -> memref<6272xf32, #tpu.memory_space<hbm>>
      %dma_start3A_15 = tpu.memref_slice %arg5[%mul3A_0] : memref<100352xf32, #tpu.memory_space<hbm>> -> memref<6272xf32, #tpu.memory_space<hbm>>
      tpu.enqueue_dma source(%dma_start3A_15 : memref<6272xf32, #tpu.memory_space<hbm>>) target(%arg14 : memref<6272xf32, #tpu.memory_space<vmem>>) target_semaphore(%run_scoped3A : memref<!tpu.dma_semaphore, #tpu.memory_space<semaphore_mem>>)
      %dma_wait3A = tpu.memref_slice %arg5[%mul3A_0] : memref<100352xf32, #tpu.memory_space<hbm>> -> memref<6272xf32, #tpu.memory_space<hbm>>
      %dma_wait3A_16 = tpu.memref_slice %arg5[%mul3A_0] : memref<100352xf32, #tpu.memory_space<hbm>> -> memref<6272xf32, #tpu.memory_space<hbm>>
      tpu.wait_dma2 semaphore(%run_scoped3A : memref<!tpu.dma_semaphore, #tpu.memory_space<semaphore_mem>>) src(%dma_wait3A_16 : memref<6272xf32, #tpu.memory_space<hbm>>) dst(%arg14 : memref<6272xf32, #tpu.memory_space<vmem>>)
      tpu.yield
    }) : () -> ()
    "tpu.region"() ({
      %run_scoped3A = tpu.sem_alloc : memref<!tpu.dma_semaphore, #tpu.memory_space<semaphore_mem>>
      %dma_start3A = tpu.memref_slice %arg17[%mul3A_0] : memref<100352xf32, #tpu.memory_space<vmem_shared>> -> memref<6272xf32, #tpu.memory_space<vmem_shared>>
      %dma_start3A_15 = tpu.memref_slice %arg17[%mul3A_0] : memref<100352xf32, #tpu.memory_space<vmem_shared>> -> memref<6272xf32, #tpu.memory_space<vmem_shared>>
      tpu.enqueue_dma source(%arg14 : memref<6272xf32, #tpu.memory_space<vmem>>) target(%dma_start3A_15 : memref<6272xf32, #tpu.memory_space<vmem_shared>>) target_semaphore(%run_scoped3A : memref<!tpu.dma_semaphore, #tpu.memory_space<semaphore_mem>>)
      %dma_wait3A = tpu.memref_slice %arg17[%mul3A_0] : memref<100352xf32, #tpu.memory_space<vmem_shared>> -> memref<6272xf32, #tpu.memory_space<vmem_shared>>
      %dma_wait3A_16 = tpu.memref_slice %arg17[%mul3A_0] : memref<100352xf32, #tpu.memory_space<vmem_shared>> -> memref<6272xf32, #tpu.memory_space<vmem_shared>>
      tpu.wait_dma2 semaphore(%run_scoped3A : memref<!tpu.dma_semaphore, #tpu.memory_space<semaphore_mem>>) src(%arg14 : memref<6272xf32, #tpu.memory_space<vmem>>) dst(%dma_wait3A_16 : memref<6272xf32, #tpu.memory_space<vmem_shared>>)
      tpu.yield
    }) : () -> ()
    "tpu.region"() ({
      %run_scoped3A = tpu.sem_alloc : memref<!tpu.dma_semaphore, #tpu.memory_space<semaphore_mem>>
      %dma_start3A = tpu.memref_slice %arg18[%mul3A_0] : memref<100352xf32, #tpu.memory_space<vmem_shared>> -> memref<6272xf32, #tpu.memory_space<vmem_shared>>
      %dma_start3A_15 = tpu.memref_slice %arg18[%mul3A_0] : memref<100352xf32, #tpu.memory_space<vmem_shared>> -> memref<6272xf32, #tpu.memory_space<vmem_shared>>
      tpu.enqueue_dma source(%arg14 : memref<6272xf32, #tpu.memory_space<vmem>>) target(%dma_start3A_15 : memref<6272xf32, #tpu.memory_space<vmem_shared>>) target_semaphore(%run_scoped3A : memref<!tpu.dma_semaphore, #tpu.memory_space<semaphore_mem>>)
      %dma_wait3A = tpu.memref_slice %arg18[%mul3A_0] : memref<100352xf32, #tpu.memory_space<vmem_shared>> -> memref<6272xf32, #tpu.memory_space<vmem_shared>>
      %dma_wait3A_16 = tpu.memref_slice %arg18[%mul3A_0] : memref<100352xf32, #tpu.memory_space<vmem_shared>> -> memref<6272xf32, #tpu.memory_space<vmem_shared>>
      tpu.wait_dma2 semaphore(%run_scoped3A : memref<!tpu.dma_semaphore, #tpu.memory_space<semaphore_mem>>) src(%arg14 : memref<6272xf32, #tpu.memory_space<vmem>>) dst(%dma_wait3A_16 : memref<6272xf32, #tpu.memory_space<vmem_shared>>)
      tpu.yield
    }) : () -> ()
    "tpu.region"() ({
      %run_scoped3A = tpu.sem_alloc : memref<!tpu.dma_semaphore, #tpu.memory_space<semaphore_mem>>
      %dma_start3A = tpu.memref_slice %arg3[%mul3A_0] : memref<100352xf32, #tpu.memory_space<hbm>> -> memref<6272xf32, #tpu.memory_space<hbm>>
      %dma_start3A_15 = tpu.memref_slice %arg3[%mul3A_0] : memref<100352xf32, #tpu.memory_space<hbm>> -> memref<6272xf32, #tpu.memory_space<hbm>>
      tpu.enqueue_dma source(%dma_start3A_15 : memref<6272xf32, #tpu.memory_space<hbm>>) target(%arg14 : memref<6272xf32, #tpu.memory_space<vmem>>) target_semaphore(%run_scoped3A : memref<!tpu.dma_semaphore, #tpu.memory_space<semaphore_mem>>)
      %dma_wait3A = tpu.memref_slice %arg3[%mul3A_0] : memref<100352xf32, #tpu.memory_space<hbm>> -> memref<6272xf32, #tpu.memory_space<hbm>>
      %dma_wait3A_16 = tpu.memref_slice %arg3[%mul3A_0] : memref<100352xf32, #tpu.memory_space<hbm>> -> memref<6272xf32, #tpu.memory_space<hbm>>
      tpu.wait_dma2 semaphore(%run_scoped3A : memref<!tpu.dma_semaphore, #tpu.memory_space<semaphore_mem>>) src(%dma_wait3A_16 : memref<6272xf32, #tpu.memory_space<hbm>>) dst(%arg14 : memref<6272xf32, #tpu.memory_space<vmem>>)
      tpu.yield
    }) : () -> ()
    "tpu.region"() ({
      %run_scoped3A = tpu.sem_alloc : memref<!tpu.dma_semaphore, #tpu.memory_space<semaphore_mem>>
      %dma_start3A = tpu.memref_slice %arg15[%mul3A_0] : memref<100352xf32, #tpu.memory_space<vmem_shared>> -> memref<6272xf32, #tpu.memory_space<vmem_shared>>
      %dma_start3A_15 = tpu.memref_slice %arg15[%mul3A_0] : memref<100352xf32, #tpu.memory_space<vmem_shared>> -> memref<6272xf32, #tpu.memory_space<vmem_shared>>
      tpu.enqueue_dma source(%arg14 : memref<6272xf32, #tpu.memory_space<vmem>>) target(%dma_start3A_15 : memref<6272xf32, #tpu.memory_space<vmem_shared>>) target_semaphore(%run_scoped3A : memref<!tpu.dma_semaphore, #tpu.memory_space<semaphore_mem>>)
      %dma_wait3A = tpu.memref_slice %arg15[%mul3A_0] : memref<100352xf32, #tpu.memory_space<vmem_shared>> -> memref<6272xf32, #tpu.memory_space<vmem_shared>>
      %dma_wait3A_16 = tpu.memref_slice %arg15[%mul3A_0] : memref<100352xf32, #tpu.memory_space<vmem_shared>> -> memref<6272xf32, #tpu.memory_space<vmem_shared>>
      tpu.wait_dma2 semaphore(%run_scoped3A : memref<!tpu.dma_semaphore, #tpu.memory_space<semaphore_mem>>) src(%arg14 : memref<6272xf32, #tpu.memory_space<vmem>>) dst(%dma_wait3A_16 : memref<6272xf32, #tpu.memory_space<vmem_shared>>)
      tpu.yield
    }) : () -> ()
    "tpu.region"() ({
      %run_scoped3A = tpu.sem_alloc : memref<!tpu.dma_semaphore, #tpu.memory_space<semaphore_mem>>
      %dma_start3A = tpu.memref_slice %arg4[%mul3A_0] : memref<100352xf32, #tpu.memory_space<hbm>> -> memref<6272xf32, #tpu.memory_space<hbm>>
      %dma_start3A_15 = tpu.memref_slice %arg4[%mul3A_0] : memref<100352xf32, #tpu.memory_space<hbm>> -> memref<6272xf32, #tpu.memory_space<hbm>>
      tpu.enqueue_dma source(%dma_start3A_15 : memref<6272xf32, #tpu.memory_space<hbm>>) target(%arg14 : memref<6272xf32, #tpu.memory_space<vmem>>) target_semaphore(%run_scoped3A : memref<!tpu.dma_semaphore, #tpu.memory_space<semaphore_mem>>)
      %dma_wait3A = tpu.memref_slice %arg4[%mul3A_0] : memref<100352xf32, #tpu.memory_space<hbm>> -> memref<6272xf32, #tpu.memory_space<hbm>>
      %dma_wait3A_16 = tpu.memref_slice %arg4[%mul3A_0] : memref<100352xf32, #tpu.memory_space<hbm>> -> memref<6272xf32, #tpu.memory_space<hbm>>
      tpu.wait_dma2 semaphore(%run_scoped3A : memref<!tpu.dma_semaphore, #tpu.memory_space<semaphore_mem>>) src(%dma_wait3A_16 : memref<6272xf32, #tpu.memory_space<hbm>>) dst(%arg14 : memref<6272xf32, #tpu.memory_space<vmem>>)
      tpu.yield
    }) : () -> ()
    "tpu.region"() ({
      %run_scoped3A = tpu.sem_alloc : memref<!tpu.dma_semaphore, #tpu.memory_space<semaphore_mem>>
      %dma_start3A = tpu.memref_slice %arg16[%mul3A_0] : memref<100352xf32, #tpu.memory_space<vmem_shared>> -> memref<6272xf32, #tpu.memory_space<vmem_shared>>
      %dma_start3A_15 = tpu.memref_slice %arg16[%mul3A_0] : memref<100352xf32, #tpu.memory_space<vmem_shared>> -> memref<6272xf32, #tpu.memory_space<vmem_shared>>
      tpu.enqueue_dma source(%arg14 : memref<6272xf32, #tpu.memory_space<vmem>>) target(%dma_start3A_15 : memref<6272xf32, #tpu.memory_space<vmem_shared>>) target_semaphore(%run_scoped3A : memref<!tpu.dma_semaphore, #tpu.memory_space<semaphore_mem>>)
      %dma_wait3A = tpu.memref_slice %arg16[%mul3A_0] : memref<100352xf32, #tpu.memory_space<vmem_shared>> -> memref<6272xf32, #tpu.memory_space<vmem_shared>>
      %dma_wait3A_16 = tpu.memref_slice %arg16[%mul3A_0] : memref<100352xf32, #tpu.memory_space<vmem_shared>> -> memref<6272xf32, #tpu.memory_space<vmem_shared>>
      tpu.wait_dma2 semaphore(%run_scoped3A : memref<!tpu.dma_semaphore, #tpu.memory_space<semaphore_mem>>) src(%arg14 : memref<6272xf32, #tpu.memory_space<vmem>>) dst(%dma_wait3A_16 : memref<6272xf32, #tpu.memory_space<vmem_shared>>)
      tpu.yield
    }) : () -> ()
    %barrier3A = arith.constant 0 : index
    tpu.barrier barrier_id(%barrier3A)
    %mul3A_1 = arith.constant 16 : i32
    %mul3A_2 = arith.muli %arg0, %mul3A_1 : i32
    %add3A = arith.addi %mul3A_2, %arg1 : i32
    %scan3A = arith.constant 0 : i32
    %scan3A_3 = arith.constant 0 : i32
    %scan3A_4 = arith.constant 25 : i32
    %scan3A_5 = arith.addi %scan3A_3, %scan3A_4 : i32
    %scan3A_6 = arith.constant 1 : i32
    scf.for %scan3A_15 = %scan3A_3 to %scan3A_5 step %scan3A_6  : i32 {
      %mul3A_16 = arith.constant 32 : i32
      %mul3A_17 = arith.muli %scan3A_15, %mul3A_16 : i32
      %add3A_18 = arith.addi %mul3A_17, %add3A : i32
      %mul3A_19 = arith.constant 2000 : i32
      %mul3A_20 = arith.muli %add3A_18, %mul3A_19 : i32
      "tpu.region"() ({
        %run_scoped3A = tpu.sem_alloc : memref<!tpu.dma_semaphore, #tpu.memory_space<semaphore_mem>>
        %dma_start3A = tpu.memref_slice %arg2[%mul3A_20] : memref<3200000xi32, #tpu.memory_space<hbm>> -> memref<2000xi32, #tpu.memory_space<hbm>>
        %dma_start3A_23 = tpu.memref_slice %arg2[%mul3A_20] : memref<3200000xi32, #tpu.memory_space<hbm>> -> memref<2000xi32, #tpu.memory_space<hbm>>
        tpu.enqueue_dma source(%dma_start3A_23 : memref<2000xi32, #tpu.memory_space<hbm>>) target(%arg9 : memref<2000xi32, #tpu.memory_space<vmem>>) target_semaphore(%run_scoped3A : memref<!tpu.dma_semaphore, #tpu.memory_space<semaphore_mem>>)
        %dma_wait3A = tpu.memref_slice %arg2[%mul3A_20] : memref<3200000xi32, #tpu.memory_space<hbm>> -> memref<2000xi32, #tpu.memory_space<hbm>>
        %dma_wait3A_24 = tpu.memref_slice %arg2[%mul3A_20] : memref<3200000xi32, #tpu.memory_space<hbm>> -> memref<2000xi32, #tpu.memory_space<hbm>>
        tpu.wait_dma2 semaphore(%run_scoped3A : memref<!tpu.dma_semaphore, #tpu.memory_space<semaphore_mem>>) src(%dma_wait3A_24 : memref<2000xi32, #tpu.memory_space<hbm>>) dst(%arg9 : memref<2000xi32, #tpu.memory_space<vmem>>)
        tpu.yield
      }) : () -> ()
      %add3A_21 = arith.constant 1600000 : i32
      %add3A_22 = arith.addi %add3A_21, %mul3A_20 : i32
      "tpu.region"() ({
        %run_scoped3A = tpu.sem_alloc : memref<!tpu.dma_semaphore, #tpu.memory_space<semaphore_mem>>
        %dma_start3A = tpu.memref_slice %arg2[%add3A_22] : memref<3200000xi32, #tpu.memory_space<hbm>> -> memref<2000xi32, #tpu.memory_space<hbm>>
        %dma_start3A_23 = tpu.memref_slice %arg2[%add3A_22] : memref<3200000xi32, #tpu.memory_space<hbm>> -> memref<2000xi32, #tpu.memory_space<hbm>>
        tpu.enqueue_dma source(%dma_start3A_23 : memref<2000xi32, #tpu.memory_space<hbm>>) target(%arg10 : memref<2000xi32, #tpu.memory_space<vmem>>) target_semaphore(%run_scoped3A : memref<!tpu.dma_semaphore, #tpu.memory_space<semaphore_mem>>)
        %dma_wait3A = tpu.memref_slice %arg2[%add3A_22] : memref<3200000xi32, #tpu.memory_space<hbm>> -> memref<2000xi32, #tpu.memory_space<hbm>>
        %dma_wait3A_24 = tpu.memref_slice %arg2[%add3A_22] : memref<3200000xi32, #tpu.memory_space<hbm>> -> memref<2000xi32, #tpu.memory_space<hbm>>
        tpu.wait_dma2 semaphore(%run_scoped3A : memref<!tpu.dma_semaphore, #tpu.memory_space<semaphore_mem>>) src(%dma_wait3A_24 : memref<2000xi32, #tpu.memory_space<hbm>>) dst(%arg10 : memref<2000xi32, #tpu.memory_space<vmem>>)
        tpu.yield
      }) : () -> ()
      "tpu.region"() ({
        %run_scoped3A = tpu.sem_alloc : memref<!tpu.dma_semaphore, #tpu.memory_space<semaphore_mem>>
        %dma_start3A = arith.constant 0 : i32
        %dma_start3A_23 = tpu.memref_slice %arg15[%dma_start3A] : memref<100352xf32, #tpu.memory_space<vmem_shared>> -> memref<100352xf32, #tpu.memory_space<vmem_shared>>
        tpu.enqueue_indirect_dma source(%dma_start3A_23 : memref<100352xf32, #tpu.memory_space<vmem_shared>>) target(%arg11 : memref<2000xf32, #tpu.memory_space<vmem>>) offsets(%arg9 : memref<2000xi32, #tpu.memory_space<vmem>>) semaphore(%run_scoped3A : memref<!tpu.dma_semaphore, #tpu.memory_space<semaphore_mem>>)
        %dma_wait3A = arith.constant 0 : i32
        %dma_wait3A_24 = tpu.memref_slice %arg15[%dma_wait3A] : memref<100352xf32, #tpu.memory_space<vmem_shared>> -> memref<100352xf32, #tpu.memory_space<vmem_shared>>
        tpu.wait_indirect_dma semaphore(%run_scoped3A : memref<!tpu.dma_semaphore, #tpu.memory_space<semaphore_mem>>) src(%dma_wait3A_24 : memref<100352xf32, #tpu.memory_space<vmem_shared>>) dst(%arg11 : memref<2000xf32, #tpu.memory_space<vmem>>)
        tpu.yield
      }) : () -> ()
      "tpu.region"() ({
        %run_scoped3A = tpu.sem_alloc : memref<!tpu.dma_semaphore, #tpu.memory_space<semaphore_mem>>
        %dma_start3A = arith.constant 0 : i32
        %dma_start3A_23 = tpu.memref_slice %arg17[%dma_start3A] : memref<100352xf32, #tpu.memory_space<vmem_shared>> -> memref<100352xf32, #tpu.memory_space<vmem_shared>>
        tpu.enqueue_indirect_dma source(%arg11 : memref<2000xf32, #tpu.memory_space<vmem>>) target(%dma_start3A_23 : memref<100352xf32, #tpu.memory_space<vmem_shared>>) offsets(%arg10 : memref<2000xi32, #tpu.memory_space<vmem>>) semaphore(%run_scoped3A : memref<!tpu.dma_semaphore, #tpu.memory_space<semaphore_mem>>) {add = true}
        %dma_wait3A = arith.constant 0 : i32
        %dma_wait3A_24 = tpu.memref_slice %arg17[%dma_wait3A] : memref<100352xf32, #tpu.memory_space<vmem_shared>> -> memref<100352xf32, #tpu.memory_space<vmem_shared>>
        tpu.wait_indirect_dma semaphore(%run_scoped3A : memref<!tpu.dma_semaphore, #tpu.memory_space<semaphore_mem>>) src(%arg11 : memref<2000xf32, #tpu.memory_space<vmem>>) dst(%dma_wait3A_24 : memref<100352xf32, #tpu.memory_space<vmem_shared>>)
        tpu.yield
      }) : () -> ()
      "tpu.region"() ({
        %run_scoped3A = tpu.sem_alloc : memref<!tpu.dma_semaphore, #tpu.memory_space<semaphore_mem>>
        %dma_start3A = arith.constant 0 : i32
        %dma_start3A_23 = tpu.memref_slice %arg16[%dma_start3A] : memref<100352xf32, #tpu.memory_space<vmem_shared>> -> memref<100352xf32, #tpu.memory_space<vmem_shared>>
        tpu.enqueue_indirect_dma source(%dma_start3A_23 : memref<100352xf32, #tpu.memory_space<vmem_shared>>) target(%arg12 : memref<2000xf32, #tpu.memory_space<vmem>>) offsets(%arg9 : memref<2000xi32, #tpu.memory_space<vmem>>) semaphore(%run_scoped3A : memref<!tpu.dma_semaphore, #tpu.memory_space<semaphore_mem>>)
        %dma_wait3A = arith.constant 0 : i32
        %dma_wait3A_24 = tpu.memref_slice %arg16[%dma_wait3A] : memref<100352xf32, #tpu.memory_space<vmem_shared>> -> memref<100352xf32, #tpu.memory_space<vmem_shared>>
        tpu.wait_indirect_dma semaphore(%run_scoped3A : memref<!tpu.dma_semaphore, #tpu.memory_space<semaphore_mem>>) src(%dma_wait3A_24 : memref<100352xf32, #tpu.memory_space<vmem_shared>>) dst(%arg12 : memref<2000xf32, #tpu.memory_space<vmem>>)
        tpu.yield
      }) : () -> ()
      "tpu.region"() ({
        %run_scoped3A = tpu.sem_alloc : memref<!tpu.dma_semaphore, #tpu.memory_space<semaphore_mem>>
        %dma_start3A = arith.constant 0 : i32
        %dma_start3A_23 = tpu.memref_slice %arg18[%dma_start3A] : memref<100352xf32, #tpu.memory_space<vmem_shared>> -> memref<100352xf32, #tpu.memory_space<vmem_shared>>
        tpu.enqueue_indirect_dma source(%arg12 : memref<2000xf32, #tpu.memory_space<vmem>>) target(%dma_start3A_23 : memref<100352xf32, #tpu.memory_space<vmem_shared>>) offsets(%arg10 : memref<2000xi32, #tpu.memory_space<vmem>>) semaphore(%run_scoped3A : memref<!tpu.dma_semaphore, #tpu.memory_space<semaphore_mem>>) {add = true}
        %dma_wait3A = arith.constant 0 : i32
        %dma_wait3A_24 = tpu.memref_slice %arg18[%dma_wait3A] : memref<100352xf32, #tpu.memory_space<vmem_shared>> -> memref<100352xf32, #tpu.memory_space<vmem_shared>>
        tpu.wait_indirect_dma semaphore(%run_scoped3A : memref<!tpu.dma_semaphore, #tpu.memory_space<semaphore_mem>>) src(%arg12 : memref<2000xf32, #tpu.memory_space<vmem>>) dst(%dma_wait3A_24 : memref<100352xf32, #tpu.memory_space<vmem_shared>>)
        tpu.yield
      }) : () -> ()
    }
    %scan3A_7 = arith.constant 25 : i32
    %barrier3A_8 = arith.constant 0 : index
    tpu.barrier barrier_id(%barrier3A_8)
    "tpu.region"() ({
      %run_scoped3A = tpu.sem_alloc : memref<!tpu.dma_semaphore, #tpu.memory_space<semaphore_mem>>
      %dma_start3A = tpu.memref_slice %arg17[%mul3A_0] : memref<100352xf32, #tpu.memory_space<vmem_shared>> -> memref<6272xf32, #tpu.memory_space<vmem_shared>>
      %dma_start3A_15 = tpu.memref_slice %arg17[%mul3A_0] : memref<100352xf32, #tpu.memory_space<vmem_shared>> -> memref<6272xf32, #tpu.memory_space<vmem_shared>>
      tpu.enqueue_dma source(%dma_start3A_15 : memref<6272xf32, #tpu.memory_space<vmem_shared>>) target(%arg14 : memref<6272xf32, #tpu.memory_space<vmem>>) target_semaphore(%run_scoped3A : memref<!tpu.dma_semaphore, #tpu.memory_space<semaphore_mem>>)
      %dma_wait3A = tpu.memref_slice %arg17[%mul3A_0] : memref<100352xf32, #tpu.memory_space<vmem_shared>> -> memref<6272xf32, #tpu.memory_space<vmem_shared>>
      %dma_wait3A_16 = tpu.memref_slice %arg17[%mul3A_0] : memref<100352xf32, #tpu.memory_space<vmem_shared>> -> memref<6272xf32, #tpu.memory_space<vmem_shared>>
      tpu.wait_dma2 semaphore(%run_scoped3A : memref<!tpu.dma_semaphore, #tpu.memory_space<semaphore_mem>>) src(%dma_wait3A_16 : memref<6272xf32, #tpu.memory_space<vmem_shared>>) dst(%arg14 : memref<6272xf32, #tpu.memory_space<vmem>>)
      tpu.yield
    }) : () -> ()
    %mul3A_9 = arith.constant 100352 : i32
    %mul3A_10 = arith.muli %arg0, %mul3A_9 : i32
    %add3A_11 = arith.addi %mul3A_10, %mul3A_0 : i32
    "tpu.region"() ({
      %run_scoped3A = tpu.sem_alloc : memref<!tpu.dma_semaphore, #tpu.memory_space<semaphore_mem>>
      %dma_start3A = tpu.memref_slice %arg7[%add3A_11] : memref<200704xf32, #tpu.memory_space<hbm>> -> memref<6272xf32, #tpu.memory_space<hbm>>
      %dma_start3A_15 = tpu.memref_slice %arg7[%add3A_11] : memref<200704xf32, #tpu.memory_space<hbm>> -> memref<6272xf32, #tpu.memory_space<hbm>>
      tpu.enqueue_dma source(%arg14 : memref<6272xf32, #tpu.memory_space<vmem>>) target(%dma_start3A_15 : memref<6272xf32, #tpu.memory_space<hbm>>) target_semaphore(%run_scoped3A : memref<!tpu.dma_semaphore, #tpu.memory_space<semaphore_mem>>)
      %dma_wait3A = tpu.memref_slice %arg7[%add3A_11] : memref<200704xf32, #tpu.memory_space<hbm>> -> memref<6272xf32, #tpu.memory_space<hbm>>
      %dma_wait3A_16 = tpu.memref_slice %arg7[%add3A_11] : memref<200704xf32, #tpu.memory_space<hbm>> -> memref<6272xf32, #tpu.memory_space<hbm>>
      tpu.wait_dma2 semaphore(%run_scoped3A : memref<!tpu.dma_semaphore, #tpu.memory_space<semaphore_mem>>) src(%arg14 : memref<6272xf32, #tpu.memory_space<vmem>>) dst(%dma_wait3A_16 : memref<6272xf32, #tpu.memory_space<hbm>>)
      tpu.yield
    }) : () -> ()
    "tpu.region"() ({
      %run_scoped3A = tpu.sem_alloc : memref<!tpu.dma_semaphore, #tpu.memory_space<semaphore_mem>>
      %dma_start3A = tpu.memref_slice %arg18[%mul3A_0] : memref<100352xf32, #tpu.memory_space<vmem_shared>> -> memref<6272xf32, #tpu.memory_space<vmem_shared>>
      %dma_start3A_15 = tpu.memref_slice %arg18[%mul3A_0] : memref<100352xf32, #tpu.memory_space<vmem_shared>> -> memref<6272xf32, #tpu.memory_space<vmem_shared>>
      tpu.enqueue_dma source(%dma_start3A_15 : memref<6272xf32, #tpu.memory_space<vmem_shared>>) target(%arg14 : memref<6272xf32, #tpu.memory_space<vmem>>) target_semaphore(%run_scoped3A : memref<!tpu.dma_semaphore, #tpu.memory_space<semaphore_mem>>)
      %dma_wait3A = tpu.memref_slice %arg18[%mul3A_0] : memref<100352xf32, #tpu.memory_space<vmem_shared>> -> memref<6272xf32, #tpu.memory_space<vmem_shared>>
      %dma_wait3A_16 = tpu.memref_slice %arg18[%mul3A_0] : memref<100352xf32, #tpu.memory_space<vmem_shared>> -> memref<6272xf32, #tpu.memory_space<vmem_shared>>
      tpu.wait_dma2 semaphore(%run_scoped3A : memref<!tpu.dma_semaphore, #tpu.memory_space<semaphore_mem>>) src(%dma_wait3A_16 : memref<6272xf32, #tpu.memory_space<vmem_shared>>) dst(%arg14 : memref<6272xf32, #tpu.memory_space<vmem>>)
      tpu.yield
    }) : () -> ()
    %mul3A_12 = arith.constant 100352 : i32
    %mul3A_13 = arith.muli %arg0, %mul3A_12 : i32
    %add3A_14 = arith.addi %mul3A_13, %mul3A_0 : i32
    "tpu.region"() ({
      %run_scoped3A = tpu.sem_alloc : memref<!tpu.dma_semaphore, #tpu.memory_space<semaphore_mem>>
      %dma_start3A = tpu.memref_slice %arg8[%add3A_14] : memref<200704xf32, #tpu.memory_space<hbm>> -> memref<6272xf32, #tpu.memory_space<hbm>>
      %dma_start3A_15 = tpu.memref_slice %arg8[%add3A_14] : memref<200704xf32, #tpu.memory_space<hbm>> -> memref<6272xf32, #tpu.memory_space<hbm>>
      tpu.enqueue_dma source(%arg14 : memref<6272xf32, #tpu.memory_space<vmem>>) target(%dma_start3A_15 : memref<6272xf32, #tpu.memory_space<hbm>>) target_semaphore(%run_scoped3A : memref<!tpu.dma_semaphore, #tpu.memory_space<semaphore_mem>>)
      %dma_wait3A = tpu.memref_slice %arg8[%add3A_14] : memref<200704xf32, #tpu.memory_space<hbm>> -> memref<6272xf32, #tpu.memory_space<hbm>>
      %dma_wait3A_16 = tpu.memref_slice %arg8[%add3A_14] : memref<200704xf32, #tpu.memory_space<hbm>> -> memref<6272xf32, #tpu.memory_space<hbm>>
      tpu.wait_dma2 semaphore(%run_scoped3A : memref<!tpu.dma_semaphore, #tpu.memory_space<semaphore_mem>>) src(%arg14 : memref<6272xf32, #tpu.memory_space<vmem>>) dst(%dma_wait3A_16 : memref<6272xf32, #tpu.memory_space<hbm>>)
      tpu.yield
    }) : () -> ()
    return
  }
}

module attributes {stable_mosaic.version = 14 : i64} {
  func.func @body(%arg0: i32, %arg1: memref<2x112x128xf32, #tpu.memory_space<vmem>>, %arg2: memref<2x112x128xf32, #tpu.memory_space<vmem>>, %arg3: memref<112x128xf32, #tpu.memory_space<vmem>>, %arg4: memref<2x64xf32, #tpu.memory_space<vmem>>, %arg5: memref<64xf32, #tpu.memory_space<vmem>>, %arg6: memref<64x1xf32, #tpu.memory_space<vmem>>, %arg7: memref<112x128xf32, #tpu.memory_space<vmem>>) attributes {dimension_semantics = [#tpu.dimension_semantics<arbitrary>], iteration_bounds = array<i64: 7>, scalar_prefetch = 0 : i64, scratch_operands = 0 : i64, tpu.core_type = #tpu.core_type<tc>, window_params = [{transform_indices = @transform_0, window_bounds = array<i64: 2, 112, 128>}, {transform_indices = @transform_1, window_bounds = array<i64: 2, 112, 128>}, {transform_indices = @transform_2, window_bounds = array<i64: 112, 128>}, {pipeline_mode = #tpu.pipeline_mode<synchronous>, transform_indices = @transform_3, window_bounds = array<i64: 2, 64>}, {pipeline_mode = #tpu.pipeline_mode<synchronous>, transform_indices = @transform_4, window_bounds = array<i64: 64>}, {pipeline_mode = #tpu.pipeline_mode<synchronous>, transform_indices = @transform_5, window_bounds = array<i64: 64, 1>}, {transform_indices = @transform_6, window_bounds = array<i64: 112, 128>}]} {
    %get3A = arith.constant 0 : index
    %get3A_0 = arith.constant 0 : index
    %get3A_1 = vector.load %arg3[%get3A, %get3A_0] : memref<112x128xf32, #tpu.memory_space<vmem>>, vector<112x128xf32>
    %get3A_2 = arith.constant 0 : index
    %get3A_3 = arith.constant 0 : index
    %get3A_4 = arith.constant 0 : index
    %get3A_5 = vector.load %arg1[%get3A_2, %get3A_3, %get3A_4] : memref<2x112x128xf32, #tpu.memory_space<vmem>>, vector<1x112x128xf32>
    %get3A_6 = vector.shape_cast %get3A_5 : vector<1x112x128xf32> to vector<112x128xf32>
    %get3A_7 = arith.constant 1 : index
    %get3A_8 = arith.constant 0 : index
    %get3A_9 = arith.constant 0 : index
    %get3A_10 = vector.load %arg1[%get3A_7, %get3A_8, %get3A_9] : memref<2x112x128xf32, #tpu.memory_space<vmem>>, vector<1x112x128xf32>
    %get3A_11 = vector.shape_cast %get3A_10 : vector<1x112x128xf32> to vector<112x128xf32>
    %add3A = arith.addf %get3A_6, %get3A_11 : vector<112x128xf32>
    %mul3A = arith.mulf %add3A, %get3A_1 : vector<112x128xf32>
    %get3A_12 = arith.constant 0 : index
    %get3A_13 = arith.constant 0 : index
    %get3A_14 = arith.constant 0 : index
    %get3A_15 = vector.load %arg2[%get3A_12, %get3A_13, %get3A_14] : memref<2x112x128xf32, #tpu.memory_space<vmem>>, vector<1x112x128xf32>
    %get3A_16 = vector.shape_cast %get3A_15 : vector<1x112x128xf32> to vector<112x128xf32>
    %get3A_17 = arith.constant 1 : index
    %get3A_18 = arith.constant 0 : index
    %get3A_19 = arith.constant 0 : index
    %get3A_20 = vector.load %arg2[%get3A_17, %get3A_18, %get3A_19] : memref<2x112x128xf32, #tpu.memory_space<vmem>>, vector<1x112x128xf32>
    %get3A_21 = vector.shape_cast %get3A_20 : vector<1x112x128xf32> to vector<112x128xf32>
    %add3A_22 = arith.addf %get3A_16, %get3A_21 : vector<112x128xf32>
    %mul3A_23 = arith.mulf %add3A_22, %get3A_1 : vector<112x128xf32>
    %get3A_24 = arith.constant 0 : index
    %get3A_25 = arith.constant 0 : index
    %get3A_26 = vector.load %arg4[%get3A_24, %get3A_25] : memref<2x64xf32, #tpu.memory_space<vmem>>, vector<2x64xf32>
    %get3A_27 = arith.constant 0 : index
    %get3A_28 = vector.load %arg5[%get3A_27] : memref<64xf32, #tpu.memory_space<vmem>>, vector<64xf32>
    %get3A_29 = arith.constant 0 : index
    %get3A_30 = arith.constant 0 : index
    %get3A_31 = vector.load %arg6[%get3A_29, %get3A_30] : memref<64x1xf32, #tpu.memory_space<vmem>>, vector<64x1xf32>
    %broadcast_in_dim3A = arith.constant 0.000000e+00 : f32
    %broadcast_in_dim3A_32 = vector.broadcast %broadcast_in_dim3A : f32 to vector<112x128xf32>
    %slice3A = vector.extract_strided_slice %get3A_26 {offsets = [0, 0], sizes = [1, 1], strides = [1, 1]} : vector<2x64xf32> to vector<1x1xf32>
    %squeeze3A = vector.extract %slice3A[0, 0] : f32 from vector<1x1xf32>
    %mul3A_33 = vector.broadcast %squeeze3A : f32 to vector<112x128xf32>
    %mul3A_34 = arith.mulf %mul3A, %mul3A_33 : vector<112x128xf32>
    %slice3A_35 = vector.extract_strided_slice %get3A_26 {offsets = [1, 0], sizes = [1, 1], strides = [1, 1]} : vector<2x64xf32> to vector<1x1xf32>
    %squeeze3A_36 = vector.extract %slice3A_35[0, 0] : f32 from vector<1x1xf32>
    %mul3A_37 = vector.broadcast %squeeze3A_36 : f32 to vector<112x128xf32>
    %mul3A_38 = arith.mulf %mul3A_23, %mul3A_37 : vector<112x128xf32>
    %add3A_39 = arith.addf %mul3A_34, %mul3A_38 : vector<112x128xf32>
    %slice3A_40 = vector.extract_strided_slice %get3A_28 {offsets = [0], sizes = [1], strides = [1]} : vector<64xf32> to vector<1xf32>
    %squeeze3A_41 = vector.extract %slice3A_40[0] : f32 from vector<1xf32>
    %add3A_42 = vector.broadcast %squeeze3A_41 : f32 to vector<112x128xf32>
    %add3A_43 = arith.addf %add3A_39, %add3A_42 : vector<112x128xf32>
    %max3A = arith.constant 0.000000e+00 : f32
    %max3A_44 = vector.broadcast %max3A : f32 to vector<112x128xf32>
    %max3A_45 = arith.maximumf %add3A_43, %max3A_44 : vector<112x128xf32>
    %slice3A_46 = vector.extract_strided_slice %get3A_31 {offsets = [0, 0], sizes = [1, 1], strides = [1, 1]} : vector<64x1xf32> to vector<1x1xf32>
    %squeeze3A_47 = vector.extract %slice3A_46[0, 0] : f32 from vector<1x1xf32>
    %mul3A_48 = vector.broadcast %squeeze3A_47 : f32 to vector<112x128xf32>
    %mul3A_49 = arith.mulf %max3A_45, %mul3A_48 : vector<112x128xf32>
    %add3A_50 = arith.addf %broadcast_in_dim3A_32, %mul3A_49 : vector<112x128xf32>
    %slice3A_51 = vector.extract_strided_slice %get3A_26 {offsets = [0, 1], sizes = [1, 1], strides = [1, 1]} : vector<2x64xf32> to vector<1x1xf32>
    %squeeze3A_52 = vector.extract %slice3A_51[0, 0] : f32 from vector<1x1xf32>
    %mul3A_53 = vector.broadcast %squeeze3A_52 : f32 to vector<112x128xf32>
    %mul3A_54 = arith.mulf %mul3A, %mul3A_53 : vector<112x128xf32>
    %slice3A_55 = vector.extract_strided_slice %get3A_26 {offsets = [1, 1], sizes = [1, 1], strides = [1, 1]} : vector<2x64xf32> to vector<1x1xf32>
    %squeeze3A_56 = vector.extract %slice3A_55[0, 0] : f32 from vector<1x1xf32>
    %mul3A_57 = vector.broadcast %squeeze3A_56 : f32 to vector<112x128xf32>
    %mul3A_58 = arith.mulf %mul3A_23, %mul3A_57 : vector<112x128xf32>
    %add3A_59 = arith.addf %mul3A_54, %mul3A_58 : vector<112x128xf32>
    %slice3A_60 = vector.extract_strided_slice %get3A_28 {offsets = [1], sizes = [1], strides = [1]} : vector<64xf32> to vector<1xf32>
    %squeeze3A_61 = vector.extract %slice3A_60[0] : f32 from vector<1xf32>
    %add3A_62 = vector.broadcast %squeeze3A_61 : f32 to vector<112x128xf32>
    %add3A_63 = arith.addf %add3A_59, %add3A_62 : vector<112x128xf32>
    %max3A_64 = arith.constant 0.000000e+00 : f32
    %max3A_65 = vector.broadcast %max3A_64 : f32 to vector<112x128xf32>
    %max3A_66 = arith.maximumf %add3A_63, %max3A_65 : vector<112x128xf32>
    %slice3A_67 = vector.extract_strided_slice %get3A_31 {offsets = [1, 0], sizes = [1, 1], strides = [1, 1]} : vector<64x1xf32> to vector<1x1xf32>
    %squeeze3A_68 = vector.extract %slice3A_67[0, 0] : f32 from vector<1x1xf32>
    %mul3A_69 = vector.broadcast %squeeze3A_68 : f32 to vector<112x128xf32>
    %mul3A_70 = arith.mulf %max3A_66, %mul3A_69 : vector<112x128xf32>
    %add3A_71 = arith.addf %add3A_50, %mul3A_70 : vector<112x128xf32>
    %slice3A_72 = vector.extract_strided_slice %get3A_26 {offsets = [0, 2], sizes = [1, 1], strides = [1, 1]} : vector<2x64xf32> to vector<1x1xf32>
    %squeeze3A_73 = vector.extract %slice3A_72[0, 0] : f32 from vector<1x1xf32>
    %mul3A_74 = vector.broadcast %squeeze3A_73 : f32 to vector<112x128xf32>
    %mul3A_75 = arith.mulf %mul3A, %mul3A_74 : vector<112x128xf32>
    %slice3A_76 = vector.extract_strided_slice %get3A_26 {offsets = [1, 2], sizes = [1, 1], strides = [1, 1]} : vector<2x64xf32> to vector<1x1xf32>
    %squeeze3A_77 = vector.extract %slice3A_76[0, 0] : f32 from vector<1x1xf32>
    %mul3A_78 = vector.broadcast %squeeze3A_77 : f32 to vector<112x128xf32>
    %mul3A_79 = arith.mulf %mul3A_23, %mul3A_78 : vector<112x128xf32>
    %add3A_80 = arith.addf %mul3A_75, %mul3A_79 : vector<112x128xf32>
    %slice3A_81 = vector.extract_strided_slice %get3A_28 {offsets = [2], sizes = [1], strides = [1]} : vector<64xf32> to vector<1xf32>
    %squeeze3A_82 = vector.extract %slice3A_81[0] : f32 from vector<1xf32>
    %add3A_83 = vector.broadcast %squeeze3A_82 : f32 to vector<112x128xf32>
    %add3A_84 = arith.addf %add3A_80, %add3A_83 : vector<112x128xf32>
    %max3A_85 = arith.constant 0.000000e+00 : f32
    %max3A_86 = vector.broadcast %max3A_85 : f32 to vector<112x128xf32>
    %max3A_87 = arith.maximumf %add3A_84, %max3A_86 : vector<112x128xf32>
    %slice3A_88 = vector.extract_strided_slice %get3A_31 {offsets = [2, 0], sizes = [1, 1], strides = [1, 1]} : vector<64x1xf32> to vector<1x1xf32>
    %squeeze3A_89 = vector.extract %slice3A_88[0, 0] : f32 from vector<1x1xf32>
    %mul3A_90 = vector.broadcast %squeeze3A_89 : f32 to vector<112x128xf32>
    %mul3A_91 = arith.mulf %max3A_87, %mul3A_90 : vector<112x128xf32>
    %add3A_92 = arith.addf %add3A_71, %mul3A_91 : vector<112x128xf32>
    %slice3A_93 = vector.extract_strided_slice %get3A_26 {offsets = [0, 3], sizes = [1, 1], strides = [1, 1]} : vector<2x64xf32> to vector<1x1xf32>
    %squeeze3A_94 = vector.extract %slice3A_93[0, 0] : f32 from vector<1x1xf32>
    %mul3A_95 = vector.broadcast %squeeze3A_94 : f32 to vector<112x128xf32>
    %mul3A_96 = arith.mulf %mul3A, %mul3A_95 : vector<112x128xf32>
    %slice3A_97 = vector.extract_strided_slice %get3A_26 {offsets = [1, 3], sizes = [1, 1], strides = [1, 1]} : vector<2x64xf32> to vector<1x1xf32>
    %squeeze3A_98 = vector.extract %slice3A_97[0, 0] : f32 from vector<1x1xf32>
    %mul3A_99 = vector.broadcast %squeeze3A_98 : f32 to vector<112x128xf32>
    %mul3A_100 = arith.mulf %mul3A_23, %mul3A_99 : vector<112x128xf32>
    %add3A_101 = arith.addf %mul3A_96, %mul3A_100 : vector<112x128xf32>
    %slice3A_102 = vector.extract_strided_slice %get3A_28 {offsets = [3], sizes = [1], strides = [1]} : vector<64xf32> to vector<1xf32>
    %squeeze3A_103 = vector.extract %slice3A_102[0] : f32 from vector<1xf32>
    %add3A_104 = vector.broadcast %squeeze3A_103 : f32 to vector<112x128xf32>
    %add3A_105 = arith.addf %add3A_101, %add3A_104 : vector<112x128xf32>
    %max3A_106 = arith.constant 0.000000e+00 : f32
    %max3A_107 = vector.broadcast %max3A_106 : f32 to vector<112x128xf32>
    %max3A_108 = arith.maximumf %add3A_105, %max3A_107 : vector<112x128xf32>
    %slice3A_109 = vector.extract_strided_slice %get3A_31 {offsets = [3, 0], sizes = [1, 1], strides = [1, 1]} : vector<64x1xf32> to vector<1x1xf32>
    %squeeze3A_110 = vector.extract %slice3A_109[0, 0] : f32 from vector<1x1xf32>
    %mul3A_111 = vector.broadcast %squeeze3A_110 : f32 to vector<112x128xf32>
    %mul3A_112 = arith.mulf %max3A_108, %mul3A_111 : vector<112x128xf32>
    %add3A_113 = arith.addf %add3A_92, %mul3A_112 : vector<112x128xf32>
    %slice3A_114 = vector.extract_strided_slice %get3A_26 {offsets = [0, 4], sizes = [1, 1], strides = [1, 1]} : vector<2x64xf32> to vector<1x1xf32>
    %squeeze3A_115 = vector.extract %slice3A_114[0, 0] : f32 from vector<1x1xf32>
    %mul3A_116 = vector.broadcast %squeeze3A_115 : f32 to vector<112x128xf32>
    %mul3A_117 = arith.mulf %mul3A, %mul3A_116 : vector<112x128xf32>
    %slice3A_118 = vector.extract_strided_slice %get3A_26 {offsets = [1, 4], sizes = [1, 1], strides = [1, 1]} : vector<2x64xf32> to vector<1x1xf32>
    %squeeze3A_119 = vector.extract %slice3A_118[0, 0] : f32 from vector<1x1xf32>
    %mul3A_120 = vector.broadcast %squeeze3A_119 : f32 to vector<112x128xf32>
    %mul3A_121 = arith.mulf %mul3A_23, %mul3A_120 : vector<112x128xf32>
    %add3A_122 = arith.addf %mul3A_117, %mul3A_121 : vector<112x128xf32>
    %slice3A_123 = vector.extract_strided_slice %get3A_28 {offsets = [4], sizes = [1], strides = [1]} : vector<64xf32> to vector<1xf32>
    %squeeze3A_124 = vector.extract %slice3A_123[0] : f32 from vector<1xf32>
    %add3A_125 = vector.broadcast %squeeze3A_124 : f32 to vector<112x128xf32>
    %add3A_126 = arith.addf %add3A_122, %add3A_125 : vector<112x128xf32>
    %max3A_127 = arith.constant 0.000000e+00 : f32
    %max3A_128 = vector.broadcast %max3A_127 : f32 to vector<112x128xf32>
    %max3A_129 = arith.maximumf %add3A_126, %max3A_128 : vector<112x128xf32>
    %slice3A_130 = vector.extract_strided_slice %get3A_31 {offsets = [4, 0], sizes = [1, 1], strides = [1, 1]} : vector<64x1xf32> to vector<1x1xf32>
    %squeeze3A_131 = vector.extract %slice3A_130[0, 0] : f32 from vector<1x1xf32>
    %mul3A_132 = vector.broadcast %squeeze3A_131 : f32 to vector<112x128xf32>
    %mul3A_133 = arith.mulf %max3A_129, %mul3A_132 : vector<112x128xf32>
    %add3A_134 = arith.addf %add3A_113, %mul3A_133 : vector<112x128xf32>
    %slice3A_135 = vector.extract_strided_slice %get3A_26 {offsets = [0, 5], sizes = [1, 1], strides = [1, 1]} : vector<2x64xf32> to vector<1x1xf32>
    %squeeze3A_136 = vector.extract %slice3A_135[0, 0] : f32 from vector<1x1xf32>
    %mul3A_137 = vector.broadcast %squeeze3A_136 : f32 to vector<112x128xf32>
    %mul3A_138 = arith.mulf %mul3A, %mul3A_137 : vector<112x128xf32>
    %slice3A_139 = vector.extract_strided_slice %get3A_26 {offsets = [1, 5], sizes = [1, 1], strides = [1, 1]} : vector<2x64xf32> to vector<1x1xf32>
    %squeeze3A_140 = vector.extract %slice3A_139[0, 0] : f32 from vector<1x1xf32>
    %mul3A_141 = vector.broadcast %squeeze3A_140 : f32 to vector<112x128xf32>
    %mul3A_142 = arith.mulf %mul3A_23, %mul3A_141 : vector<112x128xf32>
    %add3A_143 = arith.addf %mul3A_138, %mul3A_142 : vector<112x128xf32>
    %slice3A_144 = vector.extract_strided_slice %get3A_28 {offsets = [5], sizes = [1], strides = [1]} : vector<64xf32> to vector<1xf32>
    %squeeze3A_145 = vector.extract %slice3A_144[0] : f32 from vector<1xf32>
    %add3A_146 = vector.broadcast %squeeze3A_145 : f32 to vector<112x128xf32>
    %add3A_147 = arith.addf %add3A_143, %add3A_146 : vector<112x128xf32>
    %max3A_148 = arith.constant 0.000000e+00 : f32
    %max3A_149 = vector.broadcast %max3A_148 : f32 to vector<112x128xf32>
    %max3A_150 = arith.maximumf %add3A_147, %max3A_149 : vector<112x128xf32>
    %slice3A_151 = vector.extract_strided_slice %get3A_31 {offsets = [5, 0], sizes = [1, 1], strides = [1, 1]} : vector<64x1xf32> to vector<1x1xf32>
    %squeeze3A_152 = vector.extract %slice3A_151[0, 0] : f32 from vector<1x1xf32>
    %mul3A_153 = vector.broadcast %squeeze3A_152 : f32 to vector<112x128xf32>
    %mul3A_154 = arith.mulf %max3A_150, %mul3A_153 : vector<112x128xf32>
    %add3A_155 = arith.addf %add3A_134, %mul3A_154 : vector<112x128xf32>
    %slice3A_156 = vector.extract_strided_slice %get3A_26 {offsets = [0, 6], sizes = [1, 1], strides = [1, 1]} : vector<2x64xf32> to vector<1x1xf32>
    %squeeze3A_157 = vector.extract %slice3A_156[0, 0] : f32 from vector<1x1xf32>
    %mul3A_158 = vector.broadcast %squeeze3A_157 : f32 to vector<112x128xf32>
    %mul3A_159 = arith.mulf %mul3A, %mul3A_158 : vector<112x128xf32>
    %slice3A_160 = vector.extract_strided_slice %get3A_26 {offsets = [1, 6], sizes = [1, 1], strides = [1, 1]} : vector<2x64xf32> to vector<1x1xf32>
    %squeeze3A_161 = vector.extract %slice3A_160[0, 0] : f32 from vector<1x1xf32>
    %mul3A_162 = vector.broadcast %squeeze3A_161 : f32 to vector<112x128xf32>
    %mul3A_163 = arith.mulf %mul3A_23, %mul3A_162 : vector<112x128xf32>
    %add3A_164 = arith.addf %mul3A_159, %mul3A_163 : vector<112x128xf32>
    %slice3A_165 = vector.extract_strided_slice %get3A_28 {offsets = [6], sizes = [1], strides = [1]} : vector<64xf32> to vector<1xf32>
    %squeeze3A_166 = vector.extract %slice3A_165[0] : f32 from vector<1xf32>
    %add3A_167 = vector.broadcast %squeeze3A_166 : f32 to vector<112x128xf32>
    %add3A_168 = arith.addf %add3A_164, %add3A_167 : vector<112x128xf32>
    %max3A_169 = arith.constant 0.000000e+00 : f32
    %max3A_170 = vector.broadcast %max3A_169 : f32 to vector<112x128xf32>
    %max3A_171 = arith.maximumf %add3A_168, %max3A_170 : vector<112x128xf32>
    %slice3A_172 = vector.extract_strided_slice %get3A_31 {offsets = [6, 0], sizes = [1, 1], strides = [1, 1]} : vector<64x1xf32> to vector<1x1xf32>
    %squeeze3A_173 = vector.extract %slice3A_172[0, 0] : f32 from vector<1x1xf32>
    %mul3A_174 = vector.broadcast %squeeze3A_173 : f32 to vector<112x128xf32>
    %mul3A_175 = arith.mulf %max3A_171, %mul3A_174 : vector<112x128xf32>
    %add3A_176 = arith.addf %add3A_155, %mul3A_175 : vector<112x128xf32>
    %slice3A_177 = vector.extract_strided_slice %get3A_26 {offsets = [0, 7], sizes = [1, 1], strides = [1, 1]} : vector<2x64xf32> to vector<1x1xf32>
    %squeeze3A_178 = vector.extract %slice3A_177[0, 0] : f32 from vector<1x1xf32>
    %mul3A_179 = vector.broadcast %squeeze3A_178 : f32 to vector<112x128xf32>
    %mul3A_180 = arith.mulf %mul3A, %mul3A_179 : vector<112x128xf32>
    %slice3A_181 = vector.extract_strided_slice %get3A_26 {offsets = [1, 7], sizes = [1, 1], strides = [1, 1]} : vector<2x64xf32> to vector<1x1xf32>
    %squeeze3A_182 = vector.extract %slice3A_181[0, 0] : f32 from vector<1x1xf32>
    %mul3A_183 = vector.broadcast %squeeze3A_182 : f32 to vector<112x128xf32>
    %mul3A_184 = arith.mulf %mul3A_23, %mul3A_183 : vector<112x128xf32>
    %add3A_185 = arith.addf %mul3A_180, %mul3A_184 : vector<112x128xf32>
    %slice3A_186 = vector.extract_strided_slice %get3A_28 {offsets = [7], sizes = [1], strides = [1]} : vector<64xf32> to vector<1xf32>
    %squeeze3A_187 = vector.extract %slice3A_186[0] : f32 from vector<1xf32>
    %add3A_188 = vector.broadcast %squeeze3A_187 : f32 to vector<112x128xf32>
    %add3A_189 = arith.addf %add3A_185, %add3A_188 : vector<112x128xf32>
    %max3A_190 = arith.constant 0.000000e+00 : f32
    %max3A_191 = vector.broadcast %max3A_190 : f32 to vector<112x128xf32>
    %max3A_192 = arith.maximumf %add3A_189, %max3A_191 : vector<112x128xf32>
    %slice3A_193 = vector.extract_strided_slice %get3A_31 {offsets = [7, 0], sizes = [1, 1], strides = [1, 1]} : vector<64x1xf32> to vector<1x1xf32>
    %squeeze3A_194 = vector.extract %slice3A_193[0, 0] : f32 from vector<1x1xf32>
    %mul3A_195 = vector.broadcast %squeeze3A_194 : f32 to vector<112x128xf32>
    %mul3A_196 = arith.mulf %max3A_192, %mul3A_195 : vector<112x128xf32>
    %add3A_197 = arith.addf %add3A_176, %mul3A_196 : vector<112x128xf32>
    %slice3A_198 = vector.extract_strided_slice %get3A_26 {offsets = [0, 8], sizes = [1, 1], strides = [1, 1]} : vector<2x64xf32> to vector<1x1xf32>
    %squeeze3A_199 = vector.extract %slice3A_198[0, 0] : f32 from vector<1x1xf32>
    %mul3A_200 = vector.broadcast %squeeze3A_199 : f32 to vector<112x128xf32>
    %mul3A_201 = arith.mulf %mul3A, %mul3A_200 : vector<112x128xf32>
    %slice3A_202 = vector.extract_strided_slice %get3A_26 {offsets = [1, 8], sizes = [1, 1], strides = [1, 1]} : vector<2x64xf32> to vector<1x1xf32>
    %squeeze3A_203 = vector.extract %slice3A_202[0, 0] : f32 from vector<1x1xf32>
    %mul3A_204 = vector.broadcast %squeeze3A_203 : f32 to vector<112x128xf32>
    %mul3A_205 = arith.mulf %mul3A_23, %mul3A_204 : vector<112x128xf32>
    %add3A_206 = arith.addf %mul3A_201, %mul3A_205 : vector<112x128xf32>
    %slice3A_207 = vector.extract_strided_slice %get3A_28 {offsets = [8], sizes = [1], strides = [1]} : vector<64xf32> to vector<1xf32>
    %squeeze3A_208 = vector.extract %slice3A_207[0] : f32 from vector<1xf32>
    %add3A_209 = vector.broadcast %squeeze3A_208 : f32 to vector<112x128xf32>
    %add3A_210 = arith.addf %add3A_206, %add3A_209 : vector<112x128xf32>
    %max3A_211 = arith.constant 0.000000e+00 : f32
    %max3A_212 = vector.broadcast %max3A_211 : f32 to vector<112x128xf32>
    %max3A_213 = arith.maximumf %add3A_210, %max3A_212 : vector<112x128xf32>
    %slice3A_214 = vector.extract_strided_slice %get3A_31 {offsets = [8, 0], sizes = [1, 1], strides = [1, 1]} : vector<64x1xf32> to vector<1x1xf32>
    %squeeze3A_215 = vector.extract %slice3A_214[0, 0] : f32 from vector<1x1xf32>
    %mul3A_216 = vector.broadcast %squeeze3A_215 : f32 to vector<112x128xf32>
    %mul3A_217 = arith.mulf %max3A_213, %mul3A_216 : vector<112x128xf32>
    %add3A_218 = arith.addf %add3A_197, %mul3A_217 : vector<112x128xf32>
    %slice3A_219 = vector.extract_strided_slice %get3A_26 {offsets = [0, 9], sizes = [1, 1], strides = [1, 1]} : vector<2x64xf32> to vector<1x1xf32>
    %squeeze3A_220 = vector.extract %slice3A_219[0, 0] : f32 from vector<1x1xf32>
    %mul3A_221 = vector.broadcast %squeeze3A_220 : f32 to vector<112x128xf32>
    %mul3A_222 = arith.mulf %mul3A, %mul3A_221 : vector<112x128xf32>
    %slice3A_223 = vector.extract_strided_slice %get3A_26 {offsets = [1, 9], sizes = [1, 1], strides = [1, 1]} : vector<2x64xf32> to vector<1x1xf32>
    %squeeze3A_224 = vector.extract %slice3A_223[0, 0] : f32 from vector<1x1xf32>
    %mul3A_225 = vector.broadcast %squeeze3A_224 : f32 to vector<112x128xf32>
    %mul3A_226 = arith.mulf %mul3A_23, %mul3A_225 : vector<112x128xf32>
    %add3A_227 = arith.addf %mul3A_222, %mul3A_226 : vector<112x128xf32>
    %slice3A_228 = vector.extract_strided_slice %get3A_28 {offsets = [9], sizes = [1], strides = [1]} : vector<64xf32> to vector<1xf32>
    %squeeze3A_229 = vector.extract %slice3A_228[0] : f32 from vector<1xf32>
    %add3A_230 = vector.broadcast %squeeze3A_229 : f32 to vector<112x128xf32>
    %add3A_231 = arith.addf %add3A_227, %add3A_230 : vector<112x128xf32>
    %max3A_232 = arith.constant 0.000000e+00 : f32
    %max3A_233 = vector.broadcast %max3A_232 : f32 to vector<112x128xf32>
    %max3A_234 = arith.maximumf %add3A_231, %max3A_233 : vector<112x128xf32>
    %slice3A_235 = vector.extract_strided_slice %get3A_31 {offsets = [9, 0], sizes = [1, 1], strides = [1, 1]} : vector<64x1xf32> to vector<1x1xf32>
    %squeeze3A_236 = vector.extract %slice3A_235[0, 0] : f32 from vector<1x1xf32>
    %mul3A_237 = vector.broadcast %squeeze3A_236 : f32 to vector<112x128xf32>
    %mul3A_238 = arith.mulf %max3A_234, %mul3A_237 : vector<112x128xf32>
    %add3A_239 = arith.addf %add3A_218, %mul3A_238 : vector<112x128xf32>
    %slice3A_240 = vector.extract_strided_slice %get3A_26 {offsets = [0, 10], sizes = [1, 1], strides = [1, 1]} : vector<2x64xf32> to vector<1x1xf32>
    %squeeze3A_241 = vector.extract %slice3A_240[0, 0] : f32 from vector<1x1xf32>
    %mul3A_242 = vector.broadcast %squeeze3A_241 : f32 to vector<112x128xf32>
    %mul3A_243 = arith.mulf %mul3A, %mul3A_242 : vector<112x128xf32>
    %slice3A_244 = vector.extract_strided_slice %get3A_26 {offsets = [1, 10], sizes = [1, 1], strides = [1, 1]} : vector<2x64xf32> to vector<1x1xf32>
    %squeeze3A_245 = vector.extract %slice3A_244[0, 0] : f32 from vector<1x1xf32>
    %mul3A_246 = vector.broadcast %squeeze3A_245 : f32 to vector<112x128xf32>
    %mul3A_247 = arith.mulf %mul3A_23, %mul3A_246 : vector<112x128xf32>
    %add3A_248 = arith.addf %mul3A_243, %mul3A_247 : vector<112x128xf32>
    %slice3A_249 = vector.extract_strided_slice %get3A_28 {offsets = [10], sizes = [1], strides = [1]} : vector<64xf32> to vector<1xf32>
    %squeeze3A_250 = vector.extract %slice3A_249[0] : f32 from vector<1xf32>
    %add3A_251 = vector.broadcast %squeeze3A_250 : f32 to vector<112x128xf32>
    %add3A_252 = arith.addf %add3A_248, %add3A_251 : vector<112x128xf32>
    %max3A_253 = arith.constant 0.000000e+00 : f32
    %max3A_254 = vector.broadcast %max3A_253 : f32 to vector<112x128xf32>
    %max3A_255 = arith.maximumf %add3A_252, %max3A_254 : vector<112x128xf32>
    %slice3A_256 = vector.extract_strided_slice %get3A_31 {offsets = [10, 0], sizes = [1, 1], strides = [1, 1]} : vector<64x1xf32> to vector<1x1xf32>
    %squeeze3A_257 = vector.extract %slice3A_256[0, 0] : f32 from vector<1x1xf32>
    %mul3A_258 = vector.broadcast %squeeze3A_257 : f32 to vector<112x128xf32>
    %mul3A_259 = arith.mulf %max3A_255, %mul3A_258 : vector<112x128xf32>
    %add3A_260 = arith.addf %add3A_239, %mul3A_259 : vector<112x128xf32>
    %slice3A_261 = vector.extract_strided_slice %get3A_26 {offsets = [0, 11], sizes = [1, 1], strides = [1, 1]} : vector<2x64xf32> to vector<1x1xf32>
    %squeeze3A_262 = vector.extract %slice3A_261[0, 0] : f32 from vector<1x1xf32>
    %mul3A_263 = vector.broadcast %squeeze3A_262 : f32 to vector<112x128xf32>
    %mul3A_264 = arith.mulf %mul3A, %mul3A_263 : vector<112x128xf32>
    %slice3A_265 = vector.extract_strided_slice %get3A_26 {offsets = [1, 11], sizes = [1, 1], strides = [1, 1]} : vector<2x64xf32> to vector<1x1xf32>
    %squeeze3A_266 = vector.extract %slice3A_265[0, 0] : f32 from vector<1x1xf32>
    %mul3A_267 = vector.broadcast %squeeze3A_266 : f32 to vector<112x128xf32>
    %mul3A_268 = arith.mulf %mul3A_23, %mul3A_267 : vector<112x128xf32>
    %add3A_269 = arith.addf %mul3A_264, %mul3A_268 : vector<112x128xf32>
    %slice3A_270 = vector.extract_strided_slice %get3A_28 {offsets = [11], sizes = [1], strides = [1]} : vector<64xf32> to vector<1xf32>
    %squeeze3A_271 = vector.extract %slice3A_270[0] : f32 from vector<1xf32>
    %add3A_272 = vector.broadcast %squeeze3A_271 : f32 to vector<112x128xf32>
    %add3A_273 = arith.addf %add3A_269, %add3A_272 : vector<112x128xf32>
    %max3A_274 = arith.constant 0.000000e+00 : f32
    %max3A_275 = vector.broadcast %max3A_274 : f32 to vector<112x128xf32>
    %max3A_276 = arith.maximumf %add3A_273, %max3A_275 : vector<112x128xf32>
    %slice3A_277 = vector.extract_strided_slice %get3A_31 {offsets = [11, 0], sizes = [1, 1], strides = [1, 1]} : vector<64x1xf32> to vector<1x1xf32>
    %squeeze3A_278 = vector.extract %slice3A_277[0, 0] : f32 from vector<1x1xf32>
    %mul3A_279 = vector.broadcast %squeeze3A_278 : f32 to vector<112x128xf32>
    %mul3A_280 = arith.mulf %max3A_276, %mul3A_279 : vector<112x128xf32>
    %add3A_281 = arith.addf %add3A_260, %mul3A_280 : vector<112x128xf32>
    %slice3A_282 = vector.extract_strided_slice %get3A_26 {offsets = [0, 12], sizes = [1, 1], strides = [1, 1]} : vector<2x64xf32> to vector<1x1xf32>
    %squeeze3A_283 = vector.extract %slice3A_282[0, 0] : f32 from vector<1x1xf32>
    %mul3A_284 = vector.broadcast %squeeze3A_283 : f32 to vector<112x128xf32>
    %mul3A_285 = arith.mulf %mul3A, %mul3A_284 : vector<112x128xf32>
    %slice3A_286 = vector.extract_strided_slice %get3A_26 {offsets = [1, 12], sizes = [1, 1], strides = [1, 1]} : vector<2x64xf32> to vector<1x1xf32>
    %squeeze3A_287 = vector.extract %slice3A_286[0, 0] : f32 from vector<1x1xf32>
    %mul3A_288 = vector.broadcast %squeeze3A_287 : f32 to vector<112x128xf32>
    %mul3A_289 = arith.mulf %mul3A_23, %mul3A_288 : vector<112x128xf32>
    %add3A_290 = arith.addf %mul3A_285, %mul3A_289 : vector<112x128xf32>
    %slice3A_291 = vector.extract_strided_slice %get3A_28 {offsets = [12], sizes = [1], strides = [1]} : vector<64xf32> to vector<1xf32>
    %squeeze3A_292 = vector.extract %slice3A_291[0] : f32 from vector<1xf32>
    %add3A_293 = vector.broadcast %squeeze3A_292 : f32 to vector<112x128xf32>
    %add3A_294 = arith.addf %add3A_290, %add3A_293 : vector<112x128xf32>
    %max3A_295 = arith.constant 0.000000e+00 : f32
    %max3A_296 = vector.broadcast %max3A_295 : f32 to vector<112x128xf32>
    %max3A_297 = arith.maximumf %add3A_294, %max3A_296 : vector<112x128xf32>
    %slice3A_298 = vector.extract_strided_slice %get3A_31 {offsets = [12, 0], sizes = [1, 1], strides = [1, 1]} : vector<64x1xf32> to vector<1x1xf32>
    %squeeze3A_299 = vector.extract %slice3A_298[0, 0] : f32 from vector<1x1xf32>
    %mul3A_300 = vector.broadcast %squeeze3A_299 : f32 to vector<112x128xf32>
    %mul3A_301 = arith.mulf %max3A_297, %mul3A_300 : vector<112x128xf32>
    %add3A_302 = arith.addf %add3A_281, %mul3A_301 : vector<112x128xf32>
    %slice3A_303 = vector.extract_strided_slice %get3A_26 {offsets = [0, 13], sizes = [1, 1], strides = [1, 1]} : vector<2x64xf32> to vector<1x1xf32>
    %squeeze3A_304 = vector.extract %slice3A_303[0, 0] : f32 from vector<1x1xf32>
    %mul3A_305 = vector.broadcast %squeeze3A_304 : f32 to vector<112x128xf32>
    %mul3A_306 = arith.mulf %mul3A, %mul3A_305 : vector<112x128xf32>
    %slice3A_307 = vector.extract_strided_slice %get3A_26 {offsets = [1, 13], sizes = [1, 1], strides = [1, 1]} : vector<2x64xf32> to vector<1x1xf32>
    %squeeze3A_308 = vector.extract %slice3A_307[0, 0] : f32 from vector<1x1xf32>
    %mul3A_309 = vector.broadcast %squeeze3A_308 : f32 to vector<112x128xf32>
    %mul3A_310 = arith.mulf %mul3A_23, %mul3A_309 : vector<112x128xf32>
    %add3A_311 = arith.addf %mul3A_306, %mul3A_310 : vector<112x128xf32>
    %slice3A_312 = vector.extract_strided_slice %get3A_28 {offsets = [13], sizes = [1], strides = [1]} : vector<64xf32> to vector<1xf32>
    %squeeze3A_313 = vector.extract %slice3A_312[0] : f32 from vector<1xf32>
    %add3A_314 = vector.broadcast %squeeze3A_313 : f32 to vector<112x128xf32>
    %add3A_315 = arith.addf %add3A_311, %add3A_314 : vector<112x128xf32>
    %max3A_316 = arith.constant 0.000000e+00 : f32
    %max3A_317 = vector.broadcast %max3A_316 : f32 to vector<112x128xf32>
    %max3A_318 = arith.maximumf %add3A_315, %max3A_317 : vector<112x128xf32>
    %slice3A_319 = vector.extract_strided_slice %get3A_31 {offsets = [13, 0], sizes = [1, 1], strides = [1, 1]} : vector<64x1xf32> to vector<1x1xf32>
    %squeeze3A_320 = vector.extract %slice3A_319[0, 0] : f32 from vector<1x1xf32>
    %mul3A_321 = vector.broadcast %squeeze3A_320 : f32 to vector<112x128xf32>
    %mul3A_322 = arith.mulf %max3A_318, %mul3A_321 : vector<112x128xf32>
    %add3A_323 = arith.addf %add3A_302, %mul3A_322 : vector<112x128xf32>
    %slice3A_324 = vector.extract_strided_slice %get3A_26 {offsets = [0, 14], sizes = [1, 1], strides = [1, 1]} : vector<2x64xf32> to vector<1x1xf32>
    %squeeze3A_325 = vector.extract %slice3A_324[0, 0] : f32 from vector<1x1xf32>
    %mul3A_326 = vector.broadcast %squeeze3A_325 : f32 to vector<112x128xf32>
    %mul3A_327 = arith.mulf %mul3A, %mul3A_326 : vector<112x128xf32>
    %slice3A_328 = vector.extract_strided_slice %get3A_26 {offsets = [1, 14], sizes = [1, 1], strides = [1, 1]} : vector<2x64xf32> to vector<1x1xf32>
    %squeeze3A_329 = vector.extract %slice3A_328[0, 0] : f32 from vector<1x1xf32>
    %mul3A_330 = vector.broadcast %squeeze3A_329 : f32 to vector<112x128xf32>
    %mul3A_331 = arith.mulf %mul3A_23, %mul3A_330 : vector<112x128xf32>
    %add3A_332 = arith.addf %mul3A_327, %mul3A_331 : vector<112x128xf32>
    %slice3A_333 = vector.extract_strided_slice %get3A_28 {offsets = [14], sizes = [1], strides = [1]} : vector<64xf32> to vector<1xf32>
    %squeeze3A_334 = vector.extract %slice3A_333[0] : f32 from vector<1xf32>
    %add3A_335 = vector.broadcast %squeeze3A_334 : f32 to vector<112x128xf32>
    %add3A_336 = arith.addf %add3A_332, %add3A_335 : vector<112x128xf32>
    %max3A_337 = arith.constant 0.000000e+00 : f32
    %max3A_338 = vector.broadcast %max3A_337 : f32 to vector<112x128xf32>
    %max3A_339 = arith.maximumf %add3A_336, %max3A_338 : vector<112x128xf32>
    %slice3A_340 = vector.extract_strided_slice %get3A_31 {offsets = [14, 0], sizes = [1, 1], strides = [1, 1]} : vector<64x1xf32> to vector<1x1xf32>
    %squeeze3A_341 = vector.extract %slice3A_340[0, 0] : f32 from vector<1x1xf32>
    %mul3A_342 = vector.broadcast %squeeze3A_341 : f32 to vector<112x128xf32>
    %mul3A_343 = arith.mulf %max3A_339, %mul3A_342 : vector<112x128xf32>
    %add3A_344 = arith.addf %add3A_323, %mul3A_343 : vector<112x128xf32>
    %slice3A_345 = vector.extract_strided_slice %get3A_26 {offsets = [0, 15], sizes = [1, 1], strides = [1, 1]} : vector<2x64xf32> to vector<1x1xf32>
    %squeeze3A_346 = vector.extract %slice3A_345[0, 0] : f32 from vector<1x1xf32>
    %mul3A_347 = vector.broadcast %squeeze3A_346 : f32 to vector<112x128xf32>
    %mul3A_348 = arith.mulf %mul3A, %mul3A_347 : vector<112x128xf32>
    %slice3A_349 = vector.extract_strided_slice %get3A_26 {offsets = [1, 15], sizes = [1, 1], strides = [1, 1]} : vector<2x64xf32> to vector<1x1xf32>
    %squeeze3A_350 = vector.extract %slice3A_349[0, 0] : f32 from vector<1x1xf32>
    %mul3A_351 = vector.broadcast %squeeze3A_350 : f32 to vector<112x128xf32>
    %mul3A_352 = arith.mulf %mul3A_23, %mul3A_351 : vector<112x128xf32>
    %add3A_353 = arith.addf %mul3A_348, %mul3A_352 : vector<112x128xf32>
    %slice3A_354 = vector.extract_strided_slice %get3A_28 {offsets = [15], sizes = [1], strides = [1]} : vector<64xf32> to vector<1xf32>
    %squeeze3A_355 = vector.extract %slice3A_354[0] : f32 from vector<1xf32>
    %add3A_356 = vector.broadcast %squeeze3A_355 : f32 to vector<112x128xf32>
    %add3A_357 = arith.addf %add3A_353, %add3A_356 : vector<112x128xf32>
    %max3A_358 = arith.constant 0.000000e+00 : f32
    %max3A_359 = vector.broadcast %max3A_358 : f32 to vector<112x128xf32>
    %max3A_360 = arith.maximumf %add3A_357, %max3A_359 : vector<112x128xf32>
    %slice3A_361 = vector.extract_strided_slice %get3A_31 {offsets = [15, 0], sizes = [1, 1], strides = [1, 1]} : vector<64x1xf32> to vector<1x1xf32>
    %squeeze3A_362 = vector.extract %slice3A_361[0, 0] : f32 from vector<1x1xf32>
    %mul3A_363 = vector.broadcast %squeeze3A_362 : f32 to vector<112x128xf32>
    %mul3A_364 = arith.mulf %max3A_360, %mul3A_363 : vector<112x128xf32>
    %add3A_365 = arith.addf %add3A_344, %mul3A_364 : vector<112x128xf32>
    %slice3A_366 = vector.extract_strided_slice %get3A_26 {offsets = [0, 16], sizes = [1, 1], strides = [1, 1]} : vector<2x64xf32> to vector<1x1xf32>
    %squeeze3A_367 = vector.extract %slice3A_366[0, 0] : f32 from vector<1x1xf32>
    %mul3A_368 = vector.broadcast %squeeze3A_367 : f32 to vector<112x128xf32>
    %mul3A_369 = arith.mulf %mul3A, %mul3A_368 : vector<112x128xf32>
    %slice3A_370 = vector.extract_strided_slice %get3A_26 {offsets = [1, 16], sizes = [1, 1], strides = [1, 1]} : vector<2x64xf32> to vector<1x1xf32>
    %squeeze3A_371 = vector.extract %slice3A_370[0, 0] : f32 from vector<1x1xf32>
    %mul3A_372 = vector.broadcast %squeeze3A_371 : f32 to vector<112x128xf32>
    %mul3A_373 = arith.mulf %mul3A_23, %mul3A_372 : vector<112x128xf32>
    %add3A_374 = arith.addf %mul3A_369, %mul3A_373 : vector<112x128xf32>
    %slice3A_375 = vector.extract_strided_slice %get3A_28 {offsets = [16], sizes = [1], strides = [1]} : vector<64xf32> to vector<1xf32>
    %squeeze3A_376 = vector.extract %slice3A_375[0] : f32 from vector<1xf32>
    %add3A_377 = vector.broadcast %squeeze3A_376 : f32 to vector<112x128xf32>
    %add3A_378 = arith.addf %add3A_374, %add3A_377 : vector<112x128xf32>
    %max3A_379 = arith.constant 0.000000e+00 : f32
    %max3A_380 = vector.broadcast %max3A_379 : f32 to vector<112x128xf32>
    %max3A_381 = arith.maximumf %add3A_378, %max3A_380 : vector<112x128xf32>
    %slice3A_382 = vector.extract_strided_slice %get3A_31 {offsets = [16, 0], sizes = [1, 1], strides = [1, 1]} : vector<64x1xf32> to vector<1x1xf32>
    %squeeze3A_383 = vector.extract %slice3A_382[0, 0] : f32 from vector<1x1xf32>
    %mul3A_384 = vector.broadcast %squeeze3A_383 : f32 to vector<112x128xf32>
    %mul3A_385 = arith.mulf %max3A_381, %mul3A_384 : vector<112x128xf32>
    %add3A_386 = arith.addf %add3A_365, %mul3A_385 : vector<112x128xf32>
    %slice3A_387 = vector.extract_strided_slice %get3A_26 {offsets = [0, 17], sizes = [1, 1], strides = [1, 1]} : vector<2x64xf32> to vector<1x1xf32>
    %squeeze3A_388 = vector.extract %slice3A_387[0, 0] : f32 from vector<1x1xf32>
    %mul3A_389 = vector.broadcast %squeeze3A_388 : f32 to vector<112x128xf32>
    %mul3A_390 = arith.mulf %mul3A, %mul3A_389 : vector<112x128xf32>
    %slice3A_391 = vector.extract_strided_slice %get3A_26 {offsets = [1, 17], sizes = [1, 1], strides = [1, 1]} : vector<2x64xf32> to vector<1x1xf32>
    %squeeze3A_392 = vector.extract %slice3A_391[0, 0] : f32 from vector<1x1xf32>
    %mul3A_393 = vector.broadcast %squeeze3A_392 : f32 to vector<112x128xf32>
    %mul3A_394 = arith.mulf %mul3A_23, %mul3A_393 : vector<112x128xf32>
    %add3A_395 = arith.addf %mul3A_390, %mul3A_394 : vector<112x128xf32>
    %slice3A_396 = vector.extract_strided_slice %get3A_28 {offsets = [17], sizes = [1], strides = [1]} : vector<64xf32> to vector<1xf32>
    %squeeze3A_397 = vector.extract %slice3A_396[0] : f32 from vector<1xf32>
    %add3A_398 = vector.broadcast %squeeze3A_397 : f32 to vector<112x128xf32>
    %add3A_399 = arith.addf %add3A_395, %add3A_398 : vector<112x128xf32>
    %max3A_400 = arith.constant 0.000000e+00 : f32
    %max3A_401 = vector.broadcast %max3A_400 : f32 to vector<112x128xf32>
    %max3A_402 = arith.maximumf %add3A_399, %max3A_401 : vector<112x128xf32>
    %slice3A_403 = vector.extract_strided_slice %get3A_31 {offsets = [17, 0], sizes = [1, 1], strides = [1, 1]} : vector<64x1xf32> to vector<1x1xf32>
    %squeeze3A_404 = vector.extract %slice3A_403[0, 0] : f32 from vector<1x1xf32>
    %mul3A_405 = vector.broadcast %squeeze3A_404 : f32 to vector<112x128xf32>
    %mul3A_406 = arith.mulf %max3A_402, %mul3A_405 : vector<112x128xf32>
    %add3A_407 = arith.addf %add3A_386, %mul3A_406 : vector<112x128xf32>
    %slice3A_408 = vector.extract_strided_slice %get3A_26 {offsets = [0, 18], sizes = [1, 1], strides = [1, 1]} : vector<2x64xf32> to vector<1x1xf32>
    %squeeze3A_409 = vector.extract %slice3A_408[0, 0] : f32 from vector<1x1xf32>
    %mul3A_410 = vector.broadcast %squeeze3A_409 : f32 to vector<112x128xf32>
    %mul3A_411 = arith.mulf %mul3A, %mul3A_410 : vector<112x128xf32>
    %slice3A_412 = vector.extract_strided_slice %get3A_26 {offsets = [1, 18], sizes = [1, 1], strides = [1, 1]} : vector<2x64xf32> to vector<1x1xf32>
    %squeeze3A_413 = vector.extract %slice3A_412[0, 0] : f32 from vector<1x1xf32>
    %mul3A_414 = vector.broadcast %squeeze3A_413 : f32 to vector<112x128xf32>
    %mul3A_415 = arith.mulf %mul3A_23, %mul3A_414 : vector<112x128xf32>
    %add3A_416 = arith.addf %mul3A_411, %mul3A_415 : vector<112x128xf32>
    %slice3A_417 = vector.extract_strided_slice %get3A_28 {offsets = [18], sizes = [1], strides = [1]} : vector<64xf32> to vector<1xf32>
    %squeeze3A_418 = vector.extract %slice3A_417[0] : f32 from vector<1xf32>
    %add3A_419 = vector.broadcast %squeeze3A_418 : f32 to vector<112x128xf32>
    %add3A_420 = arith.addf %add3A_416, %add3A_419 : vector<112x128xf32>
    %max3A_421 = arith.constant 0.000000e+00 : f32
    %max3A_422 = vector.broadcast %max3A_421 : f32 to vector<112x128xf32>
    %max3A_423 = arith.maximumf %add3A_420, %max3A_422 : vector<112x128xf32>
    %slice3A_424 = vector.extract_strided_slice %get3A_31 {offsets = [18, 0], sizes = [1, 1], strides = [1, 1]} : vector<64x1xf32> to vector<1x1xf32>
    %squeeze3A_425 = vector.extract %slice3A_424[0, 0] : f32 from vector<1x1xf32>
    %mul3A_426 = vector.broadcast %squeeze3A_425 : f32 to vector<112x128xf32>
    %mul3A_427 = arith.mulf %max3A_423, %mul3A_426 : vector<112x128xf32>
    %add3A_428 = arith.addf %add3A_407, %mul3A_427 : vector<112x128xf32>
    %slice3A_429 = vector.extract_strided_slice %get3A_26 {offsets = [0, 19], sizes = [1, 1], strides = [1, 1]} : vector<2x64xf32> to vector<1x1xf32>
    %squeeze3A_430 = vector.extract %slice3A_429[0, 0] : f32 from vector<1x1xf32>
    %mul3A_431 = vector.broadcast %squeeze3A_430 : f32 to vector<112x128xf32>
    %mul3A_432 = arith.mulf %mul3A, %mul3A_431 : vector<112x128xf32>
    %slice3A_433 = vector.extract_strided_slice %get3A_26 {offsets = [1, 19], sizes = [1, 1], strides = [1, 1]} : vector<2x64xf32> to vector<1x1xf32>
    %squeeze3A_434 = vector.extract %slice3A_433[0, 0] : f32 from vector<1x1xf32>
    %mul3A_435 = vector.broadcast %squeeze3A_434 : f32 to vector<112x128xf32>
    %mul3A_436 = arith.mulf %mul3A_23, %mul3A_435 : vector<112x128xf32>
    %add3A_437 = arith.addf %mul3A_432, %mul3A_436 : vector<112x128xf32>
    %slice3A_438 = vector.extract_strided_slice %get3A_28 {offsets = [19], sizes = [1], strides = [1]} : vector<64xf32> to vector<1xf32>
    %squeeze3A_439 = vector.extract %slice3A_438[0] : f32 from vector<1xf32>
    %add3A_440 = vector.broadcast %squeeze3A_439 : f32 to vector<112x128xf32>
    %add3A_441 = arith.addf %add3A_437, %add3A_440 : vector<112x128xf32>
    %max3A_442 = arith.constant 0.000000e+00 : f32
    %max3A_443 = vector.broadcast %max3A_442 : f32 to vector<112x128xf32>
    %max3A_444 = arith.maximumf %add3A_441, %max3A_443 : vector<112x128xf32>
    %slice3A_445 = vector.extract_strided_slice %get3A_31 {offsets = [19, 0], sizes = [1, 1], strides = [1, 1]} : vector<64x1xf32> to vector<1x1xf32>
    %squeeze3A_446 = vector.extract %slice3A_445[0, 0] : f32 from vector<1x1xf32>
    %mul3A_447 = vector.broadcast %squeeze3A_446 : f32 to vector<112x128xf32>
    %mul3A_448 = arith.mulf %max3A_444, %mul3A_447 : vector<112x128xf32>
    %add3A_449 = arith.addf %add3A_428, %mul3A_448 : vector<112x128xf32>
    %slice3A_450 = vector.extract_strided_slice %get3A_26 {offsets = [0, 20], sizes = [1, 1], strides = [1, 1]} : vector<2x64xf32> to vector<1x1xf32>
    %squeeze3A_451 = vector.extract %slice3A_450[0, 0] : f32 from vector<1x1xf32>
    %mul3A_452 = vector.broadcast %squeeze3A_451 : f32 to vector<112x128xf32>
    %mul3A_453 = arith.mulf %mul3A, %mul3A_452 : vector<112x128xf32>
    %slice3A_454 = vector.extract_strided_slice %get3A_26 {offsets = [1, 20], sizes = [1, 1], strides = [1, 1]} : vector<2x64xf32> to vector<1x1xf32>
    %squeeze3A_455 = vector.extract %slice3A_454[0, 0] : f32 from vector<1x1xf32>
    %mul3A_456 = vector.broadcast %squeeze3A_455 : f32 to vector<112x128xf32>
    %mul3A_457 = arith.mulf %mul3A_23, %mul3A_456 : vector<112x128xf32>
    %add3A_458 = arith.addf %mul3A_453, %mul3A_457 : vector<112x128xf32>
    %slice3A_459 = vector.extract_strided_slice %get3A_28 {offsets = [20], sizes = [1], strides = [1]} : vector<64xf32> to vector<1xf32>
    %squeeze3A_460 = vector.extract %slice3A_459[0] : f32 from vector<1xf32>
    %add3A_461 = vector.broadcast %squeeze3A_460 : f32 to vector<112x128xf32>
    %add3A_462 = arith.addf %add3A_458, %add3A_461 : vector<112x128xf32>
    %max3A_463 = arith.constant 0.000000e+00 : f32
    %max3A_464 = vector.broadcast %max3A_463 : f32 to vector<112x128xf32>
    %max3A_465 = arith.maximumf %add3A_462, %max3A_464 : vector<112x128xf32>
    %slice3A_466 = vector.extract_strided_slice %get3A_31 {offsets = [20, 0], sizes = [1, 1], strides = [1, 1]} : vector<64x1xf32> to vector<1x1xf32>
    %squeeze3A_467 = vector.extract %slice3A_466[0, 0] : f32 from vector<1x1xf32>
    %mul3A_468 = vector.broadcast %squeeze3A_467 : f32 to vector<112x128xf32>
    %mul3A_469 = arith.mulf %max3A_465, %mul3A_468 : vector<112x128xf32>
    %add3A_470 = arith.addf %add3A_449, %mul3A_469 : vector<112x128xf32>
    %slice3A_471 = vector.extract_strided_slice %get3A_26 {offsets = [0, 21], sizes = [1, 1], strides = [1, 1]} : vector<2x64xf32> to vector<1x1xf32>
    %squeeze3A_472 = vector.extract %slice3A_471[0, 0] : f32 from vector<1x1xf32>
    %mul3A_473 = vector.broadcast %squeeze3A_472 : f32 to vector<112x128xf32>
    %mul3A_474 = arith.mulf %mul3A, %mul3A_473 : vector<112x128xf32>
    %slice3A_475 = vector.extract_strided_slice %get3A_26 {offsets = [1, 21], sizes = [1, 1], strides = [1, 1]} : vector<2x64xf32> to vector<1x1xf32>
    %squeeze3A_476 = vector.extract %slice3A_475[0, 0] : f32 from vector<1x1xf32>
    %mul3A_477 = vector.broadcast %squeeze3A_476 : f32 to vector<112x128xf32>
    %mul3A_478 = arith.mulf %mul3A_23, %mul3A_477 : vector<112x128xf32>
    %add3A_479 = arith.addf %mul3A_474, %mul3A_478 : vector<112x128xf32>
    %slice3A_480 = vector.extract_strided_slice %get3A_28 {offsets = [21], sizes = [1], strides = [1]} : vector<64xf32> to vector<1xf32>
    %squeeze3A_481 = vector.extract %slice3A_480[0] : f32 from vector<1xf32>
    %add3A_482 = vector.broadcast %squeeze3A_481 : f32 to vector<112x128xf32>
    %add3A_483 = arith.addf %add3A_479, %add3A_482 : vector<112x128xf32>
    %max3A_484 = arith.constant 0.000000e+00 : f32
    %max3A_485 = vector.broadcast %max3A_484 : f32 to vector<112x128xf32>
    %max3A_486 = arith.maximumf %add3A_483, %max3A_485 : vector<112x128xf32>
    %slice3A_487 = vector.extract_strided_slice %get3A_31 {offsets = [21, 0], sizes = [1, 1], strides = [1, 1]} : vector<64x1xf32> to vector<1x1xf32>
    %squeeze3A_488 = vector.extract %slice3A_487[0, 0] : f32 from vector<1x1xf32>
    %mul3A_489 = vector.broadcast %squeeze3A_488 : f32 to vector<112x128xf32>
    %mul3A_490 = arith.mulf %max3A_486, %mul3A_489 : vector<112x128xf32>
    %add3A_491 = arith.addf %add3A_470, %mul3A_490 : vector<112x128xf32>
    %slice3A_492 = vector.extract_strided_slice %get3A_26 {offsets = [0, 22], sizes = [1, 1], strides = [1, 1]} : vector<2x64xf32> to vector<1x1xf32>
    %squeeze3A_493 = vector.extract %slice3A_492[0, 0] : f32 from vector<1x1xf32>
    %mul3A_494 = vector.broadcast %squeeze3A_493 : f32 to vector<112x128xf32>
    %mul3A_495 = arith.mulf %mul3A, %mul3A_494 : vector<112x128xf32>
    %slice3A_496 = vector.extract_strided_slice %get3A_26 {offsets = [1, 22], sizes = [1, 1], strides = [1, 1]} : vector<2x64xf32> to vector<1x1xf32>
    %squeeze3A_497 = vector.extract %slice3A_496[0, 0] : f32 from vector<1x1xf32>
    %mul3A_498 = vector.broadcast %squeeze3A_497 : f32 to vector<112x128xf32>
    %mul3A_499 = arith.mulf %mul3A_23, %mul3A_498 : vector<112x128xf32>
    %add3A_500 = arith.addf %mul3A_495, %mul3A_499 : vector<112x128xf32>
    %slice3A_501 = vector.extract_strided_slice %get3A_28 {offsets = [22], sizes = [1], strides = [1]} : vector<64xf32> to vector<1xf32>
    %squeeze3A_502 = vector.extract %slice3A_501[0] : f32 from vector<1xf32>
    %add3A_503 = vector.broadcast %squeeze3A_502 : f32 to vector<112x128xf32>
    %add3A_504 = arith.addf %add3A_500, %add3A_503 : vector<112x128xf32>
    %max3A_505 = arith.constant 0.000000e+00 : f32
    %max3A_506 = vector.broadcast %max3A_505 : f32 to vector<112x128xf32>
    %max3A_507 = arith.maximumf %add3A_504, %max3A_506 : vector<112x128xf32>
    %slice3A_508 = vector.extract_strided_slice %get3A_31 {offsets = [22, 0], sizes = [1, 1], strides = [1, 1]} : vector<64x1xf32> to vector<1x1xf32>
    %squeeze3A_509 = vector.extract %slice3A_508[0, 0] : f32 from vector<1x1xf32>
    %mul3A_510 = vector.broadcast %squeeze3A_509 : f32 to vector<112x128xf32>
    %mul3A_511 = arith.mulf %max3A_507, %mul3A_510 : vector<112x128xf32>
    %add3A_512 = arith.addf %add3A_491, %mul3A_511 : vector<112x128xf32>
    %slice3A_513 = vector.extract_strided_slice %get3A_26 {offsets = [0, 23], sizes = [1, 1], strides = [1, 1]} : vector<2x64xf32> to vector<1x1xf32>
    %squeeze3A_514 = vector.extract %slice3A_513[0, 0] : f32 from vector<1x1xf32>
    %mul3A_515 = vector.broadcast %squeeze3A_514 : f32 to vector<112x128xf32>
    %mul3A_516 = arith.mulf %mul3A, %mul3A_515 : vector<112x128xf32>
    %slice3A_517 = vector.extract_strided_slice %get3A_26 {offsets = [1, 23], sizes = [1, 1], strides = [1, 1]} : vector<2x64xf32> to vector<1x1xf32>
    %squeeze3A_518 = vector.extract %slice3A_517[0, 0] : f32 from vector<1x1xf32>
    %mul3A_519 = vector.broadcast %squeeze3A_518 : f32 to vector<112x128xf32>
    %mul3A_520 = arith.mulf %mul3A_23, %mul3A_519 : vector<112x128xf32>
    %add3A_521 = arith.addf %mul3A_516, %mul3A_520 : vector<112x128xf32>
    %slice3A_522 = vector.extract_strided_slice %get3A_28 {offsets = [23], sizes = [1], strides = [1]} : vector<64xf32> to vector<1xf32>
    %squeeze3A_523 = vector.extract %slice3A_522[0] : f32 from vector<1xf32>
    %add3A_524 = vector.broadcast %squeeze3A_523 : f32 to vector<112x128xf32>
    %add3A_525 = arith.addf %add3A_521, %add3A_524 : vector<112x128xf32>
    %max3A_526 = arith.constant 0.000000e+00 : f32
    %max3A_527 = vector.broadcast %max3A_526 : f32 to vector<112x128xf32>
    %max3A_528 = arith.maximumf %add3A_525, %max3A_527 : vector<112x128xf32>
    %slice3A_529 = vector.extract_strided_slice %get3A_31 {offsets = [23, 0], sizes = [1, 1], strides = [1, 1]} : vector<64x1xf32> to vector<1x1xf32>
    %squeeze3A_530 = vector.extract %slice3A_529[0, 0] : f32 from vector<1x1xf32>
    %mul3A_531 = vector.broadcast %squeeze3A_530 : f32 to vector<112x128xf32>
    %mul3A_532 = arith.mulf %max3A_528, %mul3A_531 : vector<112x128xf32>
    %add3A_533 = arith.addf %add3A_512, %mul3A_532 : vector<112x128xf32>
    %slice3A_534 = vector.extract_strided_slice %get3A_26 {offsets = [0, 24], sizes = [1, 1], strides = [1, 1]} : vector<2x64xf32> to vector<1x1xf32>
    %squeeze3A_535 = vector.extract %slice3A_534[0, 0] : f32 from vector<1x1xf32>
    %mul3A_536 = vector.broadcast %squeeze3A_535 : f32 to vector<112x128xf32>
    %mul3A_537 = arith.mulf %mul3A, %mul3A_536 : vector<112x128xf32>
    %slice3A_538 = vector.extract_strided_slice %get3A_26 {offsets = [1, 24], sizes = [1, 1], strides = [1, 1]} : vector<2x64xf32> to vector<1x1xf32>
    %squeeze3A_539 = vector.extract %slice3A_538[0, 0] : f32 from vector<1x1xf32>
    %mul3A_540 = vector.broadcast %squeeze3A_539 : f32 to vector<112x128xf32>
    %mul3A_541 = arith.mulf %mul3A_23, %mul3A_540 : vector<112x128xf32>
    %add3A_542 = arith.addf %mul3A_537, %mul3A_541 : vector<112x128xf32>
    %slice3A_543 = vector.extract_strided_slice %get3A_28 {offsets = [24], sizes = [1], strides = [1]} : vector<64xf32> to vector<1xf32>
    %squeeze3A_544 = vector.extract %slice3A_543[0] : f32 from vector<1xf32>
    %add3A_545 = vector.broadcast %squeeze3A_544 : f32 to vector<112x128xf32>
    %add3A_546 = arith.addf %add3A_542, %add3A_545 : vector<112x128xf32>
    %max3A_547 = arith.constant 0.000000e+00 : f32
    %max3A_548 = vector.broadcast %max3A_547 : f32 to vector<112x128xf32>
    %max3A_549 = arith.maximumf %add3A_546, %max3A_548 : vector<112x128xf32>
    %slice3A_550 = vector.extract_strided_slice %get3A_31 {offsets = [24, 0], sizes = [1, 1], strides = [1, 1]} : vector<64x1xf32> to vector<1x1xf32>
    %squeeze3A_551 = vector.extract %slice3A_550[0, 0] : f32 from vector<1x1xf32>
    %mul3A_552 = vector.broadcast %squeeze3A_551 : f32 to vector<112x128xf32>
    %mul3A_553 = arith.mulf %max3A_549, %mul3A_552 : vector<112x128xf32>
    %add3A_554 = arith.addf %add3A_533, %mul3A_553 : vector<112x128xf32>
    %slice3A_555 = vector.extract_strided_slice %get3A_26 {offsets = [0, 25], sizes = [1, 1], strides = [1, 1]} : vector<2x64xf32> to vector<1x1xf32>
    %squeeze3A_556 = vector.extract %slice3A_555[0, 0] : f32 from vector<1x1xf32>
    %mul3A_557 = vector.broadcast %squeeze3A_556 : f32 to vector<112x128xf32>
    %mul3A_558 = arith.mulf %mul3A, %mul3A_557 : vector<112x128xf32>
    %slice3A_559 = vector.extract_strided_slice %get3A_26 {offsets = [1, 25], sizes = [1, 1], strides = [1, 1]} : vector<2x64xf32> to vector<1x1xf32>
    %squeeze3A_560 = vector.extract %slice3A_559[0, 0] : f32 from vector<1x1xf32>
    %mul3A_561 = vector.broadcast %squeeze3A_560 : f32 to vector<112x128xf32>
    %mul3A_562 = arith.mulf %mul3A_23, %mul3A_561 : vector<112x128xf32>
    %add3A_563 = arith.addf %mul3A_558, %mul3A_562 : vector<112x128xf32>
    %slice3A_564 = vector.extract_strided_slice %get3A_28 {offsets = [25], sizes = [1], strides = [1]} : vector<64xf32> to vector<1xf32>
    %squeeze3A_565 = vector.extract %slice3A_564[0] : f32 from vector<1xf32>
    %add3A_566 = vector.broadcast %squeeze3A_565 : f32 to vector<112x128xf32>
    %add3A_567 = arith.addf %add3A_563, %add3A_566 : vector<112x128xf32>
    %max3A_568 = arith.constant 0.000000e+00 : f32
    %max3A_569 = vector.broadcast %max3A_568 : f32 to vector<112x128xf32>
    %max3A_570 = arith.maximumf %add3A_567, %max3A_569 : vector<112x128xf32>
    %slice3A_571 = vector.extract_strided_slice %get3A_31 {offsets = [25, 0], sizes = [1, 1], strides = [1, 1]} : vector<64x1xf32> to vector<1x1xf32>
    %squeeze3A_572 = vector.extract %slice3A_571[0, 0] : f32 from vector<1x1xf32>
    %mul3A_573 = vector.broadcast %squeeze3A_572 : f32 to vector<112x128xf32>
    %mul3A_574 = arith.mulf %max3A_570, %mul3A_573 : vector<112x128xf32>
    %add3A_575 = arith.addf %add3A_554, %mul3A_574 : vector<112x128xf32>
    %slice3A_576 = vector.extract_strided_slice %get3A_26 {offsets = [0, 26], sizes = [1, 1], strides = [1, 1]} : vector<2x64xf32> to vector<1x1xf32>
    %squeeze3A_577 = vector.extract %slice3A_576[0, 0] : f32 from vector<1x1xf32>
    %mul3A_578 = vector.broadcast %squeeze3A_577 : f32 to vector<112x128xf32>
    %mul3A_579 = arith.mulf %mul3A, %mul3A_578 : vector<112x128xf32>
    %slice3A_580 = vector.extract_strided_slice %get3A_26 {offsets = [1, 26], sizes = [1, 1], strides = [1, 1]} : vector<2x64xf32> to vector<1x1xf32>
    %squeeze3A_581 = vector.extract %slice3A_580[0, 0] : f32 from vector<1x1xf32>
    %mul3A_582 = vector.broadcast %squeeze3A_581 : f32 to vector<112x128xf32>
    %mul3A_583 = arith.mulf %mul3A_23, %mul3A_582 : vector<112x128xf32>
    %add3A_584 = arith.addf %mul3A_579, %mul3A_583 : vector<112x128xf32>
    %slice3A_585 = vector.extract_strided_slice %get3A_28 {offsets = [26], sizes = [1], strides = [1]} : vector<64xf32> to vector<1xf32>
    %squeeze3A_586 = vector.extract %slice3A_585[0] : f32 from vector<1xf32>
    %add3A_587 = vector.broadcast %squeeze3A_586 : f32 to vector<112x128xf32>
    %add3A_588 = arith.addf %add3A_584, %add3A_587 : vector<112x128xf32>
    %max3A_589 = arith.constant 0.000000e+00 : f32
    %max3A_590 = vector.broadcast %max3A_589 : f32 to vector<112x128xf32>
    %max3A_591 = arith.maximumf %add3A_588, %max3A_590 : vector<112x128xf32>
    %slice3A_592 = vector.extract_strided_slice %get3A_31 {offsets = [26, 0], sizes = [1, 1], strides = [1, 1]} : vector<64x1xf32> to vector<1x1xf32>
    %squeeze3A_593 = vector.extract %slice3A_592[0, 0] : f32 from vector<1x1xf32>
    %mul3A_594 = vector.broadcast %squeeze3A_593 : f32 to vector<112x128xf32>
    %mul3A_595 = arith.mulf %max3A_591, %mul3A_594 : vector<112x128xf32>
    %add3A_596 = arith.addf %add3A_575, %mul3A_595 : vector<112x128xf32>
    %slice3A_597 = vector.extract_strided_slice %get3A_26 {offsets = [0, 27], sizes = [1, 1], strides = [1, 1]} : vector<2x64xf32> to vector<1x1xf32>
    %squeeze3A_598 = vector.extract %slice3A_597[0, 0] : f32 from vector<1x1xf32>
    %mul3A_599 = vector.broadcast %squeeze3A_598 : f32 to vector<112x128xf32>
    %mul3A_600 = arith.mulf %mul3A, %mul3A_599 : vector<112x128xf32>
    %slice3A_601 = vector.extract_strided_slice %get3A_26 {offsets = [1, 27], sizes = [1, 1], strides = [1, 1]} : vector<2x64xf32> to vector<1x1xf32>
    %squeeze3A_602 = vector.extract %slice3A_601[0, 0] : f32 from vector<1x1xf32>
    %mul3A_603 = vector.broadcast %squeeze3A_602 : f32 to vector<112x128xf32>
    %mul3A_604 = arith.mulf %mul3A_23, %mul3A_603 : vector<112x128xf32>
    %add3A_605 = arith.addf %mul3A_600, %mul3A_604 : vector<112x128xf32>
    %slice3A_606 = vector.extract_strided_slice %get3A_28 {offsets = [27], sizes = [1], strides = [1]} : vector<64xf32> to vector<1xf32>
    %squeeze3A_607 = vector.extract %slice3A_606[0] : f32 from vector<1xf32>
    %add3A_608 = vector.broadcast %squeeze3A_607 : f32 to vector<112x128xf32>
    %add3A_609 = arith.addf %add3A_605, %add3A_608 : vector<112x128xf32>
    %max3A_610 = arith.constant 0.000000e+00 : f32
    %max3A_611 = vector.broadcast %max3A_610 : f32 to vector<112x128xf32>
    %max3A_612 = arith.maximumf %add3A_609, %max3A_611 : vector<112x128xf32>
    %slice3A_613 = vector.extract_strided_slice %get3A_31 {offsets = [27, 0], sizes = [1, 1], strides = [1, 1]} : vector<64x1xf32> to vector<1x1xf32>
    %squeeze3A_614 = vector.extract %slice3A_613[0, 0] : f32 from vector<1x1xf32>
    %mul3A_615 = vector.broadcast %squeeze3A_614 : f32 to vector<112x128xf32>
    %mul3A_616 = arith.mulf %max3A_612, %mul3A_615 : vector<112x128xf32>
    %add3A_617 = arith.addf %add3A_596, %mul3A_616 : vector<112x128xf32>
    %slice3A_618 = vector.extract_strided_slice %get3A_26 {offsets = [0, 28], sizes = [1, 1], strides = [1, 1]} : vector<2x64xf32> to vector<1x1xf32>
    %squeeze3A_619 = vector.extract %slice3A_618[0, 0] : f32 from vector<1x1xf32>
    %mul3A_620 = vector.broadcast %squeeze3A_619 : f32 to vector<112x128xf32>
    %mul3A_621 = arith.mulf %mul3A, %mul3A_620 : vector<112x128xf32>
    %slice3A_622 = vector.extract_strided_slice %get3A_26 {offsets = [1, 28], sizes = [1, 1], strides = [1, 1]} : vector<2x64xf32> to vector<1x1xf32>
    %squeeze3A_623 = vector.extract %slice3A_622[0, 0] : f32 from vector<1x1xf32>
    %mul3A_624 = vector.broadcast %squeeze3A_623 : f32 to vector<112x128xf32>
    %mul3A_625 = arith.mulf %mul3A_23, %mul3A_624 : vector<112x128xf32>
    %add3A_626 = arith.addf %mul3A_621, %mul3A_625 : vector<112x128xf32>
    %slice3A_627 = vector.extract_strided_slice %get3A_28 {offsets = [28], sizes = [1], strides = [1]} : vector<64xf32> to vector<1xf32>
    %squeeze3A_628 = vector.extract %slice3A_627[0] : f32 from vector<1xf32>
    %add3A_629 = vector.broadcast %squeeze3A_628 : f32 to vector<112x128xf32>
    %add3A_630 = arith.addf %add3A_626, %add3A_629 : vector<112x128xf32>
    %max3A_631 = arith.constant 0.000000e+00 : f32
    %max3A_632 = vector.broadcast %max3A_631 : f32 to vector<112x128xf32>
    %max3A_633 = arith.maximumf %add3A_630, %max3A_632 : vector<112x128xf32>
    %slice3A_634 = vector.extract_strided_slice %get3A_31 {offsets = [28, 0], sizes = [1, 1], strides = [1, 1]} : vector<64x1xf32> to vector<1x1xf32>
    %squeeze3A_635 = vector.extract %slice3A_634[0, 0] : f32 from vector<1x1xf32>
    %mul3A_636 = vector.broadcast %squeeze3A_635 : f32 to vector<112x128xf32>
    %mul3A_637 = arith.mulf %max3A_633, %mul3A_636 : vector<112x128xf32>
    %add3A_638 = arith.addf %add3A_617, %mul3A_637 : vector<112x128xf32>
    %slice3A_639 = vector.extract_strided_slice %get3A_26 {offsets = [0, 29], sizes = [1, 1], strides = [1, 1]} : vector<2x64xf32> to vector<1x1xf32>
    %squeeze3A_640 = vector.extract %slice3A_639[0, 0] : f32 from vector<1x1xf32>
    %mul3A_641 = vector.broadcast %squeeze3A_640 : f32 to vector<112x128xf32>
    %mul3A_642 = arith.mulf %mul3A, %mul3A_641 : vector<112x128xf32>
    %slice3A_643 = vector.extract_strided_slice %get3A_26 {offsets = [1, 29], sizes = [1, 1], strides = [1, 1]} : vector<2x64xf32> to vector<1x1xf32>
    %squeeze3A_644 = vector.extract %slice3A_643[0, 0] : f32 from vector<1x1xf32>
    %mul3A_645 = vector.broadcast %squeeze3A_644 : f32 to vector<112x128xf32>
    %mul3A_646 = arith.mulf %mul3A_23, %mul3A_645 : vector<112x128xf32>
    %add3A_647 = arith.addf %mul3A_642, %mul3A_646 : vector<112x128xf32>
    %slice3A_648 = vector.extract_strided_slice %get3A_28 {offsets = [29], sizes = [1], strides = [1]} : vector<64xf32> to vector<1xf32>
    %squeeze3A_649 = vector.extract %slice3A_648[0] : f32 from vector<1xf32>
    %add3A_650 = vector.broadcast %squeeze3A_649 : f32 to vector<112x128xf32>
    %add3A_651 = arith.addf %add3A_647, %add3A_650 : vector<112x128xf32>
    %max3A_652 = arith.constant 0.000000e+00 : f32
    %max3A_653 = vector.broadcast %max3A_652 : f32 to vector<112x128xf32>
    %max3A_654 = arith.maximumf %add3A_651, %max3A_653 : vector<112x128xf32>
    %slice3A_655 = vector.extract_strided_slice %get3A_31 {offsets = [29, 0], sizes = [1, 1], strides = [1, 1]} : vector<64x1xf32> to vector<1x1xf32>
    %squeeze3A_656 = vector.extract %slice3A_655[0, 0] : f32 from vector<1x1xf32>
    %mul3A_657 = vector.broadcast %squeeze3A_656 : f32 to vector<112x128xf32>
    %mul3A_658 = arith.mulf %max3A_654, %mul3A_657 : vector<112x128xf32>
    %add3A_659 = arith.addf %add3A_638, %mul3A_658 : vector<112x128xf32>
    %slice3A_660 = vector.extract_strided_slice %get3A_26 {offsets = [0, 30], sizes = [1, 1], strides = [1, 1]} : vector<2x64xf32> to vector<1x1xf32>
    %squeeze3A_661 = vector.extract %slice3A_660[0, 0] : f32 from vector<1x1xf32>
    %mul3A_662 = vector.broadcast %squeeze3A_661 : f32 to vector<112x128xf32>
    %mul3A_663 = arith.mulf %mul3A, %mul3A_662 : vector<112x128xf32>
    %slice3A_664 = vector.extract_strided_slice %get3A_26 {offsets = [1, 30], sizes = [1, 1], strides = [1, 1]} : vector<2x64xf32> to vector<1x1xf32>
    %squeeze3A_665 = vector.extract %slice3A_664[0, 0] : f32 from vector<1x1xf32>
    %mul3A_666 = vector.broadcast %squeeze3A_665 : f32 to vector<112x128xf32>
    %mul3A_667 = arith.mulf %mul3A_23, %mul3A_666 : vector<112x128xf32>
    %add3A_668 = arith.addf %mul3A_663, %mul3A_667 : vector<112x128xf32>
    %slice3A_669 = vector.extract_strided_slice %get3A_28 {offsets = [30], sizes = [1], strides = [1]} : vector<64xf32> to vector<1xf32>
    %squeeze3A_670 = vector.extract %slice3A_669[0] : f32 from vector<1xf32>
    %add3A_671 = vector.broadcast %squeeze3A_670 : f32 to vector<112x128xf32>
    %add3A_672 = arith.addf %add3A_668, %add3A_671 : vector<112x128xf32>
    %max3A_673 = arith.constant 0.000000e+00 : f32
    %max3A_674 = vector.broadcast %max3A_673 : f32 to vector<112x128xf32>
    %max3A_675 = arith.maximumf %add3A_672, %max3A_674 : vector<112x128xf32>
    %slice3A_676 = vector.extract_strided_slice %get3A_31 {offsets = [30, 0], sizes = [1, 1], strides = [1, 1]} : vector<64x1xf32> to vector<1x1xf32>
    %squeeze3A_677 = vector.extract %slice3A_676[0, 0] : f32 from vector<1x1xf32>
    %mul3A_678 = vector.broadcast %squeeze3A_677 : f32 to vector<112x128xf32>
    %mul3A_679 = arith.mulf %max3A_675, %mul3A_678 : vector<112x128xf32>
    %add3A_680 = arith.addf %add3A_659, %mul3A_679 : vector<112x128xf32>
    %slice3A_681 = vector.extract_strided_slice %get3A_26 {offsets = [0, 31], sizes = [1, 1], strides = [1, 1]} : vector<2x64xf32> to vector<1x1xf32>
    %squeeze3A_682 = vector.extract %slice3A_681[0, 0] : f32 from vector<1x1xf32>
    %mul3A_683 = vector.broadcast %squeeze3A_682 : f32 to vector<112x128xf32>
    %mul3A_684 = arith.mulf %mul3A, %mul3A_683 : vector<112x128xf32>
    %slice3A_685 = vector.extract_strided_slice %get3A_26 {offsets = [1, 31], sizes = [1, 1], strides = [1, 1]} : vector<2x64xf32> to vector<1x1xf32>
    %squeeze3A_686 = vector.extract %slice3A_685[0, 0] : f32 from vector<1x1xf32>
    %mul3A_687 = vector.broadcast %squeeze3A_686 : f32 to vector<112x128xf32>
    %mul3A_688 = arith.mulf %mul3A_23, %mul3A_687 : vector<112x128xf32>
    %add3A_689 = arith.addf %mul3A_684, %mul3A_688 : vector<112x128xf32>
    %slice3A_690 = vector.extract_strided_slice %get3A_28 {offsets = [31], sizes = [1], strides = [1]} : vector<64xf32> to vector<1xf32>
    %squeeze3A_691 = vector.extract %slice3A_690[0] : f32 from vector<1xf32>
    %add3A_692 = vector.broadcast %squeeze3A_691 : f32 to vector<112x128xf32>
    %add3A_693 = arith.addf %add3A_689, %add3A_692 : vector<112x128xf32>
    %max3A_694 = arith.constant 0.000000e+00 : f32
    %max3A_695 = vector.broadcast %max3A_694 : f32 to vector<112x128xf32>
    %max3A_696 = arith.maximumf %add3A_693, %max3A_695 : vector<112x128xf32>
    %slice3A_697 = vector.extract_strided_slice %get3A_31 {offsets = [31, 0], sizes = [1, 1], strides = [1, 1]} : vector<64x1xf32> to vector<1x1xf32>
    %squeeze3A_698 = vector.extract %slice3A_697[0, 0] : f32 from vector<1x1xf32>
    %mul3A_699 = vector.broadcast %squeeze3A_698 : f32 to vector<112x128xf32>
    %mul3A_700 = arith.mulf %max3A_696, %mul3A_699 : vector<112x128xf32>
    %add3A_701 = arith.addf %add3A_680, %mul3A_700 : vector<112x128xf32>
    %slice3A_702 = vector.extract_strided_slice %get3A_26 {offsets = [0, 32], sizes = [1, 1], strides = [1, 1]} : vector<2x64xf32> to vector<1x1xf32>
    %squeeze3A_703 = vector.extract %slice3A_702[0, 0] : f32 from vector<1x1xf32>
    %mul3A_704 = vector.broadcast %squeeze3A_703 : f32 to vector<112x128xf32>
    %mul3A_705 = arith.mulf %mul3A, %mul3A_704 : vector<112x128xf32>
    %slice3A_706 = vector.extract_strided_slice %get3A_26 {offsets = [1, 32], sizes = [1, 1], strides = [1, 1]} : vector<2x64xf32> to vector<1x1xf32>
    %squeeze3A_707 = vector.extract %slice3A_706[0, 0] : f32 from vector<1x1xf32>
    %mul3A_708 = vector.broadcast %squeeze3A_707 : f32 to vector<112x128xf32>
    %mul3A_709 = arith.mulf %mul3A_23, %mul3A_708 : vector<112x128xf32>
    %add3A_710 = arith.addf %mul3A_705, %mul3A_709 : vector<112x128xf32>
    %slice3A_711 = vector.extract_strided_slice %get3A_28 {offsets = [32], sizes = [1], strides = [1]} : vector<64xf32> to vector<1xf32>
    %squeeze3A_712 = vector.extract %slice3A_711[0] : f32 from vector<1xf32>
    %add3A_713 = vector.broadcast %squeeze3A_712 : f32 to vector<112x128xf32>
    %add3A_714 = arith.addf %add3A_710, %add3A_713 : vector<112x128xf32>
    %max3A_715 = arith.constant 0.000000e+00 : f32
    %max3A_716 = vector.broadcast %max3A_715 : f32 to vector<112x128xf32>
    %max3A_717 = arith.maximumf %add3A_714, %max3A_716 : vector<112x128xf32>
    %slice3A_718 = vector.extract_strided_slice %get3A_31 {offsets = [32, 0], sizes = [1, 1], strides = [1, 1]} : vector<64x1xf32> to vector<1x1xf32>
    %squeeze3A_719 = vector.extract %slice3A_718[0, 0] : f32 from vector<1x1xf32>
    %mul3A_720 = vector.broadcast %squeeze3A_719 : f32 to vector<112x128xf32>
    %mul3A_721 = arith.mulf %max3A_717, %mul3A_720 : vector<112x128xf32>
    %add3A_722 = arith.addf %add3A_701, %mul3A_721 : vector<112x128xf32>
    %slice3A_723 = vector.extract_strided_slice %get3A_26 {offsets = [0, 33], sizes = [1, 1], strides = [1, 1]} : vector<2x64xf32> to vector<1x1xf32>
    %squeeze3A_724 = vector.extract %slice3A_723[0, 0] : f32 from vector<1x1xf32>
    %mul3A_725 = vector.broadcast %squeeze3A_724 : f32 to vector<112x128xf32>
    %mul3A_726 = arith.mulf %mul3A, %mul3A_725 : vector<112x128xf32>
    %slice3A_727 = vector.extract_strided_slice %get3A_26 {offsets = [1, 33], sizes = [1, 1], strides = [1, 1]} : vector<2x64xf32> to vector<1x1xf32>
    %squeeze3A_728 = vector.extract %slice3A_727[0, 0] : f32 from vector<1x1xf32>
    %mul3A_729 = vector.broadcast %squeeze3A_728 : f32 to vector<112x128xf32>
    %mul3A_730 = arith.mulf %mul3A_23, %mul3A_729 : vector<112x128xf32>
    %add3A_731 = arith.addf %mul3A_726, %mul3A_730 : vector<112x128xf32>
    %slice3A_732 = vector.extract_strided_slice %get3A_28 {offsets = [33], sizes = [1], strides = [1]} : vector<64xf32> to vector<1xf32>
    %squeeze3A_733 = vector.extract %slice3A_732[0] : f32 from vector<1xf32>
    %add3A_734 = vector.broadcast %squeeze3A_733 : f32 to vector<112x128xf32>
    %add3A_735 = arith.addf %add3A_731, %add3A_734 : vector<112x128xf32>
    %max3A_736 = arith.constant 0.000000e+00 : f32
    %max3A_737 = vector.broadcast %max3A_736 : f32 to vector<112x128xf32>
    %max3A_738 = arith.maximumf %add3A_735, %max3A_737 : vector<112x128xf32>
    %slice3A_739 = vector.extract_strided_slice %get3A_31 {offsets = [33, 0], sizes = [1, 1], strides = [1, 1]} : vector<64x1xf32> to vector<1x1xf32>
    %squeeze3A_740 = vector.extract %slice3A_739[0, 0] : f32 from vector<1x1xf32>
    %mul3A_741 = vector.broadcast %squeeze3A_740 : f32 to vector<112x128xf32>
    %mul3A_742 = arith.mulf %max3A_738, %mul3A_741 : vector<112x128xf32>
    %add3A_743 = arith.addf %add3A_722, %mul3A_742 : vector<112x128xf32>
    %slice3A_744 = vector.extract_strided_slice %get3A_26 {offsets = [0, 34], sizes = [1, 1], strides = [1, 1]} : vector<2x64xf32> to vector<1x1xf32>
    %squeeze3A_745 = vector.extract %slice3A_744[0, 0] : f32 from vector<1x1xf32>
    %mul3A_746 = vector.broadcast %squeeze3A_745 : f32 to vector<112x128xf32>
    %mul3A_747 = arith.mulf %mul3A, %mul3A_746 : vector<112x128xf32>
    %slice3A_748 = vector.extract_strided_slice %get3A_26 {offsets = [1, 34], sizes = [1, 1], strides = [1, 1]} : vector<2x64xf32> to vector<1x1xf32>
    %squeeze3A_749 = vector.extract %slice3A_748[0, 0] : f32 from vector<1x1xf32>
    %mul3A_750 = vector.broadcast %squeeze3A_749 : f32 to vector<112x128xf32>
    %mul3A_751 = arith.mulf %mul3A_23, %mul3A_750 : vector<112x128xf32>
    %add3A_752 = arith.addf %mul3A_747, %mul3A_751 : vector<112x128xf32>
    %slice3A_753 = vector.extract_strided_slice %get3A_28 {offsets = [34], sizes = [1], strides = [1]} : vector<64xf32> to vector<1xf32>
    %squeeze3A_754 = vector.extract %slice3A_753[0] : f32 from vector<1xf32>
    %add3A_755 = vector.broadcast %squeeze3A_754 : f32 to vector<112x128xf32>
    %add3A_756 = arith.addf %add3A_752, %add3A_755 : vector<112x128xf32>
    %max3A_757 = arith.constant 0.000000e+00 : f32
    %max3A_758 = vector.broadcast %max3A_757 : f32 to vector<112x128xf32>
    %max3A_759 = arith.maximumf %add3A_756, %max3A_758 : vector<112x128xf32>
    %slice3A_760 = vector.extract_strided_slice %get3A_31 {offsets = [34, 0], sizes = [1, 1], strides = [1, 1]} : vector<64x1xf32> to vector<1x1xf32>
    %squeeze3A_761 = vector.extract %slice3A_760[0, 0] : f32 from vector<1x1xf32>
    %mul3A_762 = vector.broadcast %squeeze3A_761 : f32 to vector<112x128xf32>
    %mul3A_763 = arith.mulf %max3A_759, %mul3A_762 : vector<112x128xf32>
    %add3A_764 = arith.addf %add3A_743, %mul3A_763 : vector<112x128xf32>
    %slice3A_765 = vector.extract_strided_slice %get3A_26 {offsets = [0, 35], sizes = [1, 1], strides = [1, 1]} : vector<2x64xf32> to vector<1x1xf32>
    %squeeze3A_766 = vector.extract %slice3A_765[0, 0] : f32 from vector<1x1xf32>
    %mul3A_767 = vector.broadcast %squeeze3A_766 : f32 to vector<112x128xf32>
    %mul3A_768 = arith.mulf %mul3A, %mul3A_767 : vector<112x128xf32>
    %slice3A_769 = vector.extract_strided_slice %get3A_26 {offsets = [1, 35], sizes = [1, 1], strides = [1, 1]} : vector<2x64xf32> to vector<1x1xf32>
    %squeeze3A_770 = vector.extract %slice3A_769[0, 0] : f32 from vector<1x1xf32>
    %mul3A_771 = vector.broadcast %squeeze3A_770 : f32 to vector<112x128xf32>
    %mul3A_772 = arith.mulf %mul3A_23, %mul3A_771 : vector<112x128xf32>
    %add3A_773 = arith.addf %mul3A_768, %mul3A_772 : vector<112x128xf32>
    %slice3A_774 = vector.extract_strided_slice %get3A_28 {offsets = [35], sizes = [1], strides = [1]} : vector<64xf32> to vector<1xf32>
    %squeeze3A_775 = vector.extract %slice3A_774[0] : f32 from vector<1xf32>
    %add3A_776 = vector.broadcast %squeeze3A_775 : f32 to vector<112x128xf32>
    %add3A_777 = arith.addf %add3A_773, %add3A_776 : vector<112x128xf32>
    %max3A_778 = arith.constant 0.000000e+00 : f32
    %max3A_779 = vector.broadcast %max3A_778 : f32 to vector<112x128xf32>
    %max3A_780 = arith.maximumf %add3A_777, %max3A_779 : vector<112x128xf32>
    %slice3A_781 = vector.extract_strided_slice %get3A_31 {offsets = [35, 0], sizes = [1, 1], strides = [1, 1]} : vector<64x1xf32> to vector<1x1xf32>
    %squeeze3A_782 = vector.extract %slice3A_781[0, 0] : f32 from vector<1x1xf32>
    %mul3A_783 = vector.broadcast %squeeze3A_782 : f32 to vector<112x128xf32>
    %mul3A_784 = arith.mulf %max3A_780, %mul3A_783 : vector<112x128xf32>
    %add3A_785 = arith.addf %add3A_764, %mul3A_784 : vector<112x128xf32>
    %slice3A_786 = vector.extract_strided_slice %get3A_26 {offsets = [0, 36], sizes = [1, 1], strides = [1, 1]} : vector<2x64xf32> to vector<1x1xf32>
    %squeeze3A_787 = vector.extract %slice3A_786[0, 0] : f32 from vector<1x1xf32>
    %mul3A_788 = vector.broadcast %squeeze3A_787 : f32 to vector<112x128xf32>
    %mul3A_789 = arith.mulf %mul3A, %mul3A_788 : vector<112x128xf32>
    %slice3A_790 = vector.extract_strided_slice %get3A_26 {offsets = [1, 36], sizes = [1, 1], strides = [1, 1]} : vector<2x64xf32> to vector<1x1xf32>
    %squeeze3A_791 = vector.extract %slice3A_790[0, 0] : f32 from vector<1x1xf32>
    %mul3A_792 = vector.broadcast %squeeze3A_791 : f32 to vector<112x128xf32>
    %mul3A_793 = arith.mulf %mul3A_23, %mul3A_792 : vector<112x128xf32>
    %add3A_794 = arith.addf %mul3A_789, %mul3A_793 : vector<112x128xf32>
    %slice3A_795 = vector.extract_strided_slice %get3A_28 {offsets = [36], sizes = [1], strides = [1]} : vector<64xf32> to vector<1xf32>
    %squeeze3A_796 = vector.extract %slice3A_795[0] : f32 from vector<1xf32>
    %add3A_797 = vector.broadcast %squeeze3A_796 : f32 to vector<112x128xf32>
    %add3A_798 = arith.addf %add3A_794, %add3A_797 : vector<112x128xf32>
    %max3A_799 = arith.constant 0.000000e+00 : f32
    %max3A_800 = vector.broadcast %max3A_799 : f32 to vector<112x128xf32>
    %max3A_801 = arith.maximumf %add3A_798, %max3A_800 : vector<112x128xf32>
    %slice3A_802 = vector.extract_strided_slice %get3A_31 {offsets = [36, 0], sizes = [1, 1], strides = [1, 1]} : vector<64x1xf32> to vector<1x1xf32>
    %squeeze3A_803 = vector.extract %slice3A_802[0, 0] : f32 from vector<1x1xf32>
    %mul3A_804 = vector.broadcast %squeeze3A_803 : f32 to vector<112x128xf32>
    %mul3A_805 = arith.mulf %max3A_801, %mul3A_804 : vector<112x128xf32>
    %add3A_806 = arith.addf %add3A_785, %mul3A_805 : vector<112x128xf32>
    %slice3A_807 = vector.extract_strided_slice %get3A_26 {offsets = [0, 37], sizes = [1, 1], strides = [1, 1]} : vector<2x64xf32> to vector<1x1xf32>
    %squeeze3A_808 = vector.extract %slice3A_807[0, 0] : f32 from vector<1x1xf32>
    %mul3A_809 = vector.broadcast %squeeze3A_808 : f32 to vector<112x128xf32>
    %mul3A_810 = arith.mulf %mul3A, %mul3A_809 : vector<112x128xf32>
    %slice3A_811 = vector.extract_strided_slice %get3A_26 {offsets = [1, 37], sizes = [1, 1], strides = [1, 1]} : vector<2x64xf32> to vector<1x1xf32>
    %squeeze3A_812 = vector.extract %slice3A_811[0, 0] : f32 from vector<1x1xf32>
    %mul3A_813 = vector.broadcast %squeeze3A_812 : f32 to vector<112x128xf32>
    %mul3A_814 = arith.mulf %mul3A_23, %mul3A_813 : vector<112x128xf32>
    %add3A_815 = arith.addf %mul3A_810, %mul3A_814 : vector<112x128xf32>
    %slice3A_816 = vector.extract_strided_slice %get3A_28 {offsets = [37], sizes = [1], strides = [1]} : vector<64xf32> to vector<1xf32>
    %squeeze3A_817 = vector.extract %slice3A_816[0] : f32 from vector<1xf32>
    %add3A_818 = vector.broadcast %squeeze3A_817 : f32 to vector<112x128xf32>
    %add3A_819 = arith.addf %add3A_815, %add3A_818 : vector<112x128xf32>
    %max3A_820 = arith.constant 0.000000e+00 : f32
    %max3A_821 = vector.broadcast %max3A_820 : f32 to vector<112x128xf32>
    %max3A_822 = arith.maximumf %add3A_819, %max3A_821 : vector<112x128xf32>
    %slice3A_823 = vector.extract_strided_slice %get3A_31 {offsets = [37, 0], sizes = [1, 1], strides = [1, 1]} : vector<64x1xf32> to vector<1x1xf32>
    %squeeze3A_824 = vector.extract %slice3A_823[0, 0] : f32 from vector<1x1xf32>
    %mul3A_825 = vector.broadcast %squeeze3A_824 : f32 to vector<112x128xf32>
    %mul3A_826 = arith.mulf %max3A_822, %mul3A_825 : vector<112x128xf32>
    %add3A_827 = arith.addf %add3A_806, %mul3A_826 : vector<112x128xf32>
    %slice3A_828 = vector.extract_strided_slice %get3A_26 {offsets = [0, 38], sizes = [1, 1], strides = [1, 1]} : vector<2x64xf32> to vector<1x1xf32>
    %squeeze3A_829 = vector.extract %slice3A_828[0, 0] : f32 from vector<1x1xf32>
    %mul3A_830 = vector.broadcast %squeeze3A_829 : f32 to vector<112x128xf32>
    %mul3A_831 = arith.mulf %mul3A, %mul3A_830 : vector<112x128xf32>
    %slice3A_832 = vector.extract_strided_slice %get3A_26 {offsets = [1, 38], sizes = [1, 1], strides = [1, 1]} : vector<2x64xf32> to vector<1x1xf32>
    %squeeze3A_833 = vector.extract %slice3A_832[0, 0] : f32 from vector<1x1xf32>
    %mul3A_834 = vector.broadcast %squeeze3A_833 : f32 to vector<112x128xf32>
    %mul3A_835 = arith.mulf %mul3A_23, %mul3A_834 : vector<112x128xf32>
    %add3A_836 = arith.addf %mul3A_831, %mul3A_835 : vector<112x128xf32>
    %slice3A_837 = vector.extract_strided_slice %get3A_28 {offsets = [38], sizes = [1], strides = [1]} : vector<64xf32> to vector<1xf32>
    %squeeze3A_838 = vector.extract %slice3A_837[0] : f32 from vector<1xf32>
    %add3A_839 = vector.broadcast %squeeze3A_838 : f32 to vector<112x128xf32>
    %add3A_840 = arith.addf %add3A_836, %add3A_839 : vector<112x128xf32>
    %max3A_841 = arith.constant 0.000000e+00 : f32
    %max3A_842 = vector.broadcast %max3A_841 : f32 to vector<112x128xf32>
    %max3A_843 = arith.maximumf %add3A_840, %max3A_842 : vector<112x128xf32>
    %slice3A_844 = vector.extract_strided_slice %get3A_31 {offsets = [38, 0], sizes = [1, 1], strides = [1, 1]} : vector<64x1xf32> to vector<1x1xf32>
    %squeeze3A_845 = vector.extract %slice3A_844[0, 0] : f32 from vector<1x1xf32>
    %mul3A_846 = vector.broadcast %squeeze3A_845 : f32 to vector<112x128xf32>
    %mul3A_847 = arith.mulf %max3A_843, %mul3A_846 : vector<112x128xf32>
    %add3A_848 = arith.addf %add3A_827, %mul3A_847 : vector<112x128xf32>
    %slice3A_849 = vector.extract_strided_slice %get3A_26 {offsets = [0, 39], sizes = [1, 1], strides = [1, 1]} : vector<2x64xf32> to vector<1x1xf32>
    %squeeze3A_850 = vector.extract %slice3A_849[0, 0] : f32 from vector<1x1xf32>
    %mul3A_851 = vector.broadcast %squeeze3A_850 : f32 to vector<112x128xf32>
    %mul3A_852 = arith.mulf %mul3A, %mul3A_851 : vector<112x128xf32>
    %slice3A_853 = vector.extract_strided_slice %get3A_26 {offsets = [1, 39], sizes = [1, 1], strides = [1, 1]} : vector<2x64xf32> to vector<1x1xf32>
    %squeeze3A_854 = vector.extract %slice3A_853[0, 0] : f32 from vector<1x1xf32>
    %mul3A_855 = vector.broadcast %squeeze3A_854 : f32 to vector<112x128xf32>
    %mul3A_856 = arith.mulf %mul3A_23, %mul3A_855 : vector<112x128xf32>
    %add3A_857 = arith.addf %mul3A_852, %mul3A_856 : vector<112x128xf32>
    %slice3A_858 = vector.extract_strided_slice %get3A_28 {offsets = [39], sizes = [1], strides = [1]} : vector<64xf32> to vector<1xf32>
    %squeeze3A_859 = vector.extract %slice3A_858[0] : f32 from vector<1xf32>
    %add3A_860 = vector.broadcast %squeeze3A_859 : f32 to vector<112x128xf32>
    %add3A_861 = arith.addf %add3A_857, %add3A_860 : vector<112x128xf32>
    %max3A_862 = arith.constant 0.000000e+00 : f32
    %max3A_863 = vector.broadcast %max3A_862 : f32 to vector<112x128xf32>
    %max3A_864 = arith.maximumf %add3A_861, %max3A_863 : vector<112x128xf32>
    %slice3A_865 = vector.extract_strided_slice %get3A_31 {offsets = [39, 0], sizes = [1, 1], strides = [1, 1]} : vector<64x1xf32> to vector<1x1xf32>
    %squeeze3A_866 = vector.extract %slice3A_865[0, 0] : f32 from vector<1x1xf32>
    %mul3A_867 = vector.broadcast %squeeze3A_866 : f32 to vector<112x128xf32>
    %mul3A_868 = arith.mulf %max3A_864, %mul3A_867 : vector<112x128xf32>
    %add3A_869 = arith.addf %add3A_848, %mul3A_868 : vector<112x128xf32>
    %slice3A_870 = vector.extract_strided_slice %get3A_26 {offsets = [0, 40], sizes = [1, 1], strides = [1, 1]} : vector<2x64xf32> to vector<1x1xf32>
    %squeeze3A_871 = vector.extract %slice3A_870[0, 0] : f32 from vector<1x1xf32>
    %mul3A_872 = vector.broadcast %squeeze3A_871 : f32 to vector<112x128xf32>
    %mul3A_873 = arith.mulf %mul3A, %mul3A_872 : vector<112x128xf32>
    %slice3A_874 = vector.extract_strided_slice %get3A_26 {offsets = [1, 40], sizes = [1, 1], strides = [1, 1]} : vector<2x64xf32> to vector<1x1xf32>
    %squeeze3A_875 = vector.extract %slice3A_874[0, 0] : f32 from vector<1x1xf32>
    %mul3A_876 = vector.broadcast %squeeze3A_875 : f32 to vector<112x128xf32>
    %mul3A_877 = arith.mulf %mul3A_23, %mul3A_876 : vector<112x128xf32>
    %add3A_878 = arith.addf %mul3A_873, %mul3A_877 : vector<112x128xf32>
    %slice3A_879 = vector.extract_strided_slice %get3A_28 {offsets = [40], sizes = [1], strides = [1]} : vector<64xf32> to vector<1xf32>
    %squeeze3A_880 = vector.extract %slice3A_879[0] : f32 from vector<1xf32>
    %add3A_881 = vector.broadcast %squeeze3A_880 : f32 to vector<112x128xf32>
    %add3A_882 = arith.addf %add3A_878, %add3A_881 : vector<112x128xf32>
    %max3A_883 = arith.constant 0.000000e+00 : f32
    %max3A_884 = vector.broadcast %max3A_883 : f32 to vector<112x128xf32>
    %max3A_885 = arith.maximumf %add3A_882, %max3A_884 : vector<112x128xf32>
    %slice3A_886 = vector.extract_strided_slice %get3A_31 {offsets = [40, 0], sizes = [1, 1], strides = [1, 1]} : vector<64x1xf32> to vector<1x1xf32>
    %squeeze3A_887 = vector.extract %slice3A_886[0, 0] : f32 from vector<1x1xf32>
    %mul3A_888 = vector.broadcast %squeeze3A_887 : f32 to vector<112x128xf32>
    %mul3A_889 = arith.mulf %max3A_885, %mul3A_888 : vector<112x128xf32>
    %add3A_890 = arith.addf %add3A_869, %mul3A_889 : vector<112x128xf32>
    %slice3A_891 = vector.extract_strided_slice %get3A_26 {offsets = [0, 41], sizes = [1, 1], strides = [1, 1]} : vector<2x64xf32> to vector<1x1xf32>
    %squeeze3A_892 = vector.extract %slice3A_891[0, 0] : f32 from vector<1x1xf32>
    %mul3A_893 = vector.broadcast %squeeze3A_892 : f32 to vector<112x128xf32>
    %mul3A_894 = arith.mulf %mul3A, %mul3A_893 : vector<112x128xf32>
    %slice3A_895 = vector.extract_strided_slice %get3A_26 {offsets = [1, 41], sizes = [1, 1], strides = [1, 1]} : vector<2x64xf32> to vector<1x1xf32>
    %squeeze3A_896 = vector.extract %slice3A_895[0, 0] : f32 from vector<1x1xf32>
    %mul3A_897 = vector.broadcast %squeeze3A_896 : f32 to vector<112x128xf32>
    %mul3A_898 = arith.mulf %mul3A_23, %mul3A_897 : vector<112x128xf32>
    %add3A_899 = arith.addf %mul3A_894, %mul3A_898 : vector<112x128xf32>
    %slice3A_900 = vector.extract_strided_slice %get3A_28 {offsets = [41], sizes = [1], strides = [1]} : vector<64xf32> to vector<1xf32>
    %squeeze3A_901 = vector.extract %slice3A_900[0] : f32 from vector<1xf32>
    %add3A_902 = vector.broadcast %squeeze3A_901 : f32 to vector<112x128xf32>
    %add3A_903 = arith.addf %add3A_899, %add3A_902 : vector<112x128xf32>
    %max3A_904 = arith.constant 0.000000e+00 : f32
    %max3A_905 = vector.broadcast %max3A_904 : f32 to vector<112x128xf32>
    %max3A_906 = arith.maximumf %add3A_903, %max3A_905 : vector<112x128xf32>
    %slice3A_907 = vector.extract_strided_slice %get3A_31 {offsets = [41, 0], sizes = [1, 1], strides = [1, 1]} : vector<64x1xf32> to vector<1x1xf32>
    %squeeze3A_908 = vector.extract %slice3A_907[0, 0] : f32 from vector<1x1xf32>
    %mul3A_909 = vector.broadcast %squeeze3A_908 : f32 to vector<112x128xf32>
    %mul3A_910 = arith.mulf %max3A_906, %mul3A_909 : vector<112x128xf32>
    %add3A_911 = arith.addf %add3A_890, %mul3A_910 : vector<112x128xf32>
    %slice3A_912 = vector.extract_strided_slice %get3A_26 {offsets = [0, 42], sizes = [1, 1], strides = [1, 1]} : vector<2x64xf32> to vector<1x1xf32>
    %squeeze3A_913 = vector.extract %slice3A_912[0, 0] : f32 from vector<1x1xf32>
    %mul3A_914 = vector.broadcast %squeeze3A_913 : f32 to vector<112x128xf32>
    %mul3A_915 = arith.mulf %mul3A, %mul3A_914 : vector<112x128xf32>
    %slice3A_916 = vector.extract_strided_slice %get3A_26 {offsets = [1, 42], sizes = [1, 1], strides = [1, 1]} : vector<2x64xf32> to vector<1x1xf32>
    %squeeze3A_917 = vector.extract %slice3A_916[0, 0] : f32 from vector<1x1xf32>
    %mul3A_918 = vector.broadcast %squeeze3A_917 : f32 to vector<112x128xf32>
    %mul3A_919 = arith.mulf %mul3A_23, %mul3A_918 : vector<112x128xf32>
    %add3A_920 = arith.addf %mul3A_915, %mul3A_919 : vector<112x128xf32>
    %slice3A_921 = vector.extract_strided_slice %get3A_28 {offsets = [42], sizes = [1], strides = [1]} : vector<64xf32> to vector<1xf32>
    %squeeze3A_922 = vector.extract %slice3A_921[0] : f32 from vector<1xf32>
    %add3A_923 = vector.broadcast %squeeze3A_922 : f32 to vector<112x128xf32>
    %add3A_924 = arith.addf %add3A_920, %add3A_923 : vector<112x128xf32>
    %max3A_925 = arith.constant 0.000000e+00 : f32
    %max3A_926 = vector.broadcast %max3A_925 : f32 to vector<112x128xf32>
    %max3A_927 = arith.maximumf %add3A_924, %max3A_926 : vector<112x128xf32>
    %slice3A_928 = vector.extract_strided_slice %get3A_31 {offsets = [42, 0], sizes = [1, 1], strides = [1, 1]} : vector<64x1xf32> to vector<1x1xf32>
    %squeeze3A_929 = vector.extract %slice3A_928[0, 0] : f32 from vector<1x1xf32>
    %mul3A_930 = vector.broadcast %squeeze3A_929 : f32 to vector<112x128xf32>
    %mul3A_931 = arith.mulf %max3A_927, %mul3A_930 : vector<112x128xf32>
    %add3A_932 = arith.addf %add3A_911, %mul3A_931 : vector<112x128xf32>
    %slice3A_933 = vector.extract_strided_slice %get3A_26 {offsets = [0, 43], sizes = [1, 1], strides = [1, 1]} : vector<2x64xf32> to vector<1x1xf32>
    %squeeze3A_934 = vector.extract %slice3A_933[0, 0] : f32 from vector<1x1xf32>
    %mul3A_935 = vector.broadcast %squeeze3A_934 : f32 to vector<112x128xf32>
    %mul3A_936 = arith.mulf %mul3A, %mul3A_935 : vector<112x128xf32>
    %slice3A_937 = vector.extract_strided_slice %get3A_26 {offsets = [1, 43], sizes = [1, 1], strides = [1, 1]} : vector<2x64xf32> to vector<1x1xf32>
    %squeeze3A_938 = vector.extract %slice3A_937[0, 0] : f32 from vector<1x1xf32>
    %mul3A_939 = vector.broadcast %squeeze3A_938 : f32 to vector<112x128xf32>
    %mul3A_940 = arith.mulf %mul3A_23, %mul3A_939 : vector<112x128xf32>
    %add3A_941 = arith.addf %mul3A_936, %mul3A_940 : vector<112x128xf32>
    %slice3A_942 = vector.extract_strided_slice %get3A_28 {offsets = [43], sizes = [1], strides = [1]} : vector<64xf32> to vector<1xf32>
    %squeeze3A_943 = vector.extract %slice3A_942[0] : f32 from vector<1xf32>
    %add3A_944 = vector.broadcast %squeeze3A_943 : f32 to vector<112x128xf32>
    %add3A_945 = arith.addf %add3A_941, %add3A_944 : vector<112x128xf32>
    %max3A_946 = arith.constant 0.000000e+00 : f32
    %max3A_947 = vector.broadcast %max3A_946 : f32 to vector<112x128xf32>
    %max3A_948 = arith.maximumf %add3A_945, %max3A_947 : vector<112x128xf32>
    %slice3A_949 = vector.extract_strided_slice %get3A_31 {offsets = [43, 0], sizes = [1, 1], strides = [1, 1]} : vector<64x1xf32> to vector<1x1xf32>
    %squeeze3A_950 = vector.extract %slice3A_949[0, 0] : f32 from vector<1x1xf32>
    %mul3A_951 = vector.broadcast %squeeze3A_950 : f32 to vector<112x128xf32>
    %mul3A_952 = arith.mulf %max3A_948, %mul3A_951 : vector<112x128xf32>
    %add3A_953 = arith.addf %add3A_932, %mul3A_952 : vector<112x128xf32>
    %slice3A_954 = vector.extract_strided_slice %get3A_26 {offsets = [0, 44], sizes = [1, 1], strides = [1, 1]} : vector<2x64xf32> to vector<1x1xf32>
    %squeeze3A_955 = vector.extract %slice3A_954[0, 0] : f32 from vector<1x1xf32>
    %mul3A_956 = vector.broadcast %squeeze3A_955 : f32 to vector<112x128xf32>
    %mul3A_957 = arith.mulf %mul3A, %mul3A_956 : vector<112x128xf32>
    %slice3A_958 = vector.extract_strided_slice %get3A_26 {offsets = [1, 44], sizes = [1, 1], strides = [1, 1]} : vector<2x64xf32> to vector<1x1xf32>
    %squeeze3A_959 = vector.extract %slice3A_958[0, 0] : f32 from vector<1x1xf32>
    %mul3A_960 = vector.broadcast %squeeze3A_959 : f32 to vector<112x128xf32>
    %mul3A_961 = arith.mulf %mul3A_23, %mul3A_960 : vector<112x128xf32>
    %add3A_962 = arith.addf %mul3A_957, %mul3A_961 : vector<112x128xf32>
    %slice3A_963 = vector.extract_strided_slice %get3A_28 {offsets = [44], sizes = [1], strides = [1]} : vector<64xf32> to vector<1xf32>
    %squeeze3A_964 = vector.extract %slice3A_963[0] : f32 from vector<1xf32>
    %add3A_965 = vector.broadcast %squeeze3A_964 : f32 to vector<112x128xf32>
    %add3A_966 = arith.addf %add3A_962, %add3A_965 : vector<112x128xf32>
    %max3A_967 = arith.constant 0.000000e+00 : f32
    %max3A_968 = vector.broadcast %max3A_967 : f32 to vector<112x128xf32>
    %max3A_969 = arith.maximumf %add3A_966, %max3A_968 : vector<112x128xf32>
    %slice3A_970 = vector.extract_strided_slice %get3A_31 {offsets = [44, 0], sizes = [1, 1], strides = [1, 1]} : vector<64x1xf32> to vector<1x1xf32>
    %squeeze3A_971 = vector.extract %slice3A_970[0, 0] : f32 from vector<1x1xf32>
    %mul3A_972 = vector.broadcast %squeeze3A_971 : f32 to vector<112x128xf32>
    %mul3A_973 = arith.mulf %max3A_969, %mul3A_972 : vector<112x128xf32>
    %add3A_974 = arith.addf %add3A_953, %mul3A_973 : vector<112x128xf32>
    %slice3A_975 = vector.extract_strided_slice %get3A_26 {offsets = [0, 45], sizes = [1, 1], strides = [1, 1]} : vector<2x64xf32> to vector<1x1xf32>
    %squeeze3A_976 = vector.extract %slice3A_975[0, 0] : f32 from vector<1x1xf32>
    %mul3A_977 = vector.broadcast %squeeze3A_976 : f32 to vector<112x128xf32>
    %mul3A_978 = arith.mulf %mul3A, %mul3A_977 : vector<112x128xf32>
    %slice3A_979 = vector.extract_strided_slice %get3A_26 {offsets = [1, 45], sizes = [1, 1], strides = [1, 1]} : vector<2x64xf32> to vector<1x1xf32>
    %squeeze3A_980 = vector.extract %slice3A_979[0, 0] : f32 from vector<1x1xf32>
    %mul3A_981 = vector.broadcast %squeeze3A_980 : f32 to vector<112x128xf32>
    %mul3A_982 = arith.mulf %mul3A_23, %mul3A_981 : vector<112x128xf32>
    %add3A_983 = arith.addf %mul3A_978, %mul3A_982 : vector<112x128xf32>
    %slice3A_984 = vector.extract_strided_slice %get3A_28 {offsets = [45], sizes = [1], strides = [1]} : vector<64xf32> to vector<1xf32>
    %squeeze3A_985 = vector.extract %slice3A_984[0] : f32 from vector<1xf32>
    %add3A_986 = vector.broadcast %squeeze3A_985 : f32 to vector<112x128xf32>
    %add3A_987 = arith.addf %add3A_983, %add3A_986 : vector<112x128xf32>
    %max3A_988 = arith.constant 0.000000e+00 : f32
    %max3A_989 = vector.broadcast %max3A_988 : f32 to vector<112x128xf32>
    %max3A_990 = arith.maximumf %add3A_987, %max3A_989 : vector<112x128xf32>
    %slice3A_991 = vector.extract_strided_slice %get3A_31 {offsets = [45, 0], sizes = [1, 1], strides = [1, 1]} : vector<64x1xf32> to vector<1x1xf32>
    %squeeze3A_992 = vector.extract %slice3A_991[0, 0] : f32 from vector<1x1xf32>
    %mul3A_993 = vector.broadcast %squeeze3A_992 : f32 to vector<112x128xf32>
    %mul3A_994 = arith.mulf %max3A_990, %mul3A_993 : vector<112x128xf32>
    %add3A_995 = arith.addf %add3A_974, %mul3A_994 : vector<112x128xf32>
    %slice3A_996 = vector.extract_strided_slice %get3A_26 {offsets = [0, 46], sizes = [1, 1], strides = [1, 1]} : vector<2x64xf32> to vector<1x1xf32>
    %squeeze3A_997 = vector.extract %slice3A_996[0, 0] : f32 from vector<1x1xf32>
    %mul3A_998 = vector.broadcast %squeeze3A_997 : f32 to vector<112x128xf32>
    %mul3A_999 = arith.mulf %mul3A, %mul3A_998 : vector<112x128xf32>
    %slice3A_1000 = vector.extract_strided_slice %get3A_26 {offsets = [1, 46], sizes = [1, 1], strides = [1, 1]} : vector<2x64xf32> to vector<1x1xf32>
    %squeeze3A_1001 = vector.extract %slice3A_1000[0, 0] : f32 from vector<1x1xf32>
    %mul3A_1002 = vector.broadcast %squeeze3A_1001 : f32 to vector<112x128xf32>
    %mul3A_1003 = arith.mulf %mul3A_23, %mul3A_1002 : vector<112x128xf32>
    %add3A_1004 = arith.addf %mul3A_999, %mul3A_1003 : vector<112x128xf32>
    %slice3A_1005 = vector.extract_strided_slice %get3A_28 {offsets = [46], sizes = [1], strides = [1]} : vector<64xf32> to vector<1xf32>
    %squeeze3A_1006 = vector.extract %slice3A_1005[0] : f32 from vector<1xf32>
    %add3A_1007 = vector.broadcast %squeeze3A_1006 : f32 to vector<112x128xf32>
    %add3A_1008 = arith.addf %add3A_1004, %add3A_1007 : vector<112x128xf32>
    %max3A_1009 = arith.constant 0.000000e+00 : f32
    %max3A_1010 = vector.broadcast %max3A_1009 : f32 to vector<112x128xf32>
    %max3A_1011 = arith.maximumf %add3A_1008, %max3A_1010 : vector<112x128xf32>
    %slice3A_1012 = vector.extract_strided_slice %get3A_31 {offsets = [46, 0], sizes = [1, 1], strides = [1, 1]} : vector<64x1xf32> to vector<1x1xf32>
    %squeeze3A_1013 = vector.extract %slice3A_1012[0, 0] : f32 from vector<1x1xf32>
    %mul3A_1014 = vector.broadcast %squeeze3A_1013 : f32 to vector<112x128xf32>
    %mul3A_1015 = arith.mulf %max3A_1011, %mul3A_1014 : vector<112x128xf32>
    %add3A_1016 = arith.addf %add3A_995, %mul3A_1015 : vector<112x128xf32>
    %slice3A_1017 = vector.extract_strided_slice %get3A_26 {offsets = [0, 47], sizes = [1, 1], strides = [1, 1]} : vector<2x64xf32> to vector<1x1xf32>
    %squeeze3A_1018 = vector.extract %slice3A_1017[0, 0] : f32 from vector<1x1xf32>
    %mul3A_1019 = vector.broadcast %squeeze3A_1018 : f32 to vector<112x128xf32>
    %mul3A_1020 = arith.mulf %mul3A, %mul3A_1019 : vector<112x128xf32>
    %slice3A_1021 = vector.extract_strided_slice %get3A_26 {offsets = [1, 47], sizes = [1, 1], strides = [1, 1]} : vector<2x64xf32> to vector<1x1xf32>
    %squeeze3A_1022 = vector.extract %slice3A_1021[0, 0] : f32 from vector<1x1xf32>
    %mul3A_1023 = vector.broadcast %squeeze3A_1022 : f32 to vector<112x128xf32>
    %mul3A_1024 = arith.mulf %mul3A_23, %mul3A_1023 : vector<112x128xf32>
    %add3A_1025 = arith.addf %mul3A_1020, %mul3A_1024 : vector<112x128xf32>
    %slice3A_1026 = vector.extract_strided_slice %get3A_28 {offsets = [47], sizes = [1], strides = [1]} : vector<64xf32> to vector<1xf32>
    %squeeze3A_1027 = vector.extract %slice3A_1026[0] : f32 from vector<1xf32>
    %add3A_1028 = vector.broadcast %squeeze3A_1027 : f32 to vector<112x128xf32>
    %add3A_1029 = arith.addf %add3A_1025, %add3A_1028 : vector<112x128xf32>
    %max3A_1030 = arith.constant 0.000000e+00 : f32
    %max3A_1031 = vector.broadcast %max3A_1030 : f32 to vector<112x128xf32>
    %max3A_1032 = arith.maximumf %add3A_1029, %max3A_1031 : vector<112x128xf32>
    %slice3A_1033 = vector.extract_strided_slice %get3A_31 {offsets = [47, 0], sizes = [1, 1], strides = [1, 1]} : vector<64x1xf32> to vector<1x1xf32>
    %squeeze3A_1034 = vector.extract %slice3A_1033[0, 0] : f32 from vector<1x1xf32>
    %mul3A_1035 = vector.broadcast %squeeze3A_1034 : f32 to vector<112x128xf32>
    %mul3A_1036 = arith.mulf %max3A_1032, %mul3A_1035 : vector<112x128xf32>
    %add3A_1037 = arith.addf %add3A_1016, %mul3A_1036 : vector<112x128xf32>
    %slice3A_1038 = vector.extract_strided_slice %get3A_26 {offsets = [0, 48], sizes = [1, 1], strides = [1, 1]} : vector<2x64xf32> to vector<1x1xf32>
    %squeeze3A_1039 = vector.extract %slice3A_1038[0, 0] : f32 from vector<1x1xf32>
    %mul3A_1040 = vector.broadcast %squeeze3A_1039 : f32 to vector<112x128xf32>
    %mul3A_1041 = arith.mulf %mul3A, %mul3A_1040 : vector<112x128xf32>
    %slice3A_1042 = vector.extract_strided_slice %get3A_26 {offsets = [1, 48], sizes = [1, 1], strides = [1, 1]} : vector<2x64xf32> to vector<1x1xf32>
    %squeeze3A_1043 = vector.extract %slice3A_1042[0, 0] : f32 from vector<1x1xf32>
    %mul3A_1044 = vector.broadcast %squeeze3A_1043 : f32 to vector<112x128xf32>
    %mul3A_1045 = arith.mulf %mul3A_23, %mul3A_1044 : vector<112x128xf32>
    %add3A_1046 = arith.addf %mul3A_1041, %mul3A_1045 : vector<112x128xf32>
    %slice3A_1047 = vector.extract_strided_slice %get3A_28 {offsets = [48], sizes = [1], strides = [1]} : vector<64xf32> to vector<1xf32>
    %squeeze3A_1048 = vector.extract %slice3A_1047[0] : f32 from vector<1xf32>
    %add3A_1049 = vector.broadcast %squeeze3A_1048 : f32 to vector<112x128xf32>
    %add3A_1050 = arith.addf %add3A_1046, %add3A_1049 : vector<112x128xf32>
    %max3A_1051 = arith.constant 0.000000e+00 : f32
    %max3A_1052 = vector.broadcast %max3A_1051 : f32 to vector<112x128xf32>
    %max3A_1053 = arith.maximumf %add3A_1050, %max3A_1052 : vector<112x128xf32>
    %slice3A_1054 = vector.extract_strided_slice %get3A_31 {offsets = [48, 0], sizes = [1, 1], strides = [1, 1]} : vector<64x1xf32> to vector<1x1xf32>
    %squeeze3A_1055 = vector.extract %slice3A_1054[0, 0] : f32 from vector<1x1xf32>
    %mul3A_1056 = vector.broadcast %squeeze3A_1055 : f32 to vector<112x128xf32>
    %mul3A_1057 = arith.mulf %max3A_1053, %mul3A_1056 : vector<112x128xf32>
    %add3A_1058 = arith.addf %add3A_1037, %mul3A_1057 : vector<112x128xf32>
    %slice3A_1059 = vector.extract_strided_slice %get3A_26 {offsets = [0, 49], sizes = [1, 1], strides = [1, 1]} : vector<2x64xf32> to vector<1x1xf32>
    %squeeze3A_1060 = vector.extract %slice3A_1059[0, 0] : f32 from vector<1x1xf32>
    %mul3A_1061 = vector.broadcast %squeeze3A_1060 : f32 to vector<112x128xf32>
    %mul3A_1062 = arith.mulf %mul3A, %mul3A_1061 : vector<112x128xf32>
    %slice3A_1063 = vector.extract_strided_slice %get3A_26 {offsets = [1, 49], sizes = [1, 1], strides = [1, 1]} : vector<2x64xf32> to vector<1x1xf32>
    %squeeze3A_1064 = vector.extract %slice3A_1063[0, 0] : f32 from vector<1x1xf32>
    %mul3A_1065 = vector.broadcast %squeeze3A_1064 : f32 to vector<112x128xf32>
    %mul3A_1066 = arith.mulf %mul3A_23, %mul3A_1065 : vector<112x128xf32>
    %add3A_1067 = arith.addf %mul3A_1062, %mul3A_1066 : vector<112x128xf32>
    %slice3A_1068 = vector.extract_strided_slice %get3A_28 {offsets = [49], sizes = [1], strides = [1]} : vector<64xf32> to vector<1xf32>
    %squeeze3A_1069 = vector.extract %slice3A_1068[0] : f32 from vector<1xf32>
    %add3A_1070 = vector.broadcast %squeeze3A_1069 : f32 to vector<112x128xf32>
    %add3A_1071 = arith.addf %add3A_1067, %add3A_1070 : vector<112x128xf32>
    %max3A_1072 = arith.constant 0.000000e+00 : f32
    %max3A_1073 = vector.broadcast %max3A_1072 : f32 to vector<112x128xf32>
    %max3A_1074 = arith.maximumf %add3A_1071, %max3A_1073 : vector<112x128xf32>
    %slice3A_1075 = vector.extract_strided_slice %get3A_31 {offsets = [49, 0], sizes = [1, 1], strides = [1, 1]} : vector<64x1xf32> to vector<1x1xf32>
    %squeeze3A_1076 = vector.extract %slice3A_1075[0, 0] : f32 from vector<1x1xf32>
    %mul3A_1077 = vector.broadcast %squeeze3A_1076 : f32 to vector<112x128xf32>
    %mul3A_1078 = arith.mulf %max3A_1074, %mul3A_1077 : vector<112x128xf32>
    %add3A_1079 = arith.addf %add3A_1058, %mul3A_1078 : vector<112x128xf32>
    %slice3A_1080 = vector.extract_strided_slice %get3A_26 {offsets = [0, 50], sizes = [1, 1], strides = [1, 1]} : vector<2x64xf32> to vector<1x1xf32>
    %squeeze3A_1081 = vector.extract %slice3A_1080[0, 0] : f32 from vector<1x1xf32>
    %mul3A_1082 = vector.broadcast %squeeze3A_1081 : f32 to vector<112x128xf32>
    %mul3A_1083 = arith.mulf %mul3A, %mul3A_1082 : vector<112x128xf32>
    %slice3A_1084 = vector.extract_strided_slice %get3A_26 {offsets = [1, 50], sizes = [1, 1], strides = [1, 1]} : vector<2x64xf32> to vector<1x1xf32>
    %squeeze3A_1085 = vector.extract %slice3A_1084[0, 0] : f32 from vector<1x1xf32>
    %mul3A_1086 = vector.broadcast %squeeze3A_1085 : f32 to vector<112x128xf32>
    %mul3A_1087 = arith.mulf %mul3A_23, %mul3A_1086 : vector<112x128xf32>
    %add3A_1088 = arith.addf %mul3A_1083, %mul3A_1087 : vector<112x128xf32>
    %slice3A_1089 = vector.extract_strided_slice %get3A_28 {offsets = [50], sizes = [1], strides = [1]} : vector<64xf32> to vector<1xf32>
    %squeeze3A_1090 = vector.extract %slice3A_1089[0] : f32 from vector<1xf32>
    %add3A_1091 = vector.broadcast %squeeze3A_1090 : f32 to vector<112x128xf32>
    %add3A_1092 = arith.addf %add3A_1088, %add3A_1091 : vector<112x128xf32>
    %max3A_1093 = arith.constant 0.000000e+00 : f32
    %max3A_1094 = vector.broadcast %max3A_1093 : f32 to vector<112x128xf32>
    %max3A_1095 = arith.maximumf %add3A_1092, %max3A_1094 : vector<112x128xf32>
    %slice3A_1096 = vector.extract_strided_slice %get3A_31 {offsets = [50, 0], sizes = [1, 1], strides = [1, 1]} : vector<64x1xf32> to vector<1x1xf32>
    %squeeze3A_1097 = vector.extract %slice3A_1096[0, 0] : f32 from vector<1x1xf32>
    %mul3A_1098 = vector.broadcast %squeeze3A_1097 : f32 to vector<112x128xf32>
    %mul3A_1099 = arith.mulf %max3A_1095, %mul3A_1098 : vector<112x128xf32>
    %add3A_1100 = arith.addf %add3A_1079, %mul3A_1099 : vector<112x128xf32>
    %slice3A_1101 = vector.extract_strided_slice %get3A_26 {offsets = [0, 51], sizes = [1, 1], strides = [1, 1]} : vector<2x64xf32> to vector<1x1xf32>
    %squeeze3A_1102 = vector.extract %slice3A_1101[0, 0] : f32 from vector<1x1xf32>
    %mul3A_1103 = vector.broadcast %squeeze3A_1102 : f32 to vector<112x128xf32>
    %mul3A_1104 = arith.mulf %mul3A, %mul3A_1103 : vector<112x128xf32>
    %slice3A_1105 = vector.extract_strided_slice %get3A_26 {offsets = [1, 51], sizes = [1, 1], strides = [1, 1]} : vector<2x64xf32> to vector<1x1xf32>
    %squeeze3A_1106 = vector.extract %slice3A_1105[0, 0] : f32 from vector<1x1xf32>
    %mul3A_1107 = vector.broadcast %squeeze3A_1106 : f32 to vector<112x128xf32>
    %mul3A_1108 = arith.mulf %mul3A_23, %mul3A_1107 : vector<112x128xf32>
    %add3A_1109 = arith.addf %mul3A_1104, %mul3A_1108 : vector<112x128xf32>
    %slice3A_1110 = vector.extract_strided_slice %get3A_28 {offsets = [51], sizes = [1], strides = [1]} : vector<64xf32> to vector<1xf32>
    %squeeze3A_1111 = vector.extract %slice3A_1110[0] : f32 from vector<1xf32>
    %add3A_1112 = vector.broadcast %squeeze3A_1111 : f32 to vector<112x128xf32>
    %add3A_1113 = arith.addf %add3A_1109, %add3A_1112 : vector<112x128xf32>
    %max3A_1114 = arith.constant 0.000000e+00 : f32
    %max3A_1115 = vector.broadcast %max3A_1114 : f32 to vector<112x128xf32>
    %max3A_1116 = arith.maximumf %add3A_1113, %max3A_1115 : vector<112x128xf32>
    %slice3A_1117 = vector.extract_strided_slice %get3A_31 {offsets = [51, 0], sizes = [1, 1], strides = [1, 1]} : vector<64x1xf32> to vector<1x1xf32>
    %squeeze3A_1118 = vector.extract %slice3A_1117[0, 0] : f32 from vector<1x1xf32>
    %mul3A_1119 = vector.broadcast %squeeze3A_1118 : f32 to vector<112x128xf32>
    %mul3A_1120 = arith.mulf %max3A_1116, %mul3A_1119 : vector<112x128xf32>
    %add3A_1121 = arith.addf %add3A_1100, %mul3A_1120 : vector<112x128xf32>
    %slice3A_1122 = vector.extract_strided_slice %get3A_26 {offsets = [0, 52], sizes = [1, 1], strides = [1, 1]} : vector<2x64xf32> to vector<1x1xf32>
    %squeeze3A_1123 = vector.extract %slice3A_1122[0, 0] : f32 from vector<1x1xf32>
    %mul3A_1124 = vector.broadcast %squeeze3A_1123 : f32 to vector<112x128xf32>
    %mul3A_1125 = arith.mulf %mul3A, %mul3A_1124 : vector<112x128xf32>
    %slice3A_1126 = vector.extract_strided_slice %get3A_26 {offsets = [1, 52], sizes = [1, 1], strides = [1, 1]} : vector<2x64xf32> to vector<1x1xf32>
    %squeeze3A_1127 = vector.extract %slice3A_1126[0, 0] : f32 from vector<1x1xf32>
    %mul3A_1128 = vector.broadcast %squeeze3A_1127 : f32 to vector<112x128xf32>
    %mul3A_1129 = arith.mulf %mul3A_23, %mul3A_1128 : vector<112x128xf32>
    %add3A_1130 = arith.addf %mul3A_1125, %mul3A_1129 : vector<112x128xf32>
    %slice3A_1131 = vector.extract_strided_slice %get3A_28 {offsets = [52], sizes = [1], strides = [1]} : vector<64xf32> to vector<1xf32>
    %squeeze3A_1132 = vector.extract %slice3A_1131[0] : f32 from vector<1xf32>
    %add3A_1133 = vector.broadcast %squeeze3A_1132 : f32 to vector<112x128xf32>
    %add3A_1134 = arith.addf %add3A_1130, %add3A_1133 : vector<112x128xf32>
    %max3A_1135 = arith.constant 0.000000e+00 : f32
    %max3A_1136 = vector.broadcast %max3A_1135 : f32 to vector<112x128xf32>
    %max3A_1137 = arith.maximumf %add3A_1134, %max3A_1136 : vector<112x128xf32>
    %slice3A_1138 = vector.extract_strided_slice %get3A_31 {offsets = [52, 0], sizes = [1, 1], strides = [1, 1]} : vector<64x1xf32> to vector<1x1xf32>
    %squeeze3A_1139 = vector.extract %slice3A_1138[0, 0] : f32 from vector<1x1xf32>
    %mul3A_1140 = vector.broadcast %squeeze3A_1139 : f32 to vector<112x128xf32>
    %mul3A_1141 = arith.mulf %max3A_1137, %mul3A_1140 : vector<112x128xf32>
    %add3A_1142 = arith.addf %add3A_1121, %mul3A_1141 : vector<112x128xf32>
    %slice3A_1143 = vector.extract_strided_slice %get3A_26 {offsets = [0, 53], sizes = [1, 1], strides = [1, 1]} : vector<2x64xf32> to vector<1x1xf32>
    %squeeze3A_1144 = vector.extract %slice3A_1143[0, 0] : f32 from vector<1x1xf32>
    %mul3A_1145 = vector.broadcast %squeeze3A_1144 : f32 to vector<112x128xf32>
    %mul3A_1146 = arith.mulf %mul3A, %mul3A_1145 : vector<112x128xf32>
    %slice3A_1147 = vector.extract_strided_slice %get3A_26 {offsets = [1, 53], sizes = [1, 1], strides = [1, 1]} : vector<2x64xf32> to vector<1x1xf32>
    %squeeze3A_1148 = vector.extract %slice3A_1147[0, 0] : f32 from vector<1x1xf32>
    %mul3A_1149 = vector.broadcast %squeeze3A_1148 : f32 to vector<112x128xf32>
    %mul3A_1150 = arith.mulf %mul3A_23, %mul3A_1149 : vector<112x128xf32>
    %add3A_1151 = arith.addf %mul3A_1146, %mul3A_1150 : vector<112x128xf32>
    %slice3A_1152 = vector.extract_strided_slice %get3A_28 {offsets = [53], sizes = [1], strides = [1]} : vector<64xf32> to vector<1xf32>
    %squeeze3A_1153 = vector.extract %slice3A_1152[0] : f32 from vector<1xf32>
    %add3A_1154 = vector.broadcast %squeeze3A_1153 : f32 to vector<112x128xf32>
    %add3A_1155 = arith.addf %add3A_1151, %add3A_1154 : vector<112x128xf32>
    %max3A_1156 = arith.constant 0.000000e+00 : f32
    %max3A_1157 = vector.broadcast %max3A_1156 : f32 to vector<112x128xf32>
    %max3A_1158 = arith.maximumf %add3A_1155, %max3A_1157 : vector<112x128xf32>
    %slice3A_1159 = vector.extract_strided_slice %get3A_31 {offsets = [53, 0], sizes = [1, 1], strides = [1, 1]} : vector<64x1xf32> to vector<1x1xf32>
    %squeeze3A_1160 = vector.extract %slice3A_1159[0, 0] : f32 from vector<1x1xf32>
    %mul3A_1161 = vector.broadcast %squeeze3A_1160 : f32 to vector<112x128xf32>
    %mul3A_1162 = arith.mulf %max3A_1158, %mul3A_1161 : vector<112x128xf32>
    %add3A_1163 = arith.addf %add3A_1142, %mul3A_1162 : vector<112x128xf32>
    %slice3A_1164 = vector.extract_strided_slice %get3A_26 {offsets = [0, 54], sizes = [1, 1], strides = [1, 1]} : vector<2x64xf32> to vector<1x1xf32>
    %squeeze3A_1165 = vector.extract %slice3A_1164[0, 0] : f32 from vector<1x1xf32>
    %mul3A_1166 = vector.broadcast %squeeze3A_1165 : f32 to vector<112x128xf32>
    %mul3A_1167 = arith.mulf %mul3A, %mul3A_1166 : vector<112x128xf32>
    %slice3A_1168 = vector.extract_strided_slice %get3A_26 {offsets = [1, 54], sizes = [1, 1], strides = [1, 1]} : vector<2x64xf32> to vector<1x1xf32>
    %squeeze3A_1169 = vector.extract %slice3A_1168[0, 0] : f32 from vector<1x1xf32>
    %mul3A_1170 = vector.broadcast %squeeze3A_1169 : f32 to vector<112x128xf32>
    %mul3A_1171 = arith.mulf %mul3A_23, %mul3A_1170 : vector<112x128xf32>
    %add3A_1172 = arith.addf %mul3A_1167, %mul3A_1171 : vector<112x128xf32>
    %slice3A_1173 = vector.extract_strided_slice %get3A_28 {offsets = [54], sizes = [1], strides = [1]} : vector<64xf32> to vector<1xf32>
    %squeeze3A_1174 = vector.extract %slice3A_1173[0] : f32 from vector<1xf32>
    %add3A_1175 = vector.broadcast %squeeze3A_1174 : f32 to vector<112x128xf32>
    %add3A_1176 = arith.addf %add3A_1172, %add3A_1175 : vector<112x128xf32>
    %max3A_1177 = arith.constant 0.000000e+00 : f32
    %max3A_1178 = vector.broadcast %max3A_1177 : f32 to vector<112x128xf32>
    %max3A_1179 = arith.maximumf %add3A_1176, %max3A_1178 : vector<112x128xf32>
    %slice3A_1180 = vector.extract_strided_slice %get3A_31 {offsets = [54, 0], sizes = [1, 1], strides = [1, 1]} : vector<64x1xf32> to vector<1x1xf32>
    %squeeze3A_1181 = vector.extract %slice3A_1180[0, 0] : f32 from vector<1x1xf32>
    %mul3A_1182 = vector.broadcast %squeeze3A_1181 : f32 to vector<112x128xf32>
    %mul3A_1183 = arith.mulf %max3A_1179, %mul3A_1182 : vector<112x128xf32>
    %add3A_1184 = arith.addf %add3A_1163, %mul3A_1183 : vector<112x128xf32>
    %slice3A_1185 = vector.extract_strided_slice %get3A_26 {offsets = [0, 55], sizes = [1, 1], strides = [1, 1]} : vector<2x64xf32> to vector<1x1xf32>
    %squeeze3A_1186 = vector.extract %slice3A_1185[0, 0] : f32 from vector<1x1xf32>
    %mul3A_1187 = vector.broadcast %squeeze3A_1186 : f32 to vector<112x128xf32>
    %mul3A_1188 = arith.mulf %mul3A, %mul3A_1187 : vector<112x128xf32>
    %slice3A_1189 = vector.extract_strided_slice %get3A_26 {offsets = [1, 55], sizes = [1, 1], strides = [1, 1]} : vector<2x64xf32> to vector<1x1xf32>
    %squeeze3A_1190 = vector.extract %slice3A_1189[0, 0] : f32 from vector<1x1xf32>
    %mul3A_1191 = vector.broadcast %squeeze3A_1190 : f32 to vector<112x128xf32>
    %mul3A_1192 = arith.mulf %mul3A_23, %mul3A_1191 : vector<112x128xf32>
    %add3A_1193 = arith.addf %mul3A_1188, %mul3A_1192 : vector<112x128xf32>
    %slice3A_1194 = vector.extract_strided_slice %get3A_28 {offsets = [55], sizes = [1], strides = [1]} : vector<64xf32> to vector<1xf32>
    %squeeze3A_1195 = vector.extract %slice3A_1194[0] : f32 from vector<1xf32>
    %add3A_1196 = vector.broadcast %squeeze3A_1195 : f32 to vector<112x128xf32>
    %add3A_1197 = arith.addf %add3A_1193, %add3A_1196 : vector<112x128xf32>
    %max3A_1198 = arith.constant 0.000000e+00 : f32
    %max3A_1199 = vector.broadcast %max3A_1198 : f32 to vector<112x128xf32>
    %max3A_1200 = arith.maximumf %add3A_1197, %max3A_1199 : vector<112x128xf32>
    %slice3A_1201 = vector.extract_strided_slice %get3A_31 {offsets = [55, 0], sizes = [1, 1], strides = [1, 1]} : vector<64x1xf32> to vector<1x1xf32>
    %squeeze3A_1202 = vector.extract %slice3A_1201[0, 0] : f32 from vector<1x1xf32>
    %mul3A_1203 = vector.broadcast %squeeze3A_1202 : f32 to vector<112x128xf32>
    %mul3A_1204 = arith.mulf %max3A_1200, %mul3A_1203 : vector<112x128xf32>
    %add3A_1205 = arith.addf %add3A_1184, %mul3A_1204 : vector<112x128xf32>
    %slice3A_1206 = vector.extract_strided_slice %get3A_26 {offsets = [0, 56], sizes = [1, 1], strides = [1, 1]} : vector<2x64xf32> to vector<1x1xf32>
    %squeeze3A_1207 = vector.extract %slice3A_1206[0, 0] : f32 from vector<1x1xf32>
    %mul3A_1208 = vector.broadcast %squeeze3A_1207 : f32 to vector<112x128xf32>
    %mul3A_1209 = arith.mulf %mul3A, %mul3A_1208 : vector<112x128xf32>
    %slice3A_1210 = vector.extract_strided_slice %get3A_26 {offsets = [1, 56], sizes = [1, 1], strides = [1, 1]} : vector<2x64xf32> to vector<1x1xf32>
    %squeeze3A_1211 = vector.extract %slice3A_1210[0, 0] : f32 from vector<1x1xf32>
    %mul3A_1212 = vector.broadcast %squeeze3A_1211 : f32 to vector<112x128xf32>
    %mul3A_1213 = arith.mulf %mul3A_23, %mul3A_1212 : vector<112x128xf32>
    %add3A_1214 = arith.addf %mul3A_1209, %mul3A_1213 : vector<112x128xf32>
    %slice3A_1215 = vector.extract_strided_slice %get3A_28 {offsets = [56], sizes = [1], strides = [1]} : vector<64xf32> to vector<1xf32>
    %squeeze3A_1216 = vector.extract %slice3A_1215[0] : f32 from vector<1xf32>
    %add3A_1217 = vector.broadcast %squeeze3A_1216 : f32 to vector<112x128xf32>
    %add3A_1218 = arith.addf %add3A_1214, %add3A_1217 : vector<112x128xf32>
    %max3A_1219 = arith.constant 0.000000e+00 : f32
    %max3A_1220 = vector.broadcast %max3A_1219 : f32 to vector<112x128xf32>
    %max3A_1221 = arith.maximumf %add3A_1218, %max3A_1220 : vector<112x128xf32>
    %slice3A_1222 = vector.extract_strided_slice %get3A_31 {offsets = [56, 0], sizes = [1, 1], strides = [1, 1]} : vector<64x1xf32> to vector<1x1xf32>
    %squeeze3A_1223 = vector.extract %slice3A_1222[0, 0] : f32 from vector<1x1xf32>
    %mul3A_1224 = vector.broadcast %squeeze3A_1223 : f32 to vector<112x128xf32>
    %mul3A_1225 = arith.mulf %max3A_1221, %mul3A_1224 : vector<112x128xf32>
    %add3A_1226 = arith.addf %add3A_1205, %mul3A_1225 : vector<112x128xf32>
    %slice3A_1227 = vector.extract_strided_slice %get3A_26 {offsets = [0, 57], sizes = [1, 1], strides = [1, 1]} : vector<2x64xf32> to vector<1x1xf32>
    %squeeze3A_1228 = vector.extract %slice3A_1227[0, 0] : f32 from vector<1x1xf32>
    %mul3A_1229 = vector.broadcast %squeeze3A_1228 : f32 to vector<112x128xf32>
    %mul3A_1230 = arith.mulf %mul3A, %mul3A_1229 : vector<112x128xf32>
    %slice3A_1231 = vector.extract_strided_slice %get3A_26 {offsets = [1, 57], sizes = [1, 1], strides = [1, 1]} : vector<2x64xf32> to vector<1x1xf32>
    %squeeze3A_1232 = vector.extract %slice3A_1231[0, 0] : f32 from vector<1x1xf32>
    %mul3A_1233 = vector.broadcast %squeeze3A_1232 : f32 to vector<112x128xf32>
    %mul3A_1234 = arith.mulf %mul3A_23, %mul3A_1233 : vector<112x128xf32>
    %add3A_1235 = arith.addf %mul3A_1230, %mul3A_1234 : vector<112x128xf32>
    %slice3A_1236 = vector.extract_strided_slice %get3A_28 {offsets = [57], sizes = [1], strides = [1]} : vector<64xf32> to vector<1xf32>
    %squeeze3A_1237 = vector.extract %slice3A_1236[0] : f32 from vector<1xf32>
    %add3A_1238 = vector.broadcast %squeeze3A_1237 : f32 to vector<112x128xf32>
    %add3A_1239 = arith.addf %add3A_1235, %add3A_1238 : vector<112x128xf32>
    %max3A_1240 = arith.constant 0.000000e+00 : f32
    %max3A_1241 = vector.broadcast %max3A_1240 : f32 to vector<112x128xf32>
    %max3A_1242 = arith.maximumf %add3A_1239, %max3A_1241 : vector<112x128xf32>
    %slice3A_1243 = vector.extract_strided_slice %get3A_31 {offsets = [57, 0], sizes = [1, 1], strides = [1, 1]} : vector<64x1xf32> to vector<1x1xf32>
    %squeeze3A_1244 = vector.extract %slice3A_1243[0, 0] : f32 from vector<1x1xf32>
    %mul3A_1245 = vector.broadcast %squeeze3A_1244 : f32 to vector<112x128xf32>
    %mul3A_1246 = arith.mulf %max3A_1242, %mul3A_1245 : vector<112x128xf32>
    %add3A_1247 = arith.addf %add3A_1226, %mul3A_1246 : vector<112x128xf32>
    %slice3A_1248 = vector.extract_strided_slice %get3A_26 {offsets = [0, 58], sizes = [1, 1], strides = [1, 1]} : vector<2x64xf32> to vector<1x1xf32>
    %squeeze3A_1249 = vector.extract %slice3A_1248[0, 0] : f32 from vector<1x1xf32>
    %mul3A_1250 = vector.broadcast %squeeze3A_1249 : f32 to vector<112x128xf32>
    %mul3A_1251 = arith.mulf %mul3A, %mul3A_1250 : vector<112x128xf32>
    %slice3A_1252 = vector.extract_strided_slice %get3A_26 {offsets = [1, 58], sizes = [1, 1], strides = [1, 1]} : vector<2x64xf32> to vector<1x1xf32>
    %squeeze3A_1253 = vector.extract %slice3A_1252[0, 0] : f32 from vector<1x1xf32>
    %mul3A_1254 = vector.broadcast %squeeze3A_1253 : f32 to vector<112x128xf32>
    %mul3A_1255 = arith.mulf %mul3A_23, %mul3A_1254 : vector<112x128xf32>
    %add3A_1256 = arith.addf %mul3A_1251, %mul3A_1255 : vector<112x128xf32>
    %slice3A_1257 = vector.extract_strided_slice %get3A_28 {offsets = [58], sizes = [1], strides = [1]} : vector<64xf32> to vector<1xf32>
    %squeeze3A_1258 = vector.extract %slice3A_1257[0] : f32 from vector<1xf32>
    %add3A_1259 = vector.broadcast %squeeze3A_1258 : f32 to vector<112x128xf32>
    %add3A_1260 = arith.addf %add3A_1256, %add3A_1259 : vector<112x128xf32>
    %max3A_1261 = arith.constant 0.000000e+00 : f32
    %max3A_1262 = vector.broadcast %max3A_1261 : f32 to vector<112x128xf32>
    %max3A_1263 = arith.maximumf %add3A_1260, %max3A_1262 : vector<112x128xf32>
    %slice3A_1264 = vector.extract_strided_slice %get3A_31 {offsets = [58, 0], sizes = [1, 1], strides = [1, 1]} : vector<64x1xf32> to vector<1x1xf32>
    %squeeze3A_1265 = vector.extract %slice3A_1264[0, 0] : f32 from vector<1x1xf32>
    %mul3A_1266 = vector.broadcast %squeeze3A_1265 : f32 to vector<112x128xf32>
    %mul3A_1267 = arith.mulf %max3A_1263, %mul3A_1266 : vector<112x128xf32>
    %add3A_1268 = arith.addf %add3A_1247, %mul3A_1267 : vector<112x128xf32>
    %slice3A_1269 = vector.extract_strided_slice %get3A_26 {offsets = [0, 59], sizes = [1, 1], strides = [1, 1]} : vector<2x64xf32> to vector<1x1xf32>
    %squeeze3A_1270 = vector.extract %slice3A_1269[0, 0] : f32 from vector<1x1xf32>
    %mul3A_1271 = vector.broadcast %squeeze3A_1270 : f32 to vector<112x128xf32>
    %mul3A_1272 = arith.mulf %mul3A, %mul3A_1271 : vector<112x128xf32>
    %slice3A_1273 = vector.extract_strided_slice %get3A_26 {offsets = [1, 59], sizes = [1, 1], strides = [1, 1]} : vector<2x64xf32> to vector<1x1xf32>
    %squeeze3A_1274 = vector.extract %slice3A_1273[0, 0] : f32 from vector<1x1xf32>
    %mul3A_1275 = vector.broadcast %squeeze3A_1274 : f32 to vector<112x128xf32>
    %mul3A_1276 = arith.mulf %mul3A_23, %mul3A_1275 : vector<112x128xf32>
    %add3A_1277 = arith.addf %mul3A_1272, %mul3A_1276 : vector<112x128xf32>
    %slice3A_1278 = vector.extract_strided_slice %get3A_28 {offsets = [59], sizes = [1], strides = [1]} : vector<64xf32> to vector<1xf32>
    %squeeze3A_1279 = vector.extract %slice3A_1278[0] : f32 from vector<1xf32>
    %add3A_1280 = vector.broadcast %squeeze3A_1279 : f32 to vector<112x128xf32>
    %add3A_1281 = arith.addf %add3A_1277, %add3A_1280 : vector<112x128xf32>
    %max3A_1282 = arith.constant 0.000000e+00 : f32
    %max3A_1283 = vector.broadcast %max3A_1282 : f32 to vector<112x128xf32>
    %max3A_1284 = arith.maximumf %add3A_1281, %max3A_1283 : vector<112x128xf32>
    %slice3A_1285 = vector.extract_strided_slice %get3A_31 {offsets = [59, 0], sizes = [1, 1], strides = [1, 1]} : vector<64x1xf32> to vector<1x1xf32>
    %squeeze3A_1286 = vector.extract %slice3A_1285[0, 0] : f32 from vector<1x1xf32>
    %mul3A_1287 = vector.broadcast %squeeze3A_1286 : f32 to vector<112x128xf32>
    %mul3A_1288 = arith.mulf %max3A_1284, %mul3A_1287 : vector<112x128xf32>
    %add3A_1289 = arith.addf %add3A_1268, %mul3A_1288 : vector<112x128xf32>
    %slice3A_1290 = vector.extract_strided_slice %get3A_26 {offsets = [0, 60], sizes = [1, 1], strides = [1, 1]} : vector<2x64xf32> to vector<1x1xf32>
    %squeeze3A_1291 = vector.extract %slice3A_1290[0, 0] : f32 from vector<1x1xf32>
    %mul3A_1292 = vector.broadcast %squeeze3A_1291 : f32 to vector<112x128xf32>
    %mul3A_1293 = arith.mulf %mul3A, %mul3A_1292 : vector<112x128xf32>
    %slice3A_1294 = vector.extract_strided_slice %get3A_26 {offsets = [1, 60], sizes = [1, 1], strides = [1, 1]} : vector<2x64xf32> to vector<1x1xf32>
    %squeeze3A_1295 = vector.extract %slice3A_1294[0, 0] : f32 from vector<1x1xf32>
    %mul3A_1296 = vector.broadcast %squeeze3A_1295 : f32 to vector<112x128xf32>
    %mul3A_1297 = arith.mulf %mul3A_23, %mul3A_1296 : vector<112x128xf32>
    %add3A_1298 = arith.addf %mul3A_1293, %mul3A_1297 : vector<112x128xf32>
    %slice3A_1299 = vector.extract_strided_slice %get3A_28 {offsets = [60], sizes = [1], strides = [1]} : vector<64xf32> to vector<1xf32>
    %squeeze3A_1300 = vector.extract %slice3A_1299[0] : f32 from vector<1xf32>
    %add3A_1301 = vector.broadcast %squeeze3A_1300 : f32 to vector<112x128xf32>
    %add3A_1302 = arith.addf %add3A_1298, %add3A_1301 : vector<112x128xf32>
    %max3A_1303 = arith.constant 0.000000e+00 : f32
    %max3A_1304 = vector.broadcast %max3A_1303 : f32 to vector<112x128xf32>
    %max3A_1305 = arith.maximumf %add3A_1302, %max3A_1304 : vector<112x128xf32>
    %slice3A_1306 = vector.extract_strided_slice %get3A_31 {offsets = [60, 0], sizes = [1, 1], strides = [1, 1]} : vector<64x1xf32> to vector<1x1xf32>
    %squeeze3A_1307 = vector.extract %slice3A_1306[0, 0] : f32 from vector<1x1xf32>
    %mul3A_1308 = vector.broadcast %squeeze3A_1307 : f32 to vector<112x128xf32>
    %mul3A_1309 = arith.mulf %max3A_1305, %mul3A_1308 : vector<112x128xf32>
    %add3A_1310 = arith.addf %add3A_1289, %mul3A_1309 : vector<112x128xf32>
    %slice3A_1311 = vector.extract_strided_slice %get3A_26 {offsets = [0, 61], sizes = [1, 1], strides = [1, 1]} : vector<2x64xf32> to vector<1x1xf32>
    %squeeze3A_1312 = vector.extract %slice3A_1311[0, 0] : f32 from vector<1x1xf32>
    %mul3A_1313 = vector.broadcast %squeeze3A_1312 : f32 to vector<112x128xf32>
    %mul3A_1314 = arith.mulf %mul3A, %mul3A_1313 : vector<112x128xf32>
    %slice3A_1315 = vector.extract_strided_slice %get3A_26 {offsets = [1, 61], sizes = [1, 1], strides = [1, 1]} : vector<2x64xf32> to vector<1x1xf32>
    %squeeze3A_1316 = vector.extract %slice3A_1315[0, 0] : f32 from vector<1x1xf32>
    %mul3A_1317 = vector.broadcast %squeeze3A_1316 : f32 to vector<112x128xf32>
    %mul3A_1318 = arith.mulf %mul3A_23, %mul3A_1317 : vector<112x128xf32>
    %add3A_1319 = arith.addf %mul3A_1314, %mul3A_1318 : vector<112x128xf32>
    %slice3A_1320 = vector.extract_strided_slice %get3A_28 {offsets = [61], sizes = [1], strides = [1]} : vector<64xf32> to vector<1xf32>
    %squeeze3A_1321 = vector.extract %slice3A_1320[0] : f32 from vector<1xf32>
    %add3A_1322 = vector.broadcast %squeeze3A_1321 : f32 to vector<112x128xf32>
    %add3A_1323 = arith.addf %add3A_1319, %add3A_1322 : vector<112x128xf32>
    %max3A_1324 = arith.constant 0.000000e+00 : f32
    %max3A_1325 = vector.broadcast %max3A_1324 : f32 to vector<112x128xf32>
    %max3A_1326 = arith.maximumf %add3A_1323, %max3A_1325 : vector<112x128xf32>
    %slice3A_1327 = vector.extract_strided_slice %get3A_31 {offsets = [61, 0], sizes = [1, 1], strides = [1, 1]} : vector<64x1xf32> to vector<1x1xf32>
    %squeeze3A_1328 = vector.extract %slice3A_1327[0, 0] : f32 from vector<1x1xf32>
    %mul3A_1329 = vector.broadcast %squeeze3A_1328 : f32 to vector<112x128xf32>
    %mul3A_1330 = arith.mulf %max3A_1326, %mul3A_1329 : vector<112x128xf32>
    %add3A_1331 = arith.addf %add3A_1310, %mul3A_1330 : vector<112x128xf32>
    %slice3A_1332 = vector.extract_strided_slice %get3A_26 {offsets = [0, 62], sizes = [1, 1], strides = [1, 1]} : vector<2x64xf32> to vector<1x1xf32>
    %squeeze3A_1333 = vector.extract %slice3A_1332[0, 0] : f32 from vector<1x1xf32>
    %mul3A_1334 = vector.broadcast %squeeze3A_1333 : f32 to vector<112x128xf32>
    %mul3A_1335 = arith.mulf %mul3A, %mul3A_1334 : vector<112x128xf32>
    %slice3A_1336 = vector.extract_strided_slice %get3A_26 {offsets = [1, 62], sizes = [1, 1], strides = [1, 1]} : vector<2x64xf32> to vector<1x1xf32>
    %squeeze3A_1337 = vector.extract %slice3A_1336[0, 0] : f32 from vector<1x1xf32>
    %mul3A_1338 = vector.broadcast %squeeze3A_1337 : f32 to vector<112x128xf32>
    %mul3A_1339 = arith.mulf %mul3A_23, %mul3A_1338 : vector<112x128xf32>
    %add3A_1340 = arith.addf %mul3A_1335, %mul3A_1339 : vector<112x128xf32>
    %slice3A_1341 = vector.extract_strided_slice %get3A_28 {offsets = [62], sizes = [1], strides = [1]} : vector<64xf32> to vector<1xf32>
    %squeeze3A_1342 = vector.extract %slice3A_1341[0] : f32 from vector<1xf32>
    %add3A_1343 = vector.broadcast %squeeze3A_1342 : f32 to vector<112x128xf32>
    %add3A_1344 = arith.addf %add3A_1340, %add3A_1343 : vector<112x128xf32>
    %max3A_1345 = arith.constant 0.000000e+00 : f32
    %max3A_1346 = vector.broadcast %max3A_1345 : f32 to vector<112x128xf32>
    %max3A_1347 = arith.maximumf %add3A_1344, %max3A_1346 : vector<112x128xf32>
    %slice3A_1348 = vector.extract_strided_slice %get3A_31 {offsets = [62, 0], sizes = [1, 1], strides = [1, 1]} : vector<64x1xf32> to vector<1x1xf32>
    %squeeze3A_1349 = vector.extract %slice3A_1348[0, 0] : f32 from vector<1x1xf32>
    %mul3A_1350 = vector.broadcast %squeeze3A_1349 : f32 to vector<112x128xf32>
    %mul3A_1351 = arith.mulf %max3A_1347, %mul3A_1350 : vector<112x128xf32>
    %add3A_1352 = arith.addf %add3A_1331, %mul3A_1351 : vector<112x128xf32>
    %slice3A_1353 = vector.extract_strided_slice %get3A_26 {offsets = [0, 63], sizes = [1, 1], strides = [1, 1]} : vector<2x64xf32> to vector<1x1xf32>
    %squeeze3A_1354 = vector.extract %slice3A_1353[0, 0] : f32 from vector<1x1xf32>
    %mul3A_1355 = vector.broadcast %squeeze3A_1354 : f32 to vector<112x128xf32>
    %mul3A_1356 = arith.mulf %mul3A, %mul3A_1355 : vector<112x128xf32>
    %slice3A_1357 = vector.extract_strided_slice %get3A_26 {offsets = [1, 63], sizes = [1, 1], strides = [1, 1]} : vector<2x64xf32> to vector<1x1xf32>
    %squeeze3A_1358 = vector.extract %slice3A_1357[0, 0] : f32 from vector<1x1xf32>
    %mul3A_1359 = vector.broadcast %squeeze3A_1358 : f32 to vector<112x128xf32>
    %mul3A_1360 = arith.mulf %mul3A_23, %mul3A_1359 : vector<112x128xf32>
    %add3A_1361 = arith.addf %mul3A_1356, %mul3A_1360 : vector<112x128xf32>
    %slice3A_1362 = vector.extract_strided_slice %get3A_28 {offsets = [63], sizes = [1], strides = [1]} : vector<64xf32> to vector<1xf32>
    %squeeze3A_1363 = vector.extract %slice3A_1362[0] : f32 from vector<1xf32>
    %add3A_1364 = vector.broadcast %squeeze3A_1363 : f32 to vector<112x128xf32>
    %add3A_1365 = arith.addf %add3A_1361, %add3A_1364 : vector<112x128xf32>
    %max3A_1366 = arith.constant 0.000000e+00 : f32
    %max3A_1367 = vector.broadcast %max3A_1366 : f32 to vector<112x128xf32>
    %max3A_1368 = arith.maximumf %add3A_1365, %max3A_1367 : vector<112x128xf32>
    %slice3A_1369 = vector.extract_strided_slice %get3A_31 {offsets = [63, 0], sizes = [1, 1], strides = [1, 1]} : vector<64x1xf32> to vector<1x1xf32>
    %squeeze3A_1370 = vector.extract %slice3A_1369[0, 0] : f32 from vector<1x1xf32>
    %mul3A_1371 = vector.broadcast %squeeze3A_1370 : f32 to vector<112x128xf32>
    %mul3A_1372 = arith.mulf %max3A_1368, %mul3A_1371 : vector<112x128xf32>
    %add3A_1373 = arith.addf %add3A_1352, %mul3A_1372 : vector<112x128xf32>
    %mul3A_1374 = arith.mulf %get3A_1, %add3A_1373 : vector<112x128xf32>
    %swap3A = arith.constant 0 : index
    %swap3A_1375 = arith.constant 0 : index
    %swap3A_1376 = vector.load %arg7[%swap3A, %swap3A_1375] : memref<112x128xf32, #tpu.memory_space<vmem>>, vector<112x128xf32>
    tpu.vector_store %arg7[%swap3A, %swap3A_1375], %mul3A_1374 {strides = array<i32>} : memref<112x128xf32, #tpu.memory_space<vmem>>, vector<112x128xf32>,
    return
  }
  func.func @transform_0(%arg0: i32) -> (i32, i32, i32) {
    %c0_i32 = arith.constant 0 : i32
    %c0_i32_0 = arith.constant 0 : i32
    %c0_i32_1 = arith.constant 0 : i32
    return %c0_i32, %arg0, %c0_i32_0 : i32, i32, i32
  }
  func.func @transform_1(%arg0: i32) -> (i32, i32, i32) {
    %c0_i32 = arith.constant 0 : i32
    %c0_i32_0 = arith.constant 0 : i32
    %c0_i32_1 = arith.constant 0 : i32
    return %c0_i32, %arg0, %c0_i32_0 : i32, i32, i32
  }
  func.func @transform_2(%arg0: i32) -> (i32, i32) {
    %c0_i32 = arith.constant 0 : i32
    %c0_i32_0 = arith.constant 0 : i32
    return %arg0, %c0_i32 : i32, i32
  }
  func.func @transform_3(%arg0: i32) -> (i32, i32) {
    %c0_i32 = arith.constant 0 : i32
    %c0_i32_0 = arith.constant 0 : i32
    %c0_i32_1 = arith.constant 0 : i32
    return %c0_i32, %c0_i32_0 : i32, i32
  }
  func.func @transform_4(%arg0: i32) -> i32 {
    %c0_i32 = arith.constant 0 : i32
    %c0_i32_0 = arith.constant 0 : i32
    return %c0_i32 : i32
  }
  func.func @transform_5(%arg0: i32) -> (i32, i32) {
    %c0_i32 = arith.constant 0 : i32
    %c0_i32_0 = arith.constant 0 : i32
    %c0_i32_1 = arith.constant 0 : i32
    return %c0_i32, %c0_i32_0 : i32, i32
  }
  func.func @transform_6(%arg0: i32) -> (i32, i32) {
    %c0_i32 = arith.constant 0 : i32
    %c0_i32_0 = arith.constant 0 : i32
    return %arg0, %c0_i32 : i32, i32
  }
}

module attributes {stable_mosaic.version = 14 : i64} {
  func.func @body(%arg0: memref<2x784x128xf32, #tpu.memory_space<vmem>>, %arg1: memref<784x128xf32, #tpu.memory_space<vmem>>, %arg2: memref<784x128xf32, #tpu.memory_space<vmem>>, %arg3: memref<784x128xf32, #tpu.memory_space<vmem>>, %arg4: memref<784x128xf32, #tpu.memory_space<vmem>>, %arg5: memref<784x128xf32, #tpu.memory_space<vmem>>) attributes {dimension_semantics = [], scalar_prefetch = 0 : i64, scratch_operands = 0 : i64, tpu.core_type = #tpu.core_type<tc>} {
    %get3A = arith.constant 0 : index
    %get3A_0 = arith.constant 0 : index
    %get3A_1 = arith.constant 0 : index
    %get3A_2 = vector.load %arg0[%get3A, %get3A_0, %get3A_1] : memref<2x784x128xf32, #tpu.memory_space<vmem>>, vector<1x784x128xf32>
    %get3A_3 = vector.shape_cast %get3A_2 : vector<1x784x128xf32> to vector<784x128xf32>
    %get3A_4 = arith.constant 1 : index
    %get3A_5 = arith.constant 0 : index
    %get3A_6 = arith.constant 0 : index
    %get3A_7 = vector.load %arg0[%get3A_4, %get3A_5, %get3A_6] : memref<2x784x128xf32, #tpu.memory_space<vmem>>, vector<1x784x128xf32>
    %get3A_8 = vector.shape_cast %get3A_7 : vector<1x784x128xf32> to vector<784x128xf32>
    %add3A = arith.addf %get3A_3, %get3A_8 : vector<784x128xf32>
    %max3A = arith.constant 1.000000e+00 : f32
    %max3A_9 = vector.broadcast %max3A : f32 to vector<784x128xf32>
    %max3A_10 = arith.maximumf %add3A, %max3A_9 : vector<784x128xf32>
    %rsqrt3A = math.rsqrt %max3A_10 : vector<784x128xf32>
    %mul3A = arith.constant 5.000000e-01 : f32
    %mul3A_11 = vector.broadcast %mul3A : f32 to vector<784x128xf32>
    %mul3A_12 = arith.mulf %mul3A_11, %add3A : vector<784x128xf32>
    %mul3A_13 = arith.mulf %mul3A_12, %rsqrt3A : vector<784x128xf32>
    %mul3A_14 = arith.mulf %mul3A_13, %rsqrt3A : vector<784x128xf32>
    %sub3A = arith.constant 1.500000e+00 : f32
    %sub3A_15 = vector.broadcast %sub3A : f32 to vector<784x128xf32>
    %sub3A_16 = arith.subf %sub3A_15, %mul3A_14 : vector<784x128xf32>
    %mul3A_17 = arith.mulf %rsqrt3A, %sub3A_16 : vector<784x128xf32>
    %gt3A = arith.constant 0.000000e+00 : f32
    %gt3A_18 = vector.broadcast %gt3A : f32 to vector<784x128xf32>
    %gt3A_19 = arith.cmpf ogt, %add3A, %gt3A_18 : vector<784x128xf32>
    %jit3A = arith.constant 0.000000e+00 : f32
    %broadcast_in_dim3A = vector.broadcast %jit3A : f32 to vector<784x128xf32>
    %select_n3A = arith.select %gt3A_19, %mul3A_17, %broadcast_in_dim3A : vector<784x128xi1>, vector<784x128xf32>
    %swap3A = arith.constant 0 : index
    %swap3A_20 = arith.constant 0 : index
    %swap3A_21 = vector.load %arg3[%swap3A, %swap3A_20] : memref<784x128xf32, #tpu.memory_space<vmem>>, vector<784x128xf32>
    tpu.vector_store %arg3[%swap3A, %swap3A_20], %select_n3A {strides = array<i32>} : memref<784x128xf32, #tpu.memory_space<vmem>>, vector<784x128xf32>,
    %get3A_22 = arith.constant 0 : index
    %get3A_23 = arith.constant 0 : index
    %get3A_24 = vector.load %arg1[%get3A_22, %get3A_23] : memref<784x128xf32, #tpu.memory_space<vmem>>, vector<784x128xf32>
    %mul3A_25 = arith.mulf %select_n3A, %get3A_24 : vector<784x128xf32>
    %swap3A_26 = arith.constant 0 : index
    %swap3A_27 = arith.constant 0 : index
    %swap3A_28 = vector.load %arg4[%swap3A_26, %swap3A_27] : memref<784x128xf32, #tpu.memory_space<vmem>>, vector<784x128xf32>
    tpu.vector_store %arg4[%swap3A_26, %swap3A_27], %mul3A_25 {strides = array<i32>} : memref<784x128xf32, #tpu.memory_space<vmem>>, vector<784x128xf32>,
    %get3A_29 = arith.constant 0 : index
    %get3A_30 = arith.constant 0 : index
    %get3A_31 = vector.load %arg2[%get3A_29, %get3A_30] : memref<784x128xf32, #tpu.memory_space<vmem>>, vector<784x128xf32>
    %mul3A_32 = arith.mulf %select_n3A, %get3A_31 : vector<784x128xf32>
    %swap3A_33 = arith.constant 0 : index
    %swap3A_34 = arith.constant 0 : index
    %swap3A_35 = vector.load %arg5[%swap3A_33, %swap3A_34] : memref<784x128xf32, #tpu.memory_space<vmem>>, vector<784x128xf32>
    tpu.vector_store %arg5[%swap3A_33, %swap3A_34], %mul3A_32 {strides = array<i32>} : memref<784x128xf32, #tpu.memory_space<vmem>>, vector<784x128xf32>,
    return
  }
}

module attributes {stable_mosaic.version = 14 : i64} {
  func.func @body(%arg0: memref<2x784x128xf32, #tpu.memory_space<vmem>>, %arg1: memref<784x128xf32, #tpu.memory_space<vmem>>, %arg2: memref<1xf32, #tpu.memory_space<vmem>>, %arg3: memref<784x128xf32, #tpu.memory_space<vmem>>) attributes {dimension_semantics = [], scalar_prefetch = 0 : i64, scratch_operands = 0 : i64, tpu.core_type = #tpu.core_type<tc>} {
    %get3A = arith.constant 0 : index
    %get3A_0 = arith.constant 0 : index
    %get3A_1 = arith.constant 0 : index
    %get3A_2 = vector.load %arg0[%get3A, %get3A_0, %get3A_1] : memref<2x784x128xf32, #tpu.memory_space<vmem>>, vector<1x784x128xf32>
    %get3A_3 = vector.shape_cast %get3A_2 : vector<1x784x128xf32> to vector<784x128xf32>
    %get3A_4 = arith.constant 1 : index
    %get3A_5 = arith.constant 0 : index
    %get3A_6 = arith.constant 0 : index
    %get3A_7 = vector.load %arg0[%get3A_4, %get3A_5, %get3A_6] : memref<2x784x128xf32, #tpu.memory_space<vmem>>, vector<1x784x128xf32>
    %get3A_8 = vector.shape_cast %get3A_7 : vector<1x784x128xf32> to vector<784x128xf32>
    %add3A = arith.addf %get3A_3, %get3A_8 : vector<784x128xf32>
    %get3A_9 = arith.constant 0 : index
    %get3A_10 = arith.constant 0 : index
    %get3A_11 = vector.load %arg1[%get3A_9, %get3A_10] : memref<784x128xf32, #tpu.memory_space<vmem>>, vector<784x128xf32>
    %mul3A = arith.mulf %get3A_11, %add3A : vector<784x128xf32>
    %get3A_12 = arith.constant 0 : index
    %get3A_13 = vector.load %arg2[%get3A_12] : memref<1xf32, #tpu.memory_space<vmem>>, vector<1xf32>
    %get3A_14 = vector.extract %get3A_13[0] : f32 from vector<1xf32>
    %add3A_15 = vector.broadcast %get3A_14 : f32 to vector<784x128xf32>
    %add3A_16 = arith.addf %mul3A, %add3A_15 : vector<784x128xf32>
    %max3A = arith.constant 0.000000e+00 : f32
    %max3A_17 = vector.broadcast %max3A : f32 to vector<784x128xf32>
    %max3A_18 = arith.maximumf %add3A_16, %max3A_17 : vector<784x128xf32>
    %swap3A = arith.constant 0 : index
    %swap3A_19 = arith.constant 0 : index
    %swap3A_20 = vector.load %arg3[%swap3A, %swap3A_19] : memref<784x128xf32, #tpu.memory_space<vmem>>, vector<784x128xf32>
    tpu.vector_store %arg3[%swap3A, %swap3A_19], %max3A_18 {strides = array<i32>} : memref<784x128xf32, #tpu.memory_space<vmem>>, vector<784x128xf32>,
    return
  }
}

</mosaic_0001>

<sc_bundles>
// kernel: kernel.11.cloned.1.call-start
scs
__scs_entry_jumppad:
0x0: {  	(pc) =	sbr.rel $0x88, $3  }
0x1: {  	(tag) =	ssettag $0x0;
	lr =	simm.s32 $0x1  }
0x2: {  	[smem:$0x3F9B] =	sst lr;
	_ =	strace $0xD0000000  }
0x3: {  	_ = 	snop  }
0x4: {  	_ = 	snop  }
0x5: {  	_ = 	snop  }
0x6: {  	_ = 	snop  }
0x7: {  	_ = 	snop  }
__scs_overlays_trampoline_lowered:
0x8: {  	[smem:$0x3FAA] =	sst s0  }
0x9: {  	[smem:$0x3FAB] =	sst s1  }
0xa: {  	[smem:$0x3FAC] =	sst s2  }
0xb: {  	[smem:$0x3FAD] =	sst s3  }
0xc: {  	[smem:$0x3FAE] =	sst s4  }
0xd: {  	[smem:$0x3FAF] =	sst s5  }
0xe: {  	[smem:$0x3FB0] =	sst s6  }
0xf: {  	[smem:$0x3FB1] =	sst s7  }
0x10: {  	[smem:$0x3FB2] =	sst s8  }
0x11: {  	[smem:$0x3FB3] =	sst s9;
	s0 =	simm.s32 @!p0 $0x0  }
0x12: {  	s1 =	sld [smem:$0x3F99];
	s0 =	simm.s32 @p0 $0x1  }
0x13: {  	[smem:$0x3FB4] =	sst s0;
	s0 =	simm.s32 @!p1 $0x0  }
0x14: {  	s2 =	sld [smem:$0x3F98];
	s0 =	simm.s32 @p1 $0x1  }
0x15: {  	[smem:$0x3FB5] =	sst s0;
	s0 =	simm.s32 @!p2 $0x0  }
0x16: {  	s3 =	sld [smem:$0x3FDB];
	s0 =	simm.s32 @p2 $0x1  }
0x17: {  	s4 =	simm.s32 $0x1BF5;
	[smem:$0x3FB7] =	sst s0  }
0x18: {  	s0 =	sld [smem:$0x3F9A];
	_ =	swait.ge [sflag:s4], $0x0  }
0x19: {  	s7 =	sld [smem:$0x3F9B]  }
0x1a: {  	s8 =	sadd.s32 $0xFFFFE003, lr  }
0x1b: {  	s9 =	sadd.s32 $0xFFFFFEF7, lr;
	s5 =	simm.s32 $0xFFFFFFFF;
	p2 =	slt.u32 s8, $0xFFFFF086  }
0x1c: {  	p1 =	slt.u32 s9, $0xF7A;
	s5 =	simm.s32 @!p2 $0x0  }
0x1d: {  	s5 =	simm.s32 @p1 $0x1;
	p0 =	seq.s32 s7, s2  }
0x1e: {  	s7 =	smul.u32 @!p0 $0xF7A, s2;
	p2 =	seq.s32 @!p0 s5, $0x0  }
0x1f: {  	s9 =	smul.u32 $0xF7A, s1;
	s8 =	simm.s32 @!p0 $0x1BF5;
	p2 =	por !p2, p0  }
0x20: {  	[sflag:s8] =	ssyncset.s32 @!p0 $0xFFFFF086;
	s6 =	sadd.s32 @!p0 s3, s7;
	s7 =	simm.s32 @!p0 $0x108  }
0x21: {  	s3 =	sadd.s32 s3, s9;
	s6 =	sadd.s32 @!p0 $0x88, s6;
	s7 =	simm.s32 @p2 $0x1082  }
0x22: {  	[simem:s7], [sflag:s8] =	dma.local @!p0 [hbm:s6], $0xF7A  }
0x23: {  	s9 =	sor.u32 $0xD0000000, s2;
	s6 =	simm.s32 $0x108;
	_ =	swait.ge @!p0 [sflag:s8], $0x0  }
0x24: {  	s3 =	sadd.s32 $0x88, s3;
	s6 =	simm.s32 @!p1 $0x1082;
	[sflag:s4] =	ssyncset.s32 $0xFFFFF086  }
0x25: {  	[simem:s6], [sflag:s4] =	dma.local [hbm:s3], $0xF7A  }
0x26: {  	[smem:$0x3F9B] =	sst s1;
	(tag) =	ssettag s2;
	_ =	strace s9  }
0x27: {  	s1 =	sld [smem:$0x3FAB]  }
0x28: {  	s2 =	sld [smem:$0x3FAC]  }
0x29: {  	s4 =	sld [smem:$0x3FAE]  }
0x2a: {  	p0 =	seq.s32 s5, $0x0;
	s5 =	sld [smem:$0x3FAF]  }
0x2b: {  	s6 =	sld [smem:$0x3FB0]  }
0x2c: {  	s7 =	sld [smem:$0x3FB1]  }
0x2d: {  	s3 =	simm.s32 $0x108;
	s8 =	sld [smem:$0x3FB2]  }
0x2e: {  	s3 =	simm.s32 @!p0 $0x1082;
	s9 =	sld [smem:$0x3FB3]  }
0x2f: {  	lr =	sadd.s32 s0, s3;
	s0 =	sld [smem:$0x3FAA]  }
0x30: {  	s3 =	sld [smem:$0x3FAD]  }
0x31: {  	[smem:$0x3FB6] =	sst s10  }
0x32: {  	s10 =	sld [smem:$0x3FB4];
	_ =	sdelay $0x3  }
0x33: {  	p0 =	seq.s32 s10, $0x1;
	s10 =	sld [smem:$0x3FB6];
	_ =	sdelay $0x3  }
0x34: {  	[smem:$0x3FB6] =	sst s10  }
0x35: {  	s10 =	sld [smem:$0x3FB5];
	_ =	sdelay $0x3  }
0x36: {  	p1 =	seq.s32 s10, $0x1;
	s10 =	sld [smem:$0x3FB6];
	_ =	sdelay $0x3  }
0x37: {  	[smem:$0x3FB6] =	sst s10  }
0x38: {  	s10 =	sld [smem:$0x3FB7]  }
0x39: {  	_ = 	snop;
	(pc) =	sbr.ind lr, $3  }
0x3a: {  	_ = 	snop  }
0x3b: {  	_ = 	snop  }
0x3c: {  	p2 =	seq.s32 s10, $0x1;
	s10 =	sld [smem:$0x3FB6]  }
0x3d: {  	_ =	shalt  }
0x3e: {  	_ =	shalt  }
0x3f: {  	_ =	shalt  }
0x40: {  	_ =	shalt  }
0x41: {  	_ =	shalt  }
0x42: {  	_ =	shalt  }
0x43: {  	_ =	shalt  }
0x44: {  	_ =	shalt  }
0x45: {  	_ =	shalt  }
0x46: {  	_ =	shalt  }
0x47: {  	_ =	shalt  }
0x48: {  	_ =	shalt  }
0x49: {  	_ =	shalt  }
0x4a: {  	_ =	shalt  }
0x4b: {  	_ =	shalt  }
0x4c: {  	_ =	shalt  }
0x4d: {  	_ =	shalt  }
0x4e: {  	_ =	shalt  }
0x4f: {  	_ =	shalt  }
0x50: {  	_ =	shalt  }
0x51: {  	_ =	shalt  }
0x52: {  	_ =	shalt  }
0x53: {  	_ =	shalt  }
0x54: {  	_ =	shalt  }
0x55: {  	_ =	shalt  }
0x56: {  	_ =	shalt  }
0x57: {  	_ =	shalt  }
0x58: {  	_ =	shalt  }
0x59: {  	_ =	shalt  }
0x5a: {  	_ =	shalt  }
0x5b: {  	_ =	shalt  }
0x5c: {  	_ =	shalt  }
0x5d: {  	_ =	shalt  }
0x5e: {  	_ =	shalt  }
0x5f: {  	_ =	shalt  }
0x60: {  	_ =	shalt  }
0x61: {  	_ =	shalt  }
0x62: {  	_ =	shalt  }
0x63: {  	_ =	shalt  }
0x64: {  	_ =	shalt  }
0x65: {  	_ =	shalt  }
0x66: {  	_ =	shalt  }
0x67: {  	_ =	shalt  }
0x68: {  	_ =	shalt  }
0x69: {  	_ =	shalt  }
0x6a: {  	_ =	shalt  }
0x6b: {  	_ =	shalt  }
0x6c: {  	_ =	shalt  }
0x6d: {  	_ =	shalt  }
0x6e: {  	_ =	shalt  }
0x6f: {  	_ =	shalt  }
0x70: {  	_ =	shalt  }
0x71: {  	_ =	shalt  }
0x72: {  	_ =	shalt  }
0x73: {  	_ =	shalt  }
0x74: {  	_ =	shalt  }
0x75: {  	_ =	shalt  }
0x76: {  	_ =	shalt  }
0x77: {  	_ =	shalt  }
0x78: {  	_ =	shalt  }
0x79: {  	_ =	shalt  }
0x7a: {  	_ =	shalt  }
0x7b: {  	_ =	shalt  }
0x7c: {  	_ =	shalt  }
0x7d: {  	_ =	shalt  }
0x7e: {  	_ =	shalt  }
0x7f: {  	_ =	shalt  }
0x80: {  	_ =	shalt  }
0x81: {  	_ =	shalt  }
0x82: {  	_ =	shalt  }
0x83: {  	_ =	shalt  }
0x84: {  	_ =	shalt  }
0x85: {  	_ =	shalt  }
0x86: {  	_ =	shalt  }
0x87: {  	_ =	shalt  }
.Lfunc_end0:
.L_simem_size_0:
called_computation.1_lowered:
.L_overlay_start_0:
0x88: {  	s2 =	sld [smem:$0x3FD9]  }
0x89: {  	s3 =	sld [smem:$0x3FFE];
	_ =	sdelay $0x1  }
0x8a: {  	s1 =	srdreg.scid  }
0x8b: {  	s0 =	sand.u32 $0x1, s1  }
0x8c: {  	s16 =	sshll.u32 s0, $0xA;
	s2 =	sadd.s32 s3, s2  }
0x8d: {  	s2 =	sadd.s32 s2, s16  }
0x8e: {  	[smem:$0x3FC2] =	sst s2  }
0x8f: {  	_ = 	snop  }
0x90: {  	(tm) =	ssettm $0x1  }
0x91: {  	s17 =	sld [smem:$0x3FFB];
	_ =	sdelay $0x3  }
0x92: {  	_ =	strace s17  }
0x93: {  	s2 =	sld [smem:$0x3FFC];
	_ =	sdelay $0x3  }
0x94: {  	_ =	strace s2  }
0x95: {  	s2 =	sld [smem:$0x3FFD];
	_ =	sdelay $0x3  }
0x96: {  	_ =	strace s2  }
0x97: {  	_ =	strace $0x8FFFFFFF  }
0x98: {  	s18 =	sld [smem:$0x3FDB];
	_ =	sdelay $0x1  }
0x99: {  	s19 =	simm.s32 $_scs_section_size  }
0x9a: {  	s4 =	simm.s32 $_size__tile_overlayer_lowered;
	s5 =	simm.s32 $_tile_overlayer_lowered  }
0x9b: {  	s22 =	simm.s32 $0x1BFF;
	s21 =	sshll.u32 s5, $0x1;
	s2 =	sadd.s32 s19, s18  }
0x9c: {  	s6 =	simm.s32 $0x0;
	s20 =	sshll.u32 s4, $0x1;
	s4 =	sadd.s32 s21, s2  }
0x9d: {  	[timem:s6], [sflag:s22] =	dma.local [hbm:s4], s20  }
0x9e: {  	_ =	swait.ge [sflag:s22], s20  }
0x9f: {  	s3 =	ssub.s32 $0x0, s20;
	[sflag:s22] =	ssyncset.done $0x0  }
0xa0: {  	[sflag:s22] =	ssyncadd.s32 s3;
	_ =	sdelay $0x1  }
0xa1: {  	s23 =	simm.s32 $0x1B8B  }
0xa2: {  	_ =	swait.ge [sflag:s23], $0x1  }
0xa3: {  	[sflag:s23] =	ssyncset.done $0x0  }
0xa4: {  	s25 =	simm.s32 $0x1B8E;
	s24 =	sld [smem:$0x3FFE];
	[sflag:s23] =	ssyncadd.s32 $0xFFFFFFFF  }
0xa5: {  	s26 =	simm.s32 $execute0_lowered;
	[smem:$0x3FD2] =	sst s25  }
0xa6: {  	s4 =	sshll.u32 s26, $0x1;
	_ =	strace $0x80000049;
	[dreg:$0x1] =	wrdreg $0xFFFFFFFF  }
0xa7: {  	s28 =	simm.s32 $_size_execute0_lowered;
	s2 =	sadd.s32 s2, s4;
	[dreg:$0x0] =	wrdreg $0x0  }
0xa8: {  	s4 =	sshll.u32 s28, $0x1;
	[dreg:$0x2] =	wrdreg s2  }
0xa9: {  	[dreg:$0x3] =	wrdreg s4  }
0xaa: {  	[dreg:$0x4] =	wrdreg $0xC0  }
0xab: {  	_ =	task [dreg:s6], $0x5FFFF  }
0xac: {  	[dreg:$0x1] =	wrdreg $0xFFFFFFFF  }
0xad: {  	[dreg:$0x0] =	wrdreg $0x60  }
0xae: {  	[dreg:$0x2] =	wrdreg s24  }
0xaf: {  	[dreg:$0x3] =	wrdreg $0x69800  }
0xb0: {  	[dreg:$0x4] =	wrdreg $0x82000  }
0xb1: {  	[dreg:$0x5] =	wrdreg $0x38800  }
0xb2: {  	[dreg:$0x6] =	wrdreg $0x51000  }
0xb3: {  	[dreg:$0x7] =	wrdreg $0x9  }
0xb4: {  	_ =	task.clear_ibuf [dreg:s6], $0x8FFFF;
	_ =	strace $0x90000049  }
0xb5: {  	s29 =	simm.s32 $0x9;
	_ =	strace $0x8000004B  }
0xb6: {  	_ =	swait.ge [sflag:s29], $0x1  }
0xb7: {  	[sflag:s29] =	ssyncadd.s32 $0xFFFFFFFF  }
0xb8: {  	_ =	strace $0x9000004B  }
0xb9: {  	_ =	sfence  }
0xba: {  	s30 =	sld [smem:$0x0];
	_ =	sdelay $0x2  }
0xbb: {  	s31 =	sshll.u32 s1, $0xD;
	s1 =	sshrl.u32 s1, $0x2  }
0xbc: {  	s3 =	sand.u32 $0x4000, s31;
	s1 =	sadd.s32 s1, s30  }
0xbd: {  	s0 =	sor.u32 s3, s0;
	s1 =	sshll.u32 s1, $0x11  }
0xbe: {  	s0 =	sor.u32 s1, s0  }
0xbf: {  	s0 =	sadd.s32 $0x8F2B, s0  }
0xc0: {  	[sflag:s0] =	ssyncadd.remote.s32 $0x1  }
0xc1: {  	_ =	sfence.sel $0xFFFF  }
0xc2: {  	[dreg:$0x0] =	wrdreg $0xFFFFFFFF;
	(pc) =	sbr.abs _section_cstart, $3  }
0xc3: {  	[dreg:$0x1] =	wrdreg $0xFFFFFFFF  }
0xc4: {  	_ =	task.clear_ibuf [dreg:s6], $0x2FFFF;
	_ =	strace $0x9FFFFFFF  }
0xc5: {  	(tm) =	ssettm $0x7FFFFFFF  }
tec
execute0_lowered:
.L_overlay_start_1:
0x0: {  	(tag) =	ssettag $0x1  }
0x1: {  	s7 =	rddreg [dreg:$0x0]  }
0x2: {  	s1 =	rddreg [dreg:$0x1]  }
0x3: {  	s3 =	rddreg [dreg:$0x2]  }
0x4: {  	s4 =	rddreg [dreg:$0x3]  }
0x5: {  	s5 =	rddreg [dreg:$0x4]  }
0x6: {  	s0 =	rddreg [dreg:$0x5]  }
0x7: {  	s2 =	stileid.u32;
	s8 =	srdreg.scid;
	s6 =	simm.s32 $0x0  }
0x8: {  	s20 =	simm.s32 $0x1;
	s21 =	simm.s32 $0x800;
	s22 =	simm.s32 $0x7D0  }
0x9: {  	s23 =	simm.s32 $0x1000;
	s24 =	simm.s32 $0x1800;
	s13 =	smul.u32 $0x1880, s2  }
0xa: {  	s25 =	simm.s32 $0x0;
	s8 =	sand.u32 $0x1, s8;
	s17 =	smul.u32 $0x7D0, s2  }
0xb: {  	[smem:$0x7FF] =	sst s6;
	s18 =	sadd.s32 $0x2A00, s7;
	s9 =	smul.u32 $0x18800, s8  }
0xc: {  	_ =	strace $0x8000004A;
	s11 =	ssub.s32 $0x2, s8;
	s14 =	smul.u32 $0x7D00, s8  }
0xd: {  	s10 =	sshrl.u32 s13, $0x3;
	s31 =	sshrl.u32 s11, $0x1;
	s8 =	sadd.s32 s13, s1  }
0xe: {  	s9 =	sadd.s32 s13, s9;
	s12 =	sadd.s32 s10, s7;
	s16 =	ssub.s32 s11, s31  }
0xf: {  	s11 =	sadd.s32 s13, s4;
	s17 =	sadd.s32 s17, s14;
	s9 =	sshrl.u32 s9, $0x3  }
0x10: {  	s10 =	sadd.s32 $0x67800, s12;
	s19 =	sadd.s32 $0x186A00, s17;
	s16 =	smax.u32 s16, $0x1  }
0x11: {  	s17 =	sshrl.u32 s17, $0x3;
	s15 =	sadd.s32 s9, s7;
	s7 =	sadd.s32 $0x64600, s12  }
0x12: {  	s9 =	sadd.s32 s13, s3;
	s12 =	sadd.s32 $0x6AA00, s12;
	s13 =	sadd.s32 s13, s5  }
0x13: {  	s19 =	sshrl.u32 s19, $0x3;
	s17 =	sadd.s32 s17, s18;
	s14 =	sadd.s32 $0x6DC00, s15  }
0x14: {  	s15 =	sadd.s32 $0x73E00, s15;
	s18 =	sadd.s32 s19, s18;
	s19 =	simm.s32 $0x2000  }
.LBB2_1:
0x15: {  	[tilespmem:s19], [sflag:$0x1] =	stream.linear.gather [hbm4b:s7+s6], $0x1880, $0x38;
	[tilespmem:$0x9A80] =	vst v63  }
0x16: {  	_ =	swait.ge [sflag:s20], $0x1880  }
0x17: {  	[sflag:s20] =	ssyncset.done $0x0  }
0x18: {  	[sflag:s20] =	ssyncadd.s32 $0xFFFFE780  }
0x19: {  	[spmem:s8] =	stream.linear.scatter [tilespmem:s19], [sflag:$0x1], $0x1880, $0x38;
	[tilespmem:$0x9A80] =	vst v63  }
0x1a: {  	_ =	swait.ge [sflag:s20], $0x1880  }
0x1b: {  	[sflag:s20] =	ssyncset.done $0x0  }
0x1c: {  	[sflag:s20] =	ssyncadd.s32 $0xFFFFE780  }
0x1d: {  	[spmem:s9] =	stream.linear.scatter [tilespmem:s19], [sflag:$0x1], $0x1880, $0x38;
	[tilespmem:$0x9A80] =	vst v63  }
0x1e: {  	_ =	swait.ge [sflag:s20], $0x1880  }
0x1f: {  	[sflag:s20] =	ssyncset.done $0x0  }
0x20: {  	[sflag:s20] =	ssyncadd.s32 $0xFFFFE780  }
0x21: {  	[tilespmem:s19], [sflag:$0x1] =	stream.linear.gather [hbm4b:s10+s6], $0x1880, $0x38;
	[tilespmem:$0x9A80] =	vst v63  }
0x22: {  	_ =	swait.ge [sflag:s20], $0x1880  }
0x23: {  	[sflag:s20] =	ssyncset.done $0x0  }
0x24: {  	[sflag:s20] =	ssyncadd.s32 $0xFFFFE780  }
0x25: {  	[spmem:s11] =	stream.linear.scatter [tilespmem:s19], [sflag:$0x1], $0x1880, $0x38;
	[tilespmem:$0x9A80] =	vst v63  }
0x26: {  	_ =	swait.ge [sflag:s20], $0x1880  }
0x27: {  	[sflag:s20] =	ssyncset.done $0x0  }
0x28: {  	[sflag:s20] =	ssyncadd.s32 $0xFFFFE780  }
0x29: {  	[tilespmem:s19], [sflag:$0x1] =	stream.linear.gather [hbm4b:s12+s6], $0x1880, $0x38;
	[tilespmem:$0x9A80] =	vst v63  }
0x2a: {  	_ =	swait.ge [sflag:s20], $0x1880  }
0x2b: {  	[sflag:s20] =	ssyncset.done $0x0  }
0x2c: {  	[sflag:s20] =	ssyncadd.s32 $0xFFFFE780  }
0x2d: {  	[spmem:s13] =	stream.linear.scatter [tilespmem:s19], [sflag:$0x1], $0x1880, $0x38;
	[tilespmem:$0x9A80] =	vst v63  }
0x2e: {  	_ =	swait.ge [sflag:s20], $0x1880  }
0x2f: {  	[sflag:s20] =	ssyncset.done $0x0  }
0x30: {  	[sflag:s20] =	ssyncadd.s32 $0xFFFFE780  }
0x31: {  	s26 =	sadd.s32 $0x0, s17;
	[bflag:$0x0] =	sbarrier.arrive $0xFFFF  }
0x32: {  	[tilespmem:s6], [sflag:$0x1] =	stream.linear.gather [hbm4b:s26+s6], $0x7D0, $0x38;
	[tilespmem:$0x9A80] =	vst v63  }
0x33: {  	_ =	swait.ge [sflag:s20], $0x7D0  }
0x34: {  	[sflag:s20] =	ssyncset.done $0x0  }
0x35: {  	s31 =	sadd.s32 $0x0, s18;
	[sflag:s20] =	ssyncadd.s32 $0xFFFFF830  }
0x36: {  	[tilespmem:s21], [sflag:$0x1] =	stream.linear.gather [hbm4b:s31+s6], $0x7D0, $0x38;
	[tilespmem:$0x9A80] =	vst v63  }
0x37: {  	_ =	swait.ge [sflag:s20], $0x7D0  }
0x38: {  	[sflag:s20] =	ssyncset.done $0x0  }
0x39: {  	[sflag:s20] =	ssyncadd.s32 $0xFFFFF830  }
0x3a: {  	[tilespmem:s23], [sflag:$0x1] =	stream.indirect.gather [spmem:s4], $0x1, s6, s22, $0xb8;
	[tilespmem:$0x9A80] =	vst v63  }
0x3b: {  	_ =	swait.ge [sflag:s20], $0x7D0  }
0x3c: {  	[sflag:s20] =	ssyncset.done $0x0  }
0x3d: {  	[sflag:s20] =	ssyncadd.s32 $0xFFFFF830  }
0x3e: {  	[spmem:s1] =	stream.indirect.scatter.add.f32 [tilespmem:s23], [sflag:$0x1], $0x1, s21, s22, $0xb8;
	[tilespmem:$0x9A80] =	vst v63  }
0x3f: {  	_ =	swait.ge [sflag:s20], $0x7D0  }
0x40: {  	[sflag:s20] =	ssyncset.done $0x0  }
0x41: {  	[sflag:s20] =	ssyncadd.s32 $0xFFFFF830  }
0x42: {  	[tilespmem:s24], [sflag:$0x1] =	stream.indirect.gather [spmem:s5], $0x1, s6, s22, $0xb8;
	[tilespmem:$0x9A80] =	vst v63  }
0x43: {  	_ =	swait.ge [sflag:s20], $0x7D0  }
0x44: {  	[sflag:s20] =	ssyncset.done $0x0  }
0x45: {  	[sflag:s20] =	ssyncadd.s32 $0xFFFFF830  }
0x46: {  	[spmem:s3] =	stream.indirect.scatter.add.f32 [tilespmem:s24], [sflag:$0x1], $0x1, s21, s22, $0xb8;
	[tilespmem:$0x9A80] =	vst v63  }
0x47: {  	_ =	swait.ge [sflag:s20], $0x7D0  }
0x48: {  	s28 =	simm.s32 $0x3E80;
	s26 =	simm.s32 $0x1F40;
	[sflag:s20] =	ssyncset.done $0x0  }
.LBB2_2:
0x49: {  	s29 =	sadd.s32 s26, s17  }
0x4a: {  	[sflag:s20] =	ssyncadd.s32 $0xFFFFF830;
	s30 =	smov.u32 s28;
	s31 =	sadd.s32 $0x1F40, s28  }
0x4b: {  	[tilespmem:s6], [sflag:$0x1] =	stream.linear.gather [hbm4b:s29+s6], $0x7D0, $0x38;
	[tilespmem:$0x9A80] =	vst v63  }
0x4c: {  	p0 =	sne.s32 s28, $0x2EE00;
	_ =	swait.ge [sflag:s20], $0x7D0  }
0x4d: {  	[sflag:s20] =	ssyncset.done $0x0  }
0x4e: {  	s28 =	sadd.s32 s26, s18;
	s26 =	smov.u32 s30;
	[sflag:s20] =	ssyncadd.s32 $0xFFFFF830  }
0x4f: {  	[tilespmem:s21], [sflag:$0x1] =	stream.linear.gather [hbm4b:s28+s6], $0x7D0, $0x38;
	[tilespmem:$0x9A80] =	vst v63  }
0x50: {  	_ =	swait.ge [sflag:s20], $0x7D0  }
0x51: {  	[sflag:s20] =	ssyncset.done $0x0  }
0x52: {  	[sflag:s20] =	ssyncadd.s32 $0xFFFFF830  }
0x53: {  	[tilespmem:s23], [sflag:$0x1] =	stream.indirect.gather [spmem:s4], $0x1, s6, s22, $0xb8;
	[tilespmem:$0x9A80] =	vst v63  }
0x54: {  	_ =	swait.ge [sflag:s20], $0x7D0  }
0x55: {  	[sflag:s20] =	ssyncset.done $0x0  }
0x56: {  	[sflag:s20] =	ssyncadd.s32 $0xFFFFF830  }
0x57: {  	[spmem:s1] =	stream.indirect.scatter.add.f32 [tilespmem:s23], [sflag:$0x1], $0x1, s21, s22, $0xb8;
	[tilespmem:$0x9A80] =	vst v63  }
0x58: {  	_ =	swait.ge [sflag:s20], $0x7D0  }
0x59: {  	[sflag:s20] =	ssyncset.done $0x0  }
0x5a: {  	[sflag:s20] =	ssyncadd.s32 $0xFFFFF830  }
0x5b: {  	[tilespmem:s24], [sflag:$0x1] =	stream.indirect.gather [spmem:s5], $0x1, s6, s22, $0xb8;
	[tilespmem:$0x9A80] =	vst v63  }
0x5c: {  	_ =	swait.ge [sflag:s20], $0x7D0  }
.Ltmp0:
0x5d: {  	[sflag:s20] =	ssyncset.done $0x0;
	(pc) =	sbr.rel @p0 .LBB2_2-.Ltmp0, $4  }
0x5e: {  	[sflag:s20] =	ssyncadd.s32 $0xFFFFF830  }
0x5f: {  	[spmem:s3] =	stream.indirect.scatter.add.f32 [tilespmem:s24], [sflag:$0x1], $0x1, s21, s22, $0xb8;
	[tilespmem:$0x9A80] =	vst v63  }
0x60: {  	_ =	swait.ge [sflag:s20], $0x7D0  }
0x61: {  	s28 =	smov.u32 s31;
	[sflag:s20] =	ssyncset.done $0x0  }
0x62: {  	s28 =	sadd.s32 s26, s17;
	[sflag:s20] =	ssyncadd.s32 $0xFFFFF830  }
0x63: {  	[tilespmem:s6], [sflag:$0x1] =	stream.linear.gather [hbm4b:s28+s6], $0x7D0, $0x38;
	[tilespmem:$0x9A80] =	vst v63  }
0x64: {  	_ =	swait.ge [sflag:s20], $0x7D0  }
0x65: {  	[sflag:s20] =	ssyncset.done $0x0  }
0x66: {  	s31 =	sadd.s32 s26, s18;
	[sflag:s20] =	ssyncadd.s32 $0xFFFFF830  }
0x67: {  	[tilespmem:s21], [sflag:$0x1] =	stream.linear.gather [hbm4b:s31+s6], $0x7D0, $0x38;
	[tilespmem:$0x9A80] =	vst v63  }
0x68: {  	_ =	swait.ge [sflag:s20], $0x7D0  }
0x69: {  	[sflag:s20] =	ssyncset.done $0x0  }
0x6a: {  	[sflag:s20] =	ssyncadd.s32 $0xFFFFF830  }
0x6b: {  	[tilespmem:s23], [sflag:$0x1] =	stream.indirect.gather [spmem:s4], $0x1, s6, s22, $0xb8;
	[tilespmem:$0x9A80] =	vst v63  }
0x6c: {  	_ =	swait.ge [sflag:s20], $0x7D0  }
0x6d: {  	[sflag:s20] =	ssyncset.done $0x0  }
0x6e: {  	[sflag:s20] =	ssyncadd.s32 $0xFFFFF830  }
0x6f: {  	[spmem:s1] =	stream.indirect.scatter.add.f32 [tilespmem:s23], [sflag:$0x1], $0x1, s21, s22, $0xb8;
	[tilespmem:$0x9A80] =	vst v63  }
0x70: {  	_ =	swait.ge [sflag:s20], $0x7D0  }
0x71: {  	[sflag:s20] =	ssyncset.done $0x0  }
0x72: {  	[sflag:s20] =	ssyncadd.s32 $0xFFFFF830  }
0x73: {  	[tilespmem:s24], [sflag:$0x1] =	stream.indirect.gather [spmem:s5], $0x1, s6, s22, $0xb8;
	[tilespmem:$0x9A80] =	vst v63  }
0x74: {  	_ =	swait.ge [sflag:s20], $0x7D0  }
0x75: {  	[sflag:s20] =	ssyncset.done $0x0  }
0x76: {  	[sflag:s20] =	ssyncadd.s32 $0xFFFFF830  }
0x77: {  	[spmem:s3] =	stream.indirect.scatter.add.f32 [tilespmem:s24], [sflag:$0x1], $0x1, s21, s22, $0xb8;
	[tilespmem:$0x9A80] =	vst v63  }
0x78: {  	_ =	swait.ge [sflag:s20], $0x7D0  }
0x79: {  	[sflag:s20] =	ssyncset.done $0x0  }
0x7a: {  	[sflag:s20] =	ssyncadd.s32 $0xFFFFF830  }
0x7b: {  	[bflag:$0x0] =	sbarrier.arrive $0xFFFF  }
0x7c: {  	[tilespmem:s19], [sflag:$0x1] =	stream.linear.gather [spmem:s8], $0x1880, $0x38;
	[tilespmem:$0x9A80] =	vst v63  }
0x7d: {  	_ =	swait.ge [sflag:s20], $0x1880  }
0x7e: {  	[sflag:s20] =	ssyncset.done $0x0  }
0x7f: {  	[sflag:s20] =	ssyncadd.s32 $0xFFFFE780  }
0x80: {  	[hbm4b:s14+s6] =	stream.linear.scatter [tilespmem:s19], [sflag:$0x1], $0x1880, $0x38;
	[tilespmem:$0x9A80] =	vst v63  }
0x81: {  	_ =	swait.ge [sflag:s20], $0x1880  }
0x82: {  	[sflag:s20] =	ssyncset.done $0x0  }
0x83: {  	[sflag:s20] =	ssyncadd.s32 $0xFFFFE780  }
0x84: {  	[tilespmem:s19], [sflag:$0x1] =	stream.linear.gather [spmem:s9], $0x1880, $0x38;
	[tilespmem:$0x9A80] =	vst v63  }
0x85: {  	s25 =	sadd.s32 $0x1, s25;
	_ =	swait.ge [sflag:s20], $0x1880  }
0x86: {  	p0 =	sne.s32 s25, s16;
	[sflag:s20] =	ssyncset.done $0x0  }
.Ltmp1:
0x87: {  	[sflag:s20] =	ssyncadd.s32 $0xFFFFE780;
	(pc) =	sbr.rel @p0 .LBB2_1-.Ltmp1, $4  }
0x88: {  	[hbm4b:s15+s6] =	stream.linear.scatter [tilespmem:s19], [sflag:$0x1], $0x1880, $0x38;
	[tilespmem:$0x9A80] =	vst v63  }
0x89: {  	_ =	swait.ge [sflag:s20], $0x1880  }
0x8a: {  	[sflag:s20] =	ssyncset.done $0x0  }
0x8b: {  	[sflag:s20] =	ssyncadd.s32 $0xFFFFE780  }
0x8c: {  	_ =	sfence.sel $0x180000  }
0x8d: {  	[bflag:$0x0] =	sbarrier.arrive $0xFFFF  }
0x8e: {  	p0 =	sne.s32 s2, $0x0;
	_ =	strace $0x9000004A  }
0x8f: {  	s0 =	sadd.s32 @!p0 $0x100000, s0;
	[bflag:$0x2] =	sbarrier.arrive $0xFFFF  }
0x90: {  	[sflag:s0] =	ssyncadd.tile.s32 @!p0 $0x1;
	_ =	shalt  }
.Lfunc_end2:
_tile_overlayer_lowered:
.L_overlay_start_2:
0x91: {  	(tag) =	ssettag $0x2  }
0x92: {  	s0 =	rddreg [dreg:$0x0];
	s2 =	stileid.u32  }
0x93: {  	s1 =	rddreg [dreg:$0x1];
	p0 =	sne.s32 s2, $0x0  }
0x94: {  	s3 =	rddreg [dreg:$0x2];
	[bflag:$0x3] =	sbarrier.arrive $0xFFFF;
	s2 =	simm.s32 @!p0 $0x1C01  }
0x95: {  	[timem:s3], [sflag:s2] =	dma.local @!p0 [hbm:s0], s1  }
0x96: {  	s0 =	simm.s32 @!p0 $0x1  }
0x97: {  	_ =	swait.ge @!p0 [sflag:s0], s1  }
0x98: {  	s1 =	ssub.s32 @!p0 $0x0, s1;
	[sflag:s0] =	ssyncset.done @!p0 $0x0  }
0x99: {  	[sflag:s0] =	ssyncadd.s32 @!p0 s1  }
0x9a: {  	[bflag:$0x3] =	sbarrier.arrive $0xFFFF  }
0x9b: {  	_ =	shalt  }

// kernel: kernel.14.cloned.1.call-start
scs
__scs_entry_jumppad:
0x0: {  	(pc) =	sbr.rel $0x88, $3  }
0x1: {  	(tag) =	ssettag $0x0;
	lr =	simm.s32 $0x1  }
0x2: {  	[smem:$0x3F9B] =	sst lr;
	_ =	strace $0xD0000000  }
0x3: {  	_ = 	snop  }
0x4: {  	_ = 	snop  }
0x5: {  	_ = 	snop  }
0x6: {  	_ = 	snop  }
0x7: {  	_ = 	snop  }
__scs_overlays_trampoline_lowered:
0x8: {  	[smem:$0x3FAA] =	sst s0  }
0x9: {  	[smem:$0x3FAB] =	sst s1  }
0xa: {  	[smem:$0x3FAC] =	sst s2  }
0xb: {  	[smem:$0x3FAD] =	sst s3  }
0xc: {  	[smem:$0x3FAE] =	sst s4  }
0xd: {  	[smem:$0x3FAF] =	sst s5  }
0xe: {  	[smem:$0x3FB0] =	sst s6  }
0xf: {  	[smem:$0x3FB1] =	sst s7  }
0x10: {  	[smem:$0x3FB2] =	sst s8  }
0x11: {  	[smem:$0x3FB3] =	sst s9;
	s0 =	simm.s32 @!p0 $0x0  }
0x12: {  	s1 =	sld [smem:$0x3F99];
	s0 =	simm.s32 @p0 $0x1  }
0x13: {  	[smem:$0x3FB4] =	sst s0;
	s0 =	simm.s32 @!p1 $0x0  }
0x14: {  	s2 =	sld [smem:$0x3F98];
	s0 =	simm.s32 @p1 $0x1  }
0x15: {  	[smem:$0x3FB5] =	sst s0;
	s0 =	simm.s32 @!p2 $0x0  }
0x16: {  	s3 =	sld [smem:$0x3FDB];
	s0 =	simm.s32 @p2 $0x1  }
0x17: {  	s4 =	simm.s32 $0x1BF5;
	[smem:$0x3FB7] =	sst s0  }
0x18: {  	s0 =	sld [smem:$0x3F9A];
	_ =	swait.ge [sflag:s4], $0x0  }
0x19: {  	s7 =	sld [smem:$0x3F9B]  }
0x1a: {  	s8 =	sadd.s32 $0xFFFFE003, lr  }
0x1b: {  	s9 =	sadd.s32 $0xFFFFFEF7, lr;
	s5 =	simm.s32 $0xFFFFFFFF;
	p2 =	slt.u32 s8, $0xFFFFF086  }
0x1c: {  	p1 =	slt.u32 s9, $0xF7A;
	s5 =	simm.s32 @!p2 $0x0  }
0x1d: {  	s5 =	simm.s32 @p1 $0x1;
	p0 =	seq.s32 s7, s2  }
0x1e: {  	s7 =	smul.u32 @!p0 $0xF7A, s2;
	p2 =	seq.s32 @!p0 s5, $0x0  }
0x1f: {  	s9 =	smul.u32 $0xF7A, s1;
	s8 =	simm.s32 @!p0 $0x1BF5;
	p2 =	por !p2, p0  }
0x20: {  	[sflag:s8] =	ssyncset.s32 @!p0 $0xFFFFF086;
	s6 =	sadd.s32 @!p0 s3, s7;
	s7 =	simm.s32 @!p0 $0x108  }
0x21: {  	s3 =	sadd.s32 s3, s9;
	s6 =	sadd.s32 @!p0 $0x88, s6;
	s7 =	simm.s32 @p2 $0x1082  }
0x22: {  	[simem:s7], [sflag:s8] =	dma.local @!p0 [hbm:s6], $0xF7A  }
0x23: {  	s9 =	sor.u32 $0xD0000000, s2;
	s6 =	simm.s32 $0x108;
	_ =	swait.ge @!p0 [sflag:s8], $0x0  }
0x24: {  	s3 =	sadd.s32 $0x88, s3;
	s6 =	simm.s32 @!p1 $0x1082;
	[sflag:s4] =	ssyncset.s32 $0xFFFFF086  }
0x25: {  	[simem:s6], [sflag:s4] =	dma.local [hbm:s3], $0xF7A  }
0x26: {  	[smem:$0x3F9B] =	sst s1;
	(tag) =	ssettag s2;
	_ =	strace s9  }
0x27: {  	s1 =	sld [smem:$0x3FAB]  }
0x28: {  	s2 =	sld [smem:$0x3FAC]  }
0x29: {  	s4 =	sld [smem:$0x3FAE]  }
0x2a: {  	p0 =	seq.s32 s5, $0x0;
	s5 =	sld [smem:$0x3FAF]  }
0x2b: {  	s6 =	sld [smem:$0x3FB0]  }
0x2c: {  	s7 =	sld [smem:$0x3FB1]  }
0x2d: {  	s3 =	simm.s32 $0x108;
	s8 =	sld [smem:$0x3FB2]  }
0x2e: {  	s3 =	simm.s32 @!p0 $0x1082;
	s9 =	sld [smem:$0x3FB3]  }
0x2f: {  	lr =	sadd.s32 s0, s3;
	s0 =	sld [smem:$0x3FAA]  }
0x30: {  	s3 =	sld [smem:$0x3FAD]  }
0x31: {  	[smem:$0x3FB6] =	sst s10  }
0x32: {  	s10 =	sld [smem:$0x3FB4];
	_ =	sdelay $0x3  }
0x33: {  	p0 =	seq.s32 s10, $0x1;
	s10 =	sld [smem:$0x3FB6];
	_ =	sdelay $0x3  }
0x34: {  	[smem:$0x3FB6] =	sst s10  }
0x35: {  	s10 =	sld [smem:$0x3FB5];
	_ =	sdelay $0x3  }
0x36: {  	p1 =	seq.s32 s10, $0x1;
	s10 =	sld [smem:$0x3FB6];
	_ =	sdelay $0x3  }
0x37: {  	[smem:$0x3FB6] =	sst s10  }
0x38: {  	s10 =	sld [smem:$0x3FB7]  }
0x39: {  	_ = 	snop;
	(pc) =	sbr.ind lr, $3  }
0x3a: {  	_ = 	snop  }
0x3b: {  	_ = 	snop  }
0x3c: {  	p2 =	seq.s32 s10, $0x1;
	s10 =	sld [smem:$0x3FB6]  }
0x3d: {  	_ =	shalt  }
0x3e: {  	_ =	shalt  }
0x3f: {  	_ =	shalt  }
0x40: {  	_ =	shalt  }
0x41: {  	_ =	shalt  }
0x42: {  	_ =	shalt  }
0x43: {  	_ =	shalt  }
0x44: {  	_ =	shalt  }
0x45: {  	_ =	shalt  }
0x46: {  	_ =	shalt  }
0x47: {  	_ =	shalt  }
0x48: {  	_ =	shalt  }
0x49: {  	_ =	shalt  }
0x4a: {  	_ =	shalt  }
0x4b: {  	_ =	shalt  }
0x4c: {  	_ =	shalt  }
0x4d: {  	_ =	shalt  }
0x4e: {  	_ =	shalt  }
0x4f: {  	_ =	shalt  }
0x50: {  	_ =	shalt  }
0x51: {  	_ =	shalt  }
0x52: {  	_ =	shalt  }
0x53: {  	_ =	shalt  }
0x54: {  	_ =	shalt  }
0x55: {  	_ =	shalt  }
0x56: {  	_ =	shalt  }
0x57: {  	_ =	shalt  }
0x58: {  	_ =	shalt  }
0x59: {  	_ =	shalt  }
0x5a: {  	_ =	shalt  }
0x5b: {  	_ =	shalt  }
0x5c: {  	_ =	shalt  }
0x5d: {  	_ =	shalt  }
0x5e: {  	_ =	shalt  }
0x5f: {  	_ =	shalt  }
0x60: {  	_ =	shalt  }
0x61: {  	_ =	shalt  }
0x62: {  	_ =	shalt  }
0x63: {  	_ =	shalt  }
0x64: {  	_ =	shalt  }
0x65: {  	_ =	shalt  }
0x66: {  	_ =	shalt  }
0x67: {  	_ =	shalt  }
0x68: {  	_ =	shalt  }
0x69: {  	_ =	shalt  }
0x6a: {  	_ =	shalt  }
0x6b: {  	_ =	shalt  }
0x6c: {  	_ =	shalt  }
0x6d: {  	_ =	shalt  }
0x6e: {  	_ =	shalt  }
0x6f: {  	_ =	shalt  }
0x70: {  	_ =	shalt  }
0x71: {  	_ =	shalt  }
0x72: {  	_ =	shalt  }
0x73: {  	_ =	shalt  }
0x74: {  	_ =	shalt  }
0x75: {  	_ =	shalt  }
0x76: {  	_ =	shalt  }
0x77: {  	_ =	shalt  }
0x78: {  	_ =	shalt  }
0x79: {  	_ =	shalt  }
0x7a: {  	_ =	shalt  }
0x7b: {  	_ =	shalt  }
0x7c: {  	_ =	shalt  }
0x7d: {  	_ =	shalt  }
0x7e: {  	_ =	shalt  }
0x7f: {  	_ =	shalt  }
0x80: {  	_ =	shalt  }
0x81: {  	_ =	shalt  }
0x82: {  	_ =	shalt  }
0x83: {  	_ =	shalt  }
0x84: {  	_ =	shalt  }
0x85: {  	_ =	shalt  }
0x86: {  	_ =	shalt  }
0x87: {  	_ =	shalt  }
.Lfunc_end0:
.L_simem_size_0:
called_computation.2_lowered:
.L_overlay_start_0:
0x88: {  	s2 =	sld [smem:$0x3FD9]  }
0x89: {  	s3 =	sld [smem:$0x3FFE];
	_ =	sdelay $0x1  }
0x8a: {  	s1 =	srdreg.scid  }
0x8b: {  	s0 =	sand.u32 $0x1, s1  }
0x8c: {  	s16 =	sshll.u32 s0, $0xA;
	s2 =	sadd.s32 s3, s2  }
0x8d: {  	s2 =	sadd.s32 s2, s16  }
0x8e: {  	[smem:$0x3FC2] =	sst s2  }
0x8f: {  	_ = 	snop  }
0x90: {  	(tm) =	ssettm $0x1  }
0x91: {  	s17 =	sld [smem:$0x3FFB];
	_ =	sdelay $0x3  }
0x92: {  	_ =	strace s17  }
0x93: {  	s2 =	sld [smem:$0x3FFC];
	_ =	sdelay $0x3  }
0x94: {  	_ =	strace s2  }
0x95: {  	s2 =	sld [smem:$0x3FFD];
	_ =	sdelay $0x3  }
0x96: {  	_ =	strace s2  }
0x97: {  	_ =	strace $0x8FFFFFFF  }
0x98: {  	s18 =	sld [smem:$0x3FDB];
	_ =	sdelay $0x1  }
0x99: {  	s19 =	simm.s32 $_scs_section_size  }
0x9a: {  	s4 =	simm.s32 $_size__tile_overlayer_lowered;
	s5 =	simm.s32 $_tile_overlayer_lowered  }
0x9b: {  	s22 =	simm.s32 $0x1BFF;
	s21 =	sshll.u32 s5, $0x1;
	s2 =	sadd.s32 s19, s18  }
0x9c: {  	s6 =	simm.s32 $0x0;
	s20 =	sshll.u32 s4, $0x1;
	s4 =	sadd.s32 s21, s2  }
0x9d: {  	[timem:s6], [sflag:s22] =	dma.local [hbm:s4], s20  }
0x9e: {  	_ =	swait.ge [sflag:s22], s20  }
0x9f: {  	s3 =	ssub.s32 $0x0, s20;
	[sflag:s22] =	ssyncset.done $0x0  }
0xa0: {  	[sflag:s22] =	ssyncadd.s32 s3;
	_ =	sdelay $0x1  }
0xa1: {  	s23 =	simm.s32 $0x1B8B  }
0xa2: {  	_ =	swait.ge [sflag:s23], $0x1  }
0xa3: {  	[sflag:s23] =	ssyncset.done $0x0  }
0xa4: {  	s25 =	simm.s32 $0x1B8E;
	s24 =	sld [smem:$0x3FFE];
	[sflag:s23] =	ssyncadd.s32 $0xFFFFFFFF  }
0xa5: {  	s26 =	simm.s32 $execute0_lowered;
	[smem:$0x3FD2] =	sst s25  }
0xa6: {  	s4 =	sshll.u32 s26, $0x1;
	_ =	strace $0x8000004C;
	[dreg:$0x1] =	wrdreg $0xFFFFFFFF  }
0xa7: {  	s28 =	simm.s32 $_size_execute0_lowered;
	s2 =	sadd.s32 s2, s4;
	[dreg:$0x0] =	wrdreg $0x0  }
0xa8: {  	s4 =	sshll.u32 s28, $0x1;
	[dreg:$0x2] =	wrdreg s2  }
0xa9: {  	[dreg:$0x3] =	wrdreg s4  }
0xaa: {  	[dreg:$0x4] =	wrdreg $0xC0  }
0xab: {  	_ =	task [dreg:s6], $0x5FFFF  }
0xac: {  	[dreg:$0x1] =	wrdreg $0xFFFFFFFF  }
0xad: {  	[dreg:$0x0] =	wrdreg $0x60  }
0xae: {  	[dreg:$0x2] =	wrdreg s24  }
0xaf: {  	[dreg:$0x3] =	wrdreg $0x49000  }
0xb0: {  	[dreg:$0x4] =	wrdreg $0x30800  }
0xb1: {  	[dreg:$0x5] =	wrdreg $0x9  }
0xb2: {  	_ =	task.clear_ibuf [dreg:s6], $0x6FFFF;
	_ =	strace $0x9000004C  }
0xb3: {  	s29 =	simm.s32 $0x9;
	_ =	strace $0x8000004E  }
0xb4: {  	_ =	swait.ge [sflag:s29], $0x1  }
0xb5: {  	[sflag:s29] =	ssyncadd.s32 $0xFFFFFFFF  }
0xb6: {  	_ =	strace $0x9000004E  }
0xb7: {  	_ =	sfence  }
0xb8: {  	s30 =	sld [smem:$0x0];
	_ =	sdelay $0x2  }
0xb9: {  	s31 =	sshll.u32 s1, $0xD;
	s1 =	sshrl.u32 s1, $0x2  }
0xba: {  	s3 =	sand.u32 $0x4000, s31;
	s1 =	sadd.s32 s1, s30  }
0xbb: {  	s0 =	sor.u32 s3, s0;
	s1 =	sshll.u32 s1, $0x11  }
0xbc: {  	s0 =	sor.u32 s1, s0  }
0xbd: {  	s0 =	sadd.s32 $0x8F2B, s0  }
0xbe: {  	[sflag:s0] =	ssyncadd.remote.s32 $0x1  }
0xbf: {  	_ =	sfence.sel $0xFFFF  }
0xc0: {  	[dreg:$0x0] =	wrdreg $0xFFFFFFFF;
	(pc) =	sbr.abs _section_cstart, $3  }
0xc1: {  	[dreg:$0x1] =	wrdreg $0xFFFFFFFF  }
0xc2: {  	_ =	task.clear_ibuf [dreg:s6], $0x2FFFF;
	_ =	strace $0x9FFFFFFF  }
0xc3: {  	(tm) =	ssettm $0x7FFFFFFF  }
tec
execute0_lowered:
.L_overlay_start_1:
0x0: {  	(tag) =	ssettag $0x1  }
0x1: {  	s5 =	rddreg [dreg:$0x0]  }
0x2: {  	s2 =	rddreg [dreg:$0x1]  }
0x3: {  	s3 =	rddreg [dreg:$0x2]  }
0x4: {  	s0 =	rddreg [dreg:$0x3];
	s1 =	stileid.u32  }
0x5: {  	s6 =	srdreg.scid;
	s4 =	simm.s32 $0x0;
	s15 =	simm.s32 $0x800  }
0x6: {  	s16 =	simm.s32 $0x7D0;
	s17 =	simm.s32 $0x1000;
	s8 =	smul.u32 $0x1880, s1  }
0x7: {  	s18 =	simm.s32 $0x0;
	s6 =	sand.u32 $0x1, s6;
	s13 =	smul.u32 $0x7D0, s1  }
0x8: {  	[smem:$0x7FF] =	sst s4;
	s12 =	sadd.s32 $0x2A00, s5;
	s7 =	smul.u32 $0x18800, s6  }
0x9: {  	_ =	strace $0x8000004D;
	s10 =	ssub.s32 $0x2, s6;
	s11 =	smul.u32 $0x7D00, s6  }
0xa: {  	s9 =	sshrl.u32 s8, $0x3;
	s31 =	sshrl.u32 s10, $0x1;
	s6 =	sadd.s32 s8, s2  }
0xb: {  	s7 =	sadd.s32 s8, s7;
	s9 =	sadd.s32 s9, s5;
	s10 =	ssub.s32 s10, s31  }
0xc: {  	s11 =	sadd.s32 s13, s11;
	s8 =	sadd.s32 s8, s3;
	s30 =	sshrl.u32 s7, $0x3  }
0xd: {  	s7 =	sadd.s32 $0x67800, s9;
	s13 =	sadd.s32 $0x186A00, s11;
	s11 =	sshrl.u32 s11, $0x3  }
0xe: {  	s10 =	smax.u32 s10, $0x1;
	s14 =	sadd.s32 s30, s5;
	s5 =	sadd.s32 $0x64600, s9  }
0xf: {  	s13 =	sshrl.u32 s13, $0x3;
	s11 =	sadd.s32 s11, s12;
	s9 =	sadd.s32 $0x6AA00, s14  }
0x10: {  	s12 =	sadd.s32 s13, s12;
	s13 =	simm.s32 $0x1800;
	s14 =	simm.s32 $0x1  }
.LBB2_1:
0x11: {  	[tilespmem:s13], [sflag:$0x1] =	stream.linear.gather [hbm4b:s5+s4], $0x1880, $0x38;
	[tilespmem:$0x6180] =	vst v63  }
0x12: {  	_ =	swait.ge [sflag:s14], $0x1880  }
0x13: {  	[sflag:s14] =	ssyncset.done $0x0  }
0x14: {  	[sflag:s14] =	ssyncadd.s32 $0xFFFFE780  }
0x15: {  	[spmem:s6] =	stream.linear.scatter [tilespmem:s13], [sflag:$0x1], $0x1880, $0x38;
	[tilespmem:$0x6180] =	vst v63  }
0x16: {  	_ =	swait.ge [sflag:s14], $0x1880  }
0x17: {  	[sflag:s14] =	ssyncset.done $0x0  }
0x18: {  	[sflag:s14] =	ssyncadd.s32 $0xFFFFE780  }
0x19: {  	[tilespmem:s13], [sflag:$0x1] =	stream.linear.gather [hbm4b:s7+s4], $0x1880, $0x38;
	[tilespmem:$0x6180] =	vst v63  }
0x1a: {  	_ =	swait.ge [sflag:s14], $0x1880  }
0x1b: {  	[sflag:s14] =	ssyncset.done $0x0  }
0x1c: {  	[sflag:s14] =	ssyncadd.s32 $0xFFFFE780  }
0x1d: {  	[spmem:s8] =	stream.linear.scatter [tilespmem:s13], [sflag:$0x1], $0x1880, $0x38;
	[tilespmem:$0x6180] =	vst v63  }
0x1e: {  	_ =	swait.ge [sflag:s14], $0x1880  }
0x1f: {  	[sflag:s14] =	ssyncset.done $0x0  }
0x20: {  	[sflag:s14] =	ssyncadd.s32 $0xFFFFE780  }
0x21: {  	s19 =	sadd.s32 $0x0, s11;
	[bflag:$0x0] =	sbarrier.arrive $0xFFFF  }
0x22: {  	[tilespmem:s4], [sflag:$0x1] =	stream.linear.gather [hbm4b:s19+s4], $0x7D0, $0x38;
	[tilespmem:$0x6180] =	vst v63  }
0x23: {  	_ =	swait.ge [sflag:s14], $0x7D0  }
0x24: {  	[sflag:s14] =	ssyncset.done $0x0  }
0x25: {  	s31 =	sadd.s32 $0x0, s12;
	[sflag:s14] =	ssyncadd.s32 $0xFFFFF830  }
0x26: {  	[tilespmem:s15], [sflag:$0x1] =	stream.linear.gather [hbm4b:s31+s4], $0x7D0, $0x38;
	[tilespmem:$0x6180] =	vst v63  }
0x27: {  	_ =	swait.ge [sflag:s14], $0x7D0  }
0x28: {  	[sflag:s14] =	ssyncset.done $0x0  }
0x29: {  	[sflag:s14] =	ssyncadd.s32 $0xFFFFF830  }
0x2a: {  	[tilespmem:s17], [sflag:$0x1] =	stream.indirect.gather [spmem:s3], $0x1, s4, s16, $0xb8;
	[tilespmem:$0x6180] =	vst v63  }
0x2b: {  	_ =	swait.ge [sflag:s14], $0x7D0  }
0x2c: {  	[sflag:s14] =	ssyncset.done $0x0  }
0x2d: {  	[sflag:s14] =	ssyncadd.s32 $0xFFFFF830  }
0x2e: {  	[spmem:s2] =	stream.indirect.scatter.add.f32 [tilespmem:s17], [sflag:$0x1], $0x1, s15, s16, $0xb8;
	[tilespmem:$0x6180] =	vst v63  }
0x2f: {  	_ =	swait.ge [sflag:s14], $0x7D0  }
0x30: {  	s20 =	simm.s32 $0x3E80;
	s19 =	simm.s32 $0x1F40;
	[sflag:s14] =	ssyncset.done $0x0  }
.LBB2_2:
0x31: {  	s21 =	sadd.s32 s19, s11  }
0x32: {  	[sflag:s14] =	ssyncadd.s32 $0xFFFFF830;
	s22 =	smov.u32 s20;
	s23 =	sadd.s32 $0x1F40, s20  }
0x33: {  	[tilespmem:s4], [sflag:$0x1] =	stream.linear.gather [hbm4b:s21+s4], $0x7D0, $0x38;
	[tilespmem:$0x6180] =	vst v63  }
0x34: {  	p0 =	sne.s32 s20, $0x2EE00;
	_ =	swait.ge [sflag:s14], $0x7D0  }
0x35: {  	[sflag:s14] =	ssyncset.done $0x0  }
0x36: {  	s20 =	sadd.s32 s19, s12;
	s19 =	smov.u32 s22;
	[sflag:s14] =	ssyncadd.s32 $0xFFFFF830  }
0x37: {  	[tilespmem:s15], [sflag:$0x1] =	stream.linear.gather [hbm4b:s20+s4], $0x7D0, $0x38;
	[tilespmem:$0x6180] =	vst v63  }
0x38: {  	_ =	swait.ge [sflag:s14], $0x7D0  }
0x39: {  	[sflag:s14] =	ssyncset.done $0x0  }
0x3a: {  	[sflag:s14] =	ssyncadd.s32 $0xFFFFF830  }
0x3b: {  	[tilespmem:s17], [sflag:$0x1] =	stream.indirect.gather [spmem:s3], $0x1, s4, s16, $0xb8;
	[tilespmem:$0x6180] =	vst v63  }
0x3c: {  	_ =	swait.ge [sflag:s14], $0x7D0  }
.Ltmp0:
0x3d: {  	[sflag:s14] =	ssyncset.done $0x0;
	(pc) =	sbr.rel @p0 .LBB2_2-.Ltmp0, $4  }
0x3e: {  	[sflag:s14] =	ssyncadd.s32 $0xFFFFF830  }
0x3f: {  	[spmem:s2] =	stream.indirect.scatter.add.f32 [tilespmem:s17], [sflag:$0x1], $0x1, s15, s16, $0xb8;
	[tilespmem:$0x6180] =	vst v63  }
0x40: {  	_ =	swait.ge [sflag:s14], $0x7D0  }
0x41: {  	s20 =	smov.u32 s23;
	[sflag:s14] =	ssyncset.done $0x0  }
0x42: {  	s20 =	sadd.s32 s19, s11;
	[sflag:s14] =	ssyncadd.s32 $0xFFFFF830  }
0x43: {  	[tilespmem:s4], [sflag:$0x1] =	stream.linear.gather [hbm4b:s20+s4], $0x7D0, $0x38;
	[tilespmem:$0x6180] =	vst v63  }
0x44: {  	_ =	swait.ge [sflag:s14], $0x7D0  }
0x45: {  	[sflag:s14] =	ssyncset.done $0x0  }
0x46: {  	s31 =	sadd.s32 s19, s12;
	[sflag:s14] =	ssyncadd.s32 $0xFFFFF830  }
0x47: {  	[tilespmem:s15], [sflag:$0x1] =	stream.linear.gather [hbm4b:s31+s4], $0x7D0, $0x38;
	[tilespmem:$0x6180] =	vst v63  }
0x48: {  	_ =	swait.ge [sflag:s14], $0x7D0  }
0x49: {  	[sflag:s14] =	ssyncset.done $0x0  }
0x4a: {  	[sflag:s14] =	ssyncadd.s32 $0xFFFFF830  }
0x4b: {  	[tilespmem:s17], [sflag:$0x1] =	stream.indirect.gather [spmem:s3], $0x1, s4, s16, $0xb8;
	[tilespmem:$0x6180] =	vst v63  }
0x4c: {  	_ =	swait.ge [sflag:s14], $0x7D0  }
0x4d: {  	[sflag:s14] =	ssyncset.done $0x0  }
0x4e: {  	[sflag:s14] =	ssyncadd.s32 $0xFFFFF830  }
0x4f: {  	[spmem:s2] =	stream.indirect.scatter.add.f32 [tilespmem:s17], [sflag:$0x1], $0x1, s15, s16, $0xb8;
	[tilespmem:$0x6180] =	vst v63  }
0x50: {  	_ =	swait.ge [sflag:s14], $0x7D0  }
0x51: {  	[sflag:s14] =	ssyncset.done $0x0  }
0x52: {  	[sflag:s14] =	ssyncadd.s32 $0xFFFFF830  }
0x53: {  	[bflag:$0x0] =	sbarrier.arrive $0xFFFF  }
0x54: {  	[tilespmem:s13], [sflag:$0x1] =	stream.linear.gather [spmem:s6], $0x1880, $0x38;
	[tilespmem:$0x6180] =	vst v63  }
0x55: {  	s18 =	sadd.s32 $0x1, s18;
	_ =	swait.ge [sflag:s14], $0x1880  }
0x56: {  	p0 =	sne.s32 s18, s10;
	[sflag:s14] =	ssyncset.done $0x0  }
.Ltmp1:
0x57: {  	[sflag:s14] =	ssyncadd.s32 $0xFFFFE780;
	(pc) =	sbr.rel @p0 .LBB2_1-.Ltmp1, $4  }
0x58: {  	[hbm4b:s9+s4] =	stream.linear.scatter [tilespmem:s13], [sflag:$0x1], $0x1880, $0x38;
	[tilespmem:$0x6180] =	vst v63  }
0x59: {  	_ =	swait.ge [sflag:s14], $0x1880  }
0x5a: {  	[sflag:s14] =	ssyncset.done $0x0  }
0x5b: {  	[sflag:s14] =	ssyncadd.s32 $0xFFFFE780  }
0x5c: {  	_ =	sfence.sel $0x180000  }
0x5d: {  	[bflag:$0x0] =	sbarrier.arrive $0xFFFF  }
0x5e: {  	p0 =	sne.s32 s1, $0x0;
	_ =	strace $0x9000004D  }
0x5f: {  	s0 =	sadd.s32 @!p0 $0x100000, s0;
	[bflag:$0x2] =	sbarrier.arrive $0xFFFF  }
0x60: {  	[sflag:s0] =	ssyncadd.tile.s32 @!p0 $0x1;
	_ =	shalt  }
.Lfunc_end2:
_tile_overlayer_lowered:
.L_overlay_start_2:
0x61: {  	(tag) =	ssettag $0x2  }
0x62: {  	s0 =	rddreg [dreg:$0x0];
	s2 =	stileid.u32  }
0x63: {  	s1 =	rddreg [dreg:$0x1];
	p0 =	sne.s32 s2, $0x0  }
0x64: {  	s3 =	rddreg [dreg:$0x2];
	[bflag:$0x3] =	sbarrier.arrive $0xFFFF;
	s2 =	simm.s32 @!p0 $0x1C01  }
0x65: {  	[timem:s3], [sflag:s2] =	dma.local @!p0 [hbm:s0], s1  }
0x66: {  	s0 =	simm.s32 @!p0 $0x1  }
0x67: {  	_ =	swait.ge @!p0 [sflag:s0], s1  }
0x68: {  	s1 =	ssub.s32 @!p0 $0x0, s1;
	[sflag:s0] =	ssyncset.done @!p0 $0x0  }
0x69: {  	[sflag:s0] =	ssyncadd.s32 @!p0 s1  }
0x6a: {  	[bflag:$0x3] =	sbarrier.arrive $0xFFFF  }
0x6b: {  	_ =	shalt  }

// kernel: kernel.8.cloned.1.call-start
scs
__scs_entry_jumppad:
0x0: {  	(pc) =	sbr.rel $0x88, $3  }
0x1: {  	(tag) =	ssettag $0x0;
	lr =	simm.s32 $0x1  }
0x2: {  	[smem:$0x3F9B] =	sst lr;
	_ =	strace $0xD0000000  }
0x3: {  	_ = 	snop  }
0x4: {  	_ = 	snop  }
0x5: {  	_ = 	snop  }
0x6: {  	_ = 	snop  }
0x7: {  	_ = 	snop  }
__scs_overlays_trampoline_lowered:
0x8: {  	[smem:$0x3FAA] =	sst s0  }
0x9: {  	[smem:$0x3FAB] =	sst s1  }
0xa: {  	[smem:$0x3FAC] =	sst s2  }
0xb: {  	[smem:$0x3FAD] =	sst s3  }
0xc: {  	[smem:$0x3FAE] =	sst s4  }
0xd: {  	[smem:$0x3FAF] =	sst s5  }
0xe: {  	[smem:$0x3FB0] =	sst s6  }
0xf: {  	[smem:$0x3FB1] =	sst s7  }
0x10: {  	[smem:$0x3FB2] =	sst s8  }
0x11: {  	[smem:$0x3FB3] =	sst s9;
	s0 =	simm.s32 @!p0 $0x0  }
0x12: {  	s1 =	sld [smem:$0x3F99];
	s0 =	simm.s32 @p0 $0x1  }
0x13: {  	[smem:$0x3FB4] =	sst s0;
	s0 =	simm.s32 @!p1 $0x0  }
0x14: {  	s2 =	sld [smem:$0x3F98];
	s0 =	simm.s32 @p1 $0x1  }
0x15: {  	[smem:$0x3FB5] =	sst s0;
	s0 =	simm.s32 @!p2 $0x0  }
0x16: {  	s3 =	sld [smem:$0x3FDB];
	s0 =	simm.s32 @p2 $0x1  }
0x17: {  	s4 =	simm.s32 $0x1BF5;
	[smem:$0x3FB7] =	sst s0  }
0x18: {  	s0 =	sld [smem:$0x3F9A];
	_ =	swait.ge [sflag:s4], $0x0  }
0x19: {  	s7 =	sld [smem:$0x3F9B]  }
0x1a: {  	s8 =	sadd.s32 $0xFFFFE003, lr  }
0x1b: {  	s9 =	sadd.s32 $0xFFFFFEF7, lr;
	s5 =	simm.s32 $0xFFFFFFFF;
	p2 =	slt.u32 s8, $0xFFFFF086  }
0x1c: {  	p1 =	slt.u32 s9, $0xF7A;
	s5 =	simm.s32 @!p2 $0x0  }
0x1d: {  	s5 =	simm.s32 @p1 $0x1;
	p0 =	seq.s32 s7, s2  }
0x1e: {  	s7 =	smul.u32 @!p0 $0xF7A, s2;
	p2 =	seq.s32 @!p0 s5, $0x0  }
0x1f: {  	s9 =	smul.u32 $0xF7A, s1;
	s8 =	simm.s32 @!p0 $0x1BF5;
	p2 =	por !p2, p0  }
0x20: {  	[sflag:s8] =	ssyncset.s32 @!p0 $0xFFFFF086;
	s6 =	sadd.s32 @!p0 s3, s7;
	s7 =	simm.s32 @!p0 $0x108  }
0x21: {  	s3 =	sadd.s32 s3, s9;
	s6 =	sadd.s32 @!p0 $0x88, s6;
	s7 =	simm.s32 @p2 $0x1082  }
0x22: {  	[simem:s7], [sflag:s8] =	dma.local @!p0 [hbm:s6], $0xF7A  }
0x23: {  	s9 =	sor.u32 $0xD0000000, s2;
	s6 =	simm.s32 $0x108;
	_ =	swait.ge @!p0 [sflag:s8], $0x0  }
0x24: {  	s3 =	sadd.s32 $0x88, s3;
	s6 =	simm.s32 @!p1 $0x1082;
	[sflag:s4] =	ssyncset.s32 $0xFFFFF086  }
0x25: {  	[simem:s6], [sflag:s4] =	dma.local [hbm:s3], $0xF7A  }
0x26: {  	[smem:$0x3F9B] =	sst s1;
	(tag) =	ssettag s2;
	_ =	strace s9  }
0x27: {  	s1 =	sld [smem:$0x3FAB]  }
0x28: {  	s2 =	sld [smem:$0x3FAC]  }
0x29: {  	s4 =	sld [smem:$0x3FAE]  }
0x2a: {  	p0 =	seq.s32 s5, $0x0;
	s5 =	sld [smem:$0x3FAF]  }
0x2b: {  	s6 =	sld [smem:$0x3FB0]  }
0x2c: {  	s7 =	sld [smem:$0x3FB1]  }
0x2d: {  	s3 =	simm.s32 $0x108;
	s8 =	sld [smem:$0x3FB2]  }
0x2e: {  	s3 =	simm.s32 @!p0 $0x1082;
	s9 =	sld [smem:$0x3FB3]  }
0x2f: {  	lr =	sadd.s32 s0, s3;
	s0 =	sld [smem:$0x3FAA]  }
0x30: {  	s3 =	sld [smem:$0x3FAD]  }
0x31: {  	[smem:$0x3FB6] =	sst s10  }
0x32: {  	s10 =	sld [smem:$0x3FB4];
	_ =	sdelay $0x3  }
0x33: {  	p0 =	seq.s32 s10, $0x1;
	s10 =	sld [smem:$0x3FB6];
	_ =	sdelay $0x3  }
0x34: {  	[smem:$0x3FB6] =	sst s10  }
0x35: {  	s10 =	sld [smem:$0x3FB5];
	_ =	sdelay $0x3  }
0x36: {  	p1 =	seq.s32 s10, $0x1;
	s10 =	sld [smem:$0x3FB6];
	_ =	sdelay $0x3  }
0x37: {  	[smem:$0x3FB6] =	sst s10  }
0x38: {  	s10 =	sld [smem:$0x3FB7]  }
0x39: {  	_ = 	snop;
	(pc) =	sbr.ind lr, $3  }
0x3a: {  	_ = 	snop  }
0x3b: {  	_ = 	snop  }
0x3c: {  	p2 =	seq.s32 s10, $0x1;
	s10 =	sld [smem:$0x3FB6]  }
0x3d: {  	_ =	shalt  }
0x3e: {  	_ =	shalt  }
0x3f: {  	_ =	shalt  }
0x40: {  	_ =	shalt  }
0x41: {  	_ =	shalt  }
0x42: {  	_ =	shalt  }
0x43: {  	_ =	shalt  }
0x44: {  	_ =	shalt  }
0x45: {  	_ =	shalt  }
0x46: {  	_ =	shalt  }
0x47: {  	_ =	shalt  }
0x48: {  	_ =	shalt  }
0x49: {  	_ =	shalt  }
0x4a: {  	_ =	shalt  }
0x4b: {  	_ =	shalt  }
0x4c: {  	_ =	shalt  }
0x4d: {  	_ =	shalt  }
0x4e: {  	_ =	shalt  }
0x4f: {  	_ =	shalt  }
0x50: {  	_ =	shalt  }
0x51: {  	_ =	shalt  }
0x52: {  	_ =	shalt  }
0x53: {  	_ =	shalt  }
0x54: {  	_ =	shalt  }
0x55: {  	_ =	shalt  }
0x56: {  	_ =	shalt  }
0x57: {  	_ =	shalt  }
0x58: {  	_ =	shalt  }
0x59: {  	_ =	shalt  }
0x5a: {  	_ =	shalt  }
0x5b: {  	_ =	shalt  }
0x5c: {  	_ =	shalt  }
0x5d: {  	_ =	shalt  }
0x5e: {  	_ =	shalt  }
0x5f: {  	_ =	shalt  }
0x60: {  	_ =	shalt  }
0x61: {  	_ =	shalt  }
0x62: {  	_ =	shalt  }
0x63: {  	_ =	shalt  }
0x64: {  	_ =	shalt  }
0x65: {  	_ =	shalt  }
0x66: {  	_ =	shalt  }
0x67: {  	_ =	shalt  }
0x68: {  	_ =	shalt  }
0x69: {  	_ =	shalt  }
0x6a: {  	_ =	shalt  }
0x6b: {  	_ =	shalt  }
0x6c: {  	_ =	shalt  }
0x6d: {  	_ =	shalt  }
0x6e: {  	_ =	shalt  }
0x6f: {  	_ =	shalt  }
0x70: {  	_ =	shalt  }
0x71: {  	_ =	shalt  }
0x72: {  	_ =	shalt  }
0x73: {  	_ =	shalt  }
0x74: {  	_ =	shalt  }
0x75: {  	_ =	shalt  }
0x76: {  	_ =	shalt  }
0x77: {  	_ =	shalt  }
0x78: {  	_ =	shalt  }
0x79: {  	_ =	shalt  }
0x7a: {  	_ =	shalt  }
0x7b: {  	_ =	shalt  }
0x7c: {  	_ =	shalt  }
0x7d: {  	_ =	shalt  }
0x7e: {  	_ =	shalt  }
0x7f: {  	_ =	shalt  }
0x80: {  	_ =	shalt  }
0x81: {  	_ =	shalt  }
0x82: {  	_ =	shalt  }
0x83: {  	_ =	shalt  }
0x84: {  	_ =	shalt  }
0x85: {  	_ =	shalt  }
0x86: {  	_ =	shalt  }
0x87: {  	_ =	shalt  }
.Lfunc_end0:
.L_simem_size_0:
called_computation_lowered:
.L_overlay_start_0:
0x88: {  	s2 =	sld [smem:$0x3FD9]  }
0x89: {  	s3 =	sld [smem:$0x3FFE];
	_ =	sdelay $0x1  }
0x8a: {  	s1 =	srdreg.scid  }
0x8b: {  	s0 =	sand.u32 $0x1, s1  }
0x8c: {  	s17 =	sshll.u32 s0, $0xA;
	s2 =	sadd.s32 s3, s2  }
0x8d: {  	s2 =	sadd.s32 s2, s17  }
0x8e: {  	[smem:$0x3FC2] =	sst s2  }
0x8f: {  	_ = 	snop  }
0x90: {  	s2 =	sld [smem:$0x3FD0];
	(tm) =	ssettm $0x1  }
0x91: {  	s18 =	sld [smem:$0x3FFB];
	_ =	sdelay $0x3  }
0x92: {  	_ =	strace s18  }
0x93: {  	s3 =	sld [smem:$0x3FFC];
	_ =	sdelay $0x3  }
0x94: {  	_ =	strace s3  }
0x95: {  	s3 =	sld [smem:$0x3FFD];
	_ =	sdelay $0x3  }
0x96: {  	_ =	strace s3  }
0x97: {  	_ =	strace $0x8FFFFFFF  }
0x98: {  	s19 =	sld [smem:$0x3FDB];
	_ =	sdelay $0x1  }
0x99: {  	s4 =	simm.s32 $_scs_section_size  }
0x9a: {  	s5 =	simm.s32 $_size__tile_overlayer_lowered;
	s6 =	simm.s32 $_tile_overlayer_lowered  }
0x9b: {  	s22 =	simm.s32 $0x1BFF;
	s21 =	sshll.u32 s6, $0x1;
	s3 =	sadd.s32 s4, s19  }
0x9c: {  	s7 =	simm.s32 $0x0;
	s20 =	sshll.u32 s5, $0x1;
	s5 =	sadd.s32 s21, s3  }
0x9d: {  	[timem:s7], [sflag:s22] =	dma.local [hbm:s5], s20  }
0x9e: {  	_ =	swait.ge [sflag:s22], s20  }
0x9f: {  	s4 =	ssub.s32 $0x0, s20;
	[sflag:s22] =	ssyncset.done $0x0  }
0xa0: {  	[sflag:s22] =	ssyncadd.s32 s4;
	_ =	sdelay $0x1  }
0xa1: {  	s23 =	simm.s32 $0x1B8B  }
0xa2: {  	_ =	swait.ge [sflag:s23], $0x1  }
0xa3: {  	[sflag:s23] =	ssyncset.done $0x0  }
0xa4: {  	s25 =	simm.s32 $0x1B8E;
	s24 =	sld [smem:$0x3FFE];
	[sflag:s23] =	ssyncadd.s32 $0xFFFFFFFF  }
0xa5: {  	s26 =	simm.s32 $execute0_lowered;
	[smem:$0x3FD2] =	sst s25  }
0xa6: {  	s5 =	sshll.u32 s26, $0x1;
	_ =	strace $0x80000046;
	[dreg:$0x1] =	wrdreg $0xFFFFFFFF  }
0xa7: {  	s28 =	simm.s32 $_size_execute0_lowered;
	s3 =	sadd.s32 s3, s5;
	[dreg:$0x0] =	wrdreg $0x0  }
0xa8: {  	s5 =	sshll.u32 s28, $0x1;
	[dreg:$0x2] =	wrdreg s3  }
0xa9: {  	[dreg:$0x3] =	wrdreg s5  }
0xaa: {  	[dreg:$0x4] =	wrdreg $0xC0  }
0xab: {  	_ =	task [dreg:s7], $0x5FFFF  }
0xac: {  	[dreg:$0x1] =	wrdreg $0xFFFFFFFF  }
0xad: {  	[dreg:$0x0] =	wrdreg $0x60  }
0xae: {  	[dreg:$0x2] =	wrdreg s24  }
0xaf: {  	[dreg:$0x3] =	wrdreg s2  }
0xb0: {  	[dreg:$0x4] =	wrdreg $0x28800  }
0xb1: {  	[dreg:$0x5] =	wrdreg $0x9  }
0xb2: {  	_ =	task.clear_ibuf [dreg:s7], $0x6FFFF;
	_ =	strace $0x90000046  }
0xb3: {  	s29 =	simm.s32 $0x9;
	_ =	strace $0x80000048  }
0xb4: {  	_ =	swait.ge [sflag:s29], $0x1  }
0xb5: {  	[sflag:s29] =	ssyncadd.s32 $0xFFFFFFFF  }
0xb6: {  	_ =	strace $0x90000048  }
0xb7: {  	_ =	sfence  }
0xb8: {  	s30 =	sld [smem:$0x0];
	_ =	sdelay $0x2  }
0xb9: {  	s31 =	sshll.u32 s1, $0xD;
	s1 =	sshrl.u32 s1, $0x2  }
0xba: {  	s3 =	sand.u32 $0x4000, s31;
	s1 =	sadd.s32 s1, s30  }
0xbb: {  	s0 =	sor.u32 s3, s0;
	s1 =	sshll.u32 s1, $0x11  }
0xbc: {  	s0 =	sor.u32 s1, s0  }
0xbd: {  	s0 =	sadd.s32 $0x8F2B, s0  }
0xbe: {  	[sflag:s0] =	ssyncadd.remote.s32 $0x1  }
0xbf: {  	_ =	sfence.sel $0xFFFF  }
0xc0: {  	[dreg:$0x0] =	wrdreg $0xFFFFFFFF;
	(pc) =	sbr.abs _section_cstart, $3  }
0xc1: {  	[dreg:$0x1] =	wrdreg $0xFFFFFFFF  }
0xc2: {  	_ =	task.clear_ibuf [dreg:s7], $0x2FFFF;
	_ =	strace $0x9FFFFFFF  }
0xc3: {  	(tm) =	ssettm $0x7FFFFFFF  }
tec
execute0_lowered:
.L_overlay_start_1:
0x0: {  	(tag) =	ssettag $0x1  }
0x1: {  	s5 =	rddreg [dreg:$0x0]  }
0x2: {  	s0 =	srdreg.scid;
	s2 =	rddreg [dreg:$0x1]  }
0x3: {  	s3 =	rddreg [dreg:$0x2];
	s6 =	sand.u32 $0x1, s0  }
0x4: {  	s0 =	stileid.u32;
	s4 =	smul.u32 $0x7D00, s6  }
0x5: {  	s1 =	rddreg [dreg:$0x3];
	s7 =	smul.u32 $0x7D0, s0  }
0x6: {  	s12 =	simm.s32 $0x800;
	s13 =	simm.s32 $0x7D0;
	s8 =	smul.u32 $0x1880, s0  }
0x7: {  	s14 =	simm.s32 $0x0;
	s9 =	smul.u32 $0x18800, s6;
	s6 =	ssub.s32 $0x2, s6  }
0x8: {  	s11 =	sshrl.u32 s6, $0x1;
	s7 =	sadd.s32 s7, s4;
	s4 =	simm.s32 $0x0  }
0x9: {  	s31 =	sshrl.u32 s8, $0x3;
	s9 =	sadd.s32 s8, s9;
	s11 =	ssub.s32 s6, s11  }
0xa: {  	s6 =	sadd.s32 s8, s3;
	s7 =	sadd.s32 $0x186A00, s7;
	[smem:$0x7FF] =	sst s4  }
0xb: {  	s9 =	sshrl.u32 s9, $0x3;
	s8 =	smax.u32 s11, $0x1;
	s7 =	sshrl.u32 s7, $0x3  }
0xc: {  	s11 =	simm.s32 $0x1;
	s10 =	sadd.s32 s7, s5;
	s7 =	sadd.s32 s31, s5  }
0xd: {  	_ =	strace $0x80000047;
	s9 =	sadd.s32 s9, s5;
	s5 =	sadd.s32 $0x64600, s7  }
0xe: {  	s7 =	sadd.s32 $0x67800, s9;
	s9 =	sadd.s32 $0x2A00, s10;
	s10 =	simm.s32 $0x1000  }
.LBB2_1:
0xf: {  	[tilespmem:s10], [sflag:$0x1] =	stream.linear.gather [hbm4b:s5+s4], $0x1880, $0x38;
	[tilespmem:$0x4100] =	vst v63  }
0x10: {  	_ =	swait.ge [sflag:s11], $0x1880  }
0x11: {  	[sflag:s11] =	ssyncset.done $0x0  }
0x12: {  	[sflag:s11] =	ssyncadd.s32 $0xFFFFE780  }
0x13: {  	[spmem:s6] =	stream.linear.scatter [tilespmem:s10], [sflag:$0x1], $0x1880, $0x38;
	[tilespmem:$0x4100] =	vst v63  }
0x14: {  	_ =	swait.ge [sflag:s11], $0x1880  }
0x15: {  	[sflag:s11] =	ssyncset.done $0x0  }
0x16: {  	[sflag:s11] =	ssyncadd.s32 $0xFFFFE780  }
0x17: {  	[tilespmem:s12], [sflag:$0x1] =	stream.linear.gather [hbm4b:s2+s4], $0x800, $0x38;
	[tilespmem:$0x4100] =	vst v63  }
0x18: {  	_ =	swait.ge [sflag:s11], $0x800  }
0x19: {  	[sflag:s11] =	ssyncset.done $0x0  }
0x1a: {  	[sflag:s11] =	ssyncadd.s32 $0xFFFFF800  }
0x1b: {  	s15 =	sadd.s32 $0x0, s9;
	[bflag:$0x0] =	sbarrier.arrive $0xFFFF  }
0x1c: {  	[tilespmem:s4], [sflag:$0x1] =	stream.linear.gather [hbm4b:s15+s4], $0x7D0, $0x38;
	[tilespmem:$0x4100] =	vst v63  }
0x1d: {  	_ =	swait.ge [sflag:s11], $0x7D0  }
0x1e: {  	[sflag:s11] =	ssyncset.done $0x0  }
0x1f: {  	[sflag:s11] =	ssyncadd.s32 $0xFFFFF830  }
0x20: {  	[spmem:s3] =	stream.indirect.scatter.add.f32 [tilespmem:s12], [sflag:$0x1], $0x1, s4, s13, $0xb8;
	[tilespmem:$0x4100] =	vst v63  }
0x21: {  	_ =	swait.ge [sflag:s11], $0x7D0  }
0x22: {  	s16 =	simm.s32 $0x3E80;
	s15 =	simm.s32 $0x1F40;
	[sflag:s11] =	ssyncset.done $0x0  }
.LBB2_2:
0x23: {  	s17 =	sadd.s32 s15, s9  }
0x24: {  	[sflag:s11] =	ssyncadd.s32 $0xFFFFF830;
	s15 =	smov.u32 s16;
	s18 =	sadd.s32 $0x1F40, s16  }
0x25: {  	[tilespmem:s4], [sflag:$0x1] =	stream.linear.gather [hbm4b:s17+s4], $0x7D0, $0x38;
	[tilespmem:$0x4100] =	vst v63  }
0x26: {  	p0 =	sne.s32 s16, $0x2EE00;
	_ =	swait.ge [sflag:s11], $0x7D0  }
.Ltmp0:
0x27: {  	[sflag:s11] =	ssyncset.done $0x0;
	(pc) =	sbr.rel @p0 .LBB2_2-.Ltmp0, $4  }
0x28: {  	[sflag:s11] =	ssyncadd.s32 $0xFFFFF830  }
0x29: {  	[spmem:s3] =	stream.indirect.scatter.add.f32 [tilespmem:s12], [sflag:$0x1], $0x1, s4, s13, $0xb8;
	[tilespmem:$0x4100] =	vst v63  }
0x2a: {  	_ =	swait.ge [sflag:s11], $0x7D0  }
0x2b: {  	s16 =	smov.u32 s18;
	[sflag:s11] =	ssyncset.done $0x0  }
0x2c: {  	s15 =	sadd.s32 s15, s9;
	[sflag:s11] =	ssyncadd.s32 $0xFFFFF830  }
0x2d: {  	[tilespmem:s4], [sflag:$0x1] =	stream.linear.gather [hbm4b:s15+s4], $0x7D0, $0x38;
	[tilespmem:$0x4100] =	vst v63  }
0x2e: {  	_ =	swait.ge [sflag:s11], $0x7D0  }
0x2f: {  	[sflag:s11] =	ssyncset.done $0x0  }
0x30: {  	[sflag:s11] =	ssyncadd.s32 $0xFFFFF830  }
0x31: {  	[spmem:s3] =	stream.indirect.scatter.add.f32 [tilespmem:s12], [sflag:$0x1], $0x1, s4, s13, $0xb8;
	[tilespmem:$0x4100] =	vst v63  }
0x32: {  	_ =	swait.ge [sflag:s11], $0x7D0  }
0x33: {  	[sflag:s11] =	ssyncset.done $0x0  }
0x34: {  	[sflag:s11] =	ssyncadd.s32 $0xFFFFF830  }
0x35: {  	[bflag:$0x0] =	sbarrier.arrive $0xFFFF  }
0x36: {  	[tilespmem:s10], [sflag:$0x1] =	stream.linear.gather [spmem:s6], $0x1880, $0x38;
	[tilespmem:$0x4100] =	vst v63  }
0x37: {  	s14 =	sadd.s32 $0x1, s14;
	_ =	swait.ge [sflag:s11], $0x1880  }
0x38: {  	p0 =	sne.s32 s14, s8;
	[sflag:s11] =	ssyncset.done $0x0  }
.Ltmp1:
0x39: {  	[sflag:s11] =	ssyncadd.s32 $0xFFFFE780;
	(pc) =	sbr.rel @p0 .LBB2_1-.Ltmp1, $4  }
0x3a: {  	[hbm4b:s7+s4] =	stream.linear.scatter [tilespmem:s10], [sflag:$0x1], $0x1880, $0x38;
	[tilespmem:$0x4100] =	vst v63  }
0x3b: {  	_ =	swait.ge [sflag:s11], $0x1880  }
0x3c: {  	[sflag:s11] =	ssyncset.done $0x0  }
0x3d: {  	[sflag:s11] =	ssyncadd.s32 $0xFFFFE780  }
0x3e: {  	_ =	sfence.sel $0x180000  }
0x3f: {  	[bflag:$0x0] =	sbarrier.arrive $0xFFFF  }
0x40: {  	p0 =	sne.s32 s0, $0x0;
	_ =	strace $0x90000047  }
0x41: {  	s0 =	sadd.s32 @!p0 $0x100000, s1;
	[bflag:$0x2] =	sbarrier.arrive $0xFFFF  }
0x42: {  	[sflag:s0] =	ssyncadd.tile.s32 @!p0 $0x1;
	_ =	shalt  }
.Lfunc_end2:
_tile_overlayer_lowered:
.L_overlay_start_2:
0x43: {  	(tag) =	ssettag $0x2  }
0x44: {  	s0 =	rddreg [dreg:$0x0];
	s2 =	stileid.u32  }
0x45: {  	s1 =	rddreg [dreg:$0x1];
	p0 =	sne.s32 s2, $0x0  }
0x46: {  	s3 =	rddreg [dreg:$0x2];
	[bflag:$0x3] =	sbarrier.arrive $0xFFFF;
	s2 =	simm.s32 @!p0 $0x1C01  }
0x47: {  	[timem:s3], [sflag:s2] =	dma.local @!p0 [hbm:s0], s1  }
0x48: {  	s0 =	simm.s32 @!p0 $0x1  }
0x49: {  	_ =	swait.ge @!p0 [sflag:s0], s1  }
0x4a: {  	s1 =	ssub.s32 @!p0 $0x0, s1;
	[sflag:s0] =	ssyncset.done @!p0 $0x0  }
0x4b: {  	[sflag:s0] =	ssyncadd.s32 @!p0 s1  }
0x4c: {  	[bflag:$0x3] =	sbarrier.arrive $0xFFFF  }
0x4d: {  	_ =	shalt  }

</sc_bundles>
